<compile_context>
chip_gen: v7x
topology: tpu7x:2x2x1
jax: 0.10.2.dev20260603
libtpu: 0.0.44.dev20260713+nightly
codegen_flags: <defaults>
</compile_context>

<pallas_src>
import functools

import jax
import jax.numpy as jnp
from jax import lax
from jax.experimental import pallas as pl
from jax.experimental.pallas import tpu as pltpu
from jax.experimental.pallas import tpu_sc as plsc

N = 10000
E = 160000
H = 256
G = 64
HALF = 128
NC = 2
NS = 16
EPT = E // NS
CH = 80
NCH = EPT // CH
CHP = 80
EPTP = EPT
NCHP = EPTP // CHP
RPT = 624
TAIL = N - NS * RPT
NBUF = 2
BN = 1000
NB = N // BN

def _sc_degree_body(dst_hbm, ones_hbm, zeros_hbm, deg_hbm, dst_v, ones_v, deg_sh):
    c = lax.axis_index("c")
    s = lax.axis_index("s")
    pltpu.sync_copy(zeros_hbm, deg_sh.at[pl.ds(s * RPT, RPT)])

    @pl.when(s == 0)
    def _():
        pltpu.sync_copy(
            zeros_hbm.at[pl.ds(0, TAIL)], deg_sh.at[pl.ds(NS * RPT, TAIL)]
        )

    pltpu.sync_copy(dst_hbm.at[s], dst_v)
    pltpu.sync_copy(ones_hbm, ones_v)
    plsc.subcore_barrier()

    @pl.loop(0, NCH // 2)
    def _(j):
        pltpu.sync_copy(ones_v, deg_sh.at[dst_v.at[2 * j + c]], add=True)

    @pl.when(c == 0)
    def _():
        pltpu.sync_copy(ones_v, deg_sh.at[dst_v.at[NCH - 1]], add=True)

    plsc.subcore_barrier()
    pltpu.sync_copy(
        deg_sh.at[pl.ds(s * RPT, RPT)],
        deg_hbm.at[pl.ds(c * N + s * RPT, RPT)],
    )

    @pl.when(s == 0)
    def _():
        pltpu.sync_copy(
            deg_sh.at[pl.ds(NS * RPT, TAIL)],
            deg_hbm.at[pl.ds(c * N + NS * RPT, TAIL)],
        )


def _sc_agg_body(hflat_hbm, src2_hbm, dst_hbm, zeros_hbm, agg_hbm,
                 src_v, dst_v, rows_0, rows_1, acc_sh, sem_0, sem_1):
    c = lax.axis_index("c")
    s = lax.axis_index("s")
    rows = (rows_0, rows_1)
    sems = (sem_0, sem_1)
    pltpu.sync_copy(zeros_hbm, acc_sh.at[pl.ds(s * RPT, RPT)])

    @pl.when(s == 0)
    def _():
        pltpu.sync_copy(
            zeros_hbm.at[pl.ds(0, TAIL)], acc_sh.at[pl.ds(NS * RPT, TAIL)]
        )

    pltpu.sync_copy(src2_hbm.at[c * NS + s], src_v)
    pltpu.sync_copy(dst_hbm.at[s], dst_v)
    plsc.subcore_barrier()

    for b in range(NBUF):
        pltpu.async_copy(
            hflat_hbm.at[src_v.at[pl.ds(b * CHP, CHP)]], rows[b], sems[b]
        )

    @pl.loop(0, NCHP // NBUF)
    def _(j):
        for b in range(NBUF):
            k = NBUF * j + b
            pltpu.make_async_copy(
                hflat_hbm.at[src_v.at[pl.ds(k * CHP, CHP)]], rows[b], sems[b]
            ).wait()
            pltpu.sync_copy(rows[b], acc_sh.at[dst_v.at[k]], add=True)

            @pl.when(k + NBUF < NCHP)
            def _(b=b, k=k):
                pltpu.async_copy(
                    hflat_hbm.at[src_v.at[pl.ds((k + NBUF) * CHP, CHP)]],
                    rows[b], sems[b],
                )

    pltpu.make_async_copy(
        hflat_hbm.at[src_v.at[pl.ds((NCHP - 1) * CHP, CHP)]], rows[0], sems[0]
    ).wait()
    pltpu.sync_copy(rows[0], acc_sh.at[dst_v.at[NCHP - 1]], add=True)

    plsc.subcore_barrier()
    pltpu.sync_copy(
        acc_sh.at[pl.ds(s * RPT, RPT)],
        agg_hbm.at[pl.ds(c * N + s * RPT, RPT)],
    )

    @pl.when(s == 0)
    def _():
        pltpu.sync_copy(
            acc_sh.at[pl.ds(NS * RPT, TAIL)],
            agg_hbm.at[pl.ds(c * N + NS * RPT, TAIL)],
        )


@functools.cache
def _build_sc_kernels():
    mesh = plsc.VectorSubcoreMesh(
        core_axis_name="c", subcore_axis_name="s", num_cores=NC, num_subcores=NS
    )
    sc_degree = pl.kernel(
        _sc_degree_body,
        out_type=jax.ShapeDtypeStruct((NC * N, HALF), jnp.float32),
        mesh=mesh,
        scratch_types=[
            pltpu.VMEM((NCH, CH), jnp.int32),
            pltpu.VMEM((CH, HALF), jnp.float32),
            pltpu.VMEM_SHARED((N, HALF), jnp.float32),
        ],
    )
    sc_agg = pl.kernel(
        _sc_agg_body,
        out_type=jax.ShapeDtypeStruct((NC * N, HALF), jnp.float32),
        mesh=mesh,
        scratch_types=(
            [pltpu.VMEM((EPTP,), jnp.int32)]
            + [pltpu.VMEM((NCHP, CHP), jnp.int32)]
            + [pltpu.VMEM((CHP, HALF), jnp.float32)] * NBUF
            + [pltpu.VMEM_SHARED((N, HALF), jnp.float32)]
            + [pltpu.SemaphoreType.DMA] * NBUF
        ),
    )
    return sc_degree, sc_agg


def _dense_block(a0, a1, dg0, dg1, h0, h1, Wl, bl, Wr):
    deg = jnp.maximum(dg0[0][:, 0:1] + dg1[0][:, 0:1], 1.0)
    inv = 1.0 / deg
    return (
        jnp.dot(a0[...] * inv, Wl[0:HALF, :], preferred_element_type=jnp.float32)
        + jnp.dot(a1[...] * inv, Wl[HALF:H, :], preferred_element_type=jnp.float32)
        + jnp.dot(h0[...], Wr[0:HALF, :], preferred_element_type=jnp.float32)
        + jnp.dot(h1[...], Wr[HALF:H, :], preferred_element_type=jnp.float32)
        + bl[...]
    )


def _mm_relu_body(a0, a1, dg0, dg1, h0, h1, Wl, bl, Wr, out):
    acc = jnp.maximum(_dense_block(a0, a1, dg0, dg1, h0, h1, Wl, bl, Wr), 0.0)
    out[0] = acc[:, 0:HALF]
    out[1] = acc[:, HALF:H]


def _mm_pool_head_body(a0, a1, dg0, dg1, h0, h1, Wl, bl, Wr, batch, hW, hb,
                       out, pooled_acc, cnt_acc):
    b = pl.program_id(0)
    acc = _dense_block(a0, a1, dg0, dg1, h0, h1, Wl, bl, Wr)
    onehot = (
        batch[...] == lax.broadcasted_iota(jnp.int32, (BN, G), 1)
    ).astype(jnp.float32)

    @pl.when(b == 0)
    def _():
        pooled_acc[...] = jnp.zeros_like(pooled_acc)
        cnt_acc[...] = jnp.zeros_like(cnt_acc)

    pooled_acc[...] += lax.dot_general(
        onehot, acc, (((0,), (0,)), ((), ())),
        preferred_element_type=jnp.float32,
    )
    cnt_acc[...] += lax.dot_general(
        onehot, jnp.ones((BN, HALF), jnp.float32), (((0,), (0,)), ((), ())),
        preferred_element_type=jnp.float32,
    )

    @pl.when(b == NB - 1)
    def _():
        cnt = jnp.maximum(cnt_acc[:, 0:1], 1.0)
        pooled = pooled_acc[...] / cnt
        out[...] = (
            jnp.dot(pooled, hW[...], preferred_element_type=jnp.float32) + hb[...]
        )


def _row_spec(off):
    return pl.BlockSpec((BN, HALF), lambda b, off=off: (b + off, 0))


_common_in_specs = [
    _row_spec(0),
    _row_spec(NB),
    pl.BlockSpec((1, BN, HALF), lambda b: (0, b, 0)),
    pl.BlockSpec((1, BN, HALF), lambda b: (1, b, 0)),
    _row_spec(0),
    _row_spec(NB),
    pl.BlockSpec((H, H), lambda b: (0, 0)),
    pl.BlockSpec((1, H), lambda b: (0, 0)),
    pl.BlockSpec((H, H), lambda b: (0, 0)),
]

_mm_relu = pl.pallas_call(
    _mm_relu_body,
    grid=(NB,),
    in_specs=_common_in_specs,
    out_specs=pl.BlockSpec((2, BN, HALF), lambda b: (0, b, 0)),
    out_shape=jax.ShapeDtypeStruct((2, N, HALF), jnp.float32),
)

_mm_pool_head = pl.pallas_call(
    _mm_pool_head_body,
    grid=(NB,),
    in_specs=_common_in_specs + [
        pl.BlockSpec((BN, 1), lambda b: (b, 0)),
        pl.BlockSpec((H, HALF), lambda b: (0, 0)),
        pl.BlockSpec((1, HALF), lambda b: (0, 0)),
    ],
    out_specs=pl.BlockSpec((G, HALF), lambda b: (0, 0)),
    out_shape=jax.ShapeDtypeStruct((G, HALF), jnp.float32),
    scratch_shapes=[
        pltpu.VMEM((G, H), jnp.float32),
        pltpu.VMEM((G, HALF), jnp.float32),
    ],
)


def kernel(x, edge_index, batch, Wl0, bl0, Wr0, Wl1, bl1, Wr1, Wl2, bl2, Wr2,
           Wl3, bl3, Wr3, head_W, head_b):
    _sc_degree, _sc_agg = _build_sc_kernels()
    src = edge_index[0].astype(jnp.int32)
    dst = edge_index[1].astype(jnp.int32)
    src_rs = src.reshape(NS, EPT)
    src2 = jnp.concatenate([src_rs, src_rs + N], axis=0)
    dst_agg = dst.reshape(NS, NCHP, CHP)
    dst_rs = dst.reshape(NS, NCH, CH)

    ones_rows = jnp.ones((CH, HALF), jnp.float32)
    zeros_half = jnp.zeros((RPT, HALF), jnp.float32)

    deg2 = _sc_degree(dst_rs, ones_rows, zeros_half).reshape(NC, N, HALF)

    hflat = jnp.concatenate([x[:, 0:HALF], x[:, HALF:H]], axis=0)

    batch2d = batch.astype(jnp.int32).reshape(N, 1)
    hW_pad = jnp.pad(head_W, ((0, 0), (0, HALF - 1)))
    hb_pad = jnp.pad(head_b.reshape(1, 1), ((0, 0), (0, HALF - 1)))

    layers = ((Wl0, bl0, Wr0), (Wl1, bl1, Wr1), (Wl2, bl2, Wr2))
    for Wl, bl, Wr in layers:
        agg = _sc_agg(hflat, src2, dst_agg, zeros_half)
        hflat = _mm_relu(agg, agg, deg2, deg2, hflat, hflat,
                         Wl, bl.reshape(1, H), Wr).reshape(NC * N, HALF)

    agg = _sc_agg(hflat, src2, dst_agg, zeros_half)
    out = _mm_pool_head(agg, agg, deg2, deg2, hflat, hflat,
                        Wl3, bl3.reshape(1, H), Wr3, batch2d, hW_pad, hb_pad)
    return out[:, 0:1]

# --- scband reference (transcript-rebuilt; emitter-appended) ---
"""Pipeline reference for scband-graph-sagemodel-48808008352218 (READ-ONLY COPY).

The authoritative reference and input builder live on the scoring server;
editing this copy changes nothing except your own understanding.
"""

import jax, jax.numpy as jnp
import numpy as np

N = 10000
E = 160000
D = 256
H = 256
G = 64


def setup_inputs(seed: int = 0):
    key = jax.random.key(seed)
    ks = jax.random.split(key, 20)
    x = jax.random.normal(ks[0], (N, D), dtype=jnp.float32)
    edge_index = jax.random.randint(ks[1], (2, E), 0, N)
    batch = jnp.sort(jax.random.randint(ks[2], (N,), 0, G))
    inp = {"x": x, "edge_index": edge_index, "batch": batch}
    dims = [D, H, H, H]
    for i in range(4):
        fi = dims[i]
        s = 1.0 / np.sqrt(fi)
        inp["Wl%d" % i] = jax.random.uniform(ks[3 + 3 * i], (fi, H), jnp.float32, -s, s)
        inp["bl%d" % i] = jnp.zeros((H,), jnp.float32)
        inp["Wr%d" % i] = jax.random.uniform(ks[4 + 3 * i], (fi, H), jnp.float32, -s, s)
    sh = 1.0 / np.sqrt(H)
    inp["head_W"] = jax.random.uniform(ks[16], (H, 1), jnp.float32, -sh, sh)
    inp["head_b"] = jnp.zeros((1,), jnp.float32)
    return inp


def reference(x, edge_index, batch, Wl0, bl0, Wr0, Wl1, bl1, Wr1, Wl2, bl2, Wr2, Wl3, bl3, Wr3, head_W, head_b):
    # GraphSAGE (PyG BasicGNN) with 4 SAGEConv layers (mean aggregation),
    # ReLU between layers (not after the last), dropout omitted (eval mode),
    # then global_mean_pool over graph ids, then Linear(H, 1).
    src = edge_index[0]
    dst = edge_index[1]
    n = x.shape[0]
    deg = jax.ops.segment_sum(jnp.ones((src.shape[0],), x.dtype), dst, num_segments=n)
    deg = jnp.clip(deg, 1.0)[:, None]
    params = [(Wl0, bl0, Wr0), (Wl1, bl1, Wr1), (Wl2, bl2, Wr2), (Wl3, bl3, Wr3)]
    h = x
    for i, (Wl, bl, Wr) in enumerate(params):
        # SAGEConv: out = lin_l(mean_{j in N(i)} x_j) + lin_r(x_i); lin_l has bias, lin_r has no bias
        msgs = h[src]
        agg = jax.ops.segment_sum(msgs, dst, num_segments=n) / deg
        h = agg @ Wl + bl + h @ Wr
        if i < 3:
            h = jax.nn.relu(h)
    # global_mean_pool
    sums = jax.ops.segment_sum(h, batch, num_segments=G)
    cnts = jnp.clip(jax.ops.segment_sum(jnp.ones((n,), h.dtype), batch, num_segments=G), 1.0)[:, None]
    pooled = sums / cnts
    return pooled @ head_W + head_b

if __name__ == "__main__":
    import jax
    _d = setup_inputs()
    print(jax.jit(kernel)(*tuple(_d.values())))

</pallas_src>

<mosaic_0001>
#map = affine_map<(d0, d1) -> (0, 0, 0)>
#map1 = affine_map<(d0, d1) -> (0, 0)>
module attributes {stable_mosaic.version = 14 : i64} {
  func.func @_sc_degree_body(%arg0: i32, %arg1: i32, %arg2: memref<16x125x80xi32, #tpu.memory_space<hbm>>, %arg3: memref<80x128xf32, #tpu.memory_space<hbm>>, %arg4: memref<624x128xf32, #tpu.memory_space<hbm>>, %arg5: memref<20000x128xf32, #tpu.memory_space<hbm>>, %arg6: memref<125x80xi32, #tpu.memory_space<vmem>>, %arg7: memref<80x128xf32, #tpu.memory_space<vmem>>, %arg8: memref<10000x128xf32, #tpu.memory_space<vmem_shared>>) attributes {dimension_semantics = [#tpu.dimension_semantics<core_parallel>, #tpu.dimension_semantics<subcore_parallel>], iteration_bounds = array<i64: 2, 16>, scalar_prefetch = 0 : i64, scratch_operands = 3 : i64, tpu.core_type = #tpu.core_type<sc_vector_subcore>, window_params = [{transform_indices = #map}, {transform_indices = #map1}, {transform_indices = #map1}, {transform_indices = #map1}]} {
    %mul3A = arith.constant 624 : i32
    %mul3A_0 = arith.muli %arg1, %mul3A : i32
    "tpu.region"() ({
      %run_scoped3A = tpu.sem_alloc : memref<!tpu.dma_semaphore, #tpu.memory_space<semaphore_mem>>
      %dma_start3A = arith.constant 0 : i32
      %dma_start3A_24 = tpu.memref_slice %arg8[%mul3A_0, %dma_start3A] : memref<10000x128xf32, #tpu.memory_space<vmem_shared>> -> memref<624x128xf32, #tpu.memory_space<vmem_shared>>
      tpu.enqueue_dma source(%arg4 : memref<624x128xf32, #tpu.memory_space<hbm>>) target(%dma_start3A_24 : memref<624x128xf32, #tpu.memory_space<vmem_shared>>) target_semaphore(%run_scoped3A : memref<!tpu.dma_semaphore, #tpu.memory_space<semaphore_mem>>)
      %dma_wait3A = arith.constant 0 : i32
      %dma_wait3A_25 = tpu.memref_slice %arg8[%mul3A_0, %dma_wait3A] : memref<10000x128xf32, #tpu.memory_space<vmem_shared>> -> memref<624x128xf32, #tpu.memory_space<vmem_shared>>
      tpu.wait_dma2 semaphore(%run_scoped3A : memref<!tpu.dma_semaphore, #tpu.memory_space<semaphore_mem>>) src(%arg4 : memref<624x128xf32, #tpu.memory_space<hbm>>) dst(%dma_wait3A_25 : memref<624x128xf32, #tpu.memory_space<vmem_shared>>)
      tpu.yield
    }) : () -> ()
    %eq3A = arith.constant 0 : i32
    %eq3A_1 = arith.cmpi eq, %arg1, %eq3A : i32
    %convert_element_type3A = arith.extui %eq3A_1 : i1 to i32
    %cond3A = arith.constant 0 : i32
    %cond3A_2 = arith.cmpi ne, %convert_element_type3A, %cond3A : i32
    scf.if %cond3A_2 {
      "tpu.region"() ({
        %run_scoped3A = tpu.sem_alloc : memref<!tpu.dma_semaphore, #tpu.memory_space<semaphore_mem>>
        %dma_start3A = arith.constant 9984 : i32
        %dma_start3A_24 = arith.constant 0 : i32
        %dma_start3A_25 = tpu.memref_slice %arg8[%dma_start3A, %dma_start3A_24] : memref<10000x128xf32, #tpu.memory_space<vmem_shared>> -> memref<16x128xf32, #tpu.memory_space<vmem_shared>>
        %dma_start3A_26 = arith.constant 0 : i32
        %dma_start3A_27 = arith.constant 0 : i32
        %dma_start3A_28 = tpu.memref_slice %arg4[%dma_start3A_26, %dma_start3A_27] : memref<624x128xf32, #tpu.memory_space<hbm>> -> memref<16x128xf32, #tpu.memory_space<hbm>>
        tpu.enqueue_dma source(%dma_start3A_28 : memref<16x128xf32, #tpu.memory_space<hbm>>) target(%dma_start3A_25 : memref<16x128xf32, #tpu.memory_space<vmem_shared>>) target_semaphore(%run_scoped3A : memref<!tpu.dma_semaphore, #tpu.memory_space<semaphore_mem>>)
        %dma_wait3A = arith.constant 9984 : i32
        %dma_wait3A_29 = arith.constant 0 : i32
        %dma_wait3A_30 = tpu.memref_slice %arg8[%dma_wait3A, %dma_wait3A_29] : memref<10000x128xf32, #tpu.memory_space<vmem_shared>> -> memref<16x128xf32, #tpu.memory_space<vmem_shared>>
        %dma_wait3A_31 = arith.constant 0 : i32
        %dma_wait3A_32 = arith.constant 0 : i32
        %dma_wait3A_33 = tpu.memref_slice %arg4[%dma_wait3A_31, %dma_wait3A_32] : memref<624x128xf32, #tpu.memory_space<hbm>> -> memref<16x128xf32, #tpu.memory_space<hbm>>
        tpu.wait_dma2 semaphore(%run_scoped3A : memref<!tpu.dma_semaphore, #tpu.memory_space<semaphore_mem>>) src(%dma_wait3A_33 : memref<16x128xf32, #tpu.memory_space<hbm>>) dst(%dma_wait3A_30 : memref<16x128xf32, #tpu.memory_space<vmem_shared>>)
        tpu.yield
      }) : () -> ()
    } else {
    }
    "tpu.region"() ({
      %run_scoped3A = tpu.sem_alloc : memref<!tpu.dma_semaphore, #tpu.memory_space<semaphore_mem>>
      %dma_start3A = arith.constant 0 : i32
      %dma_start3A_24 = arith.constant 0 : i32
      %dma_start3A_25 = tpu.memref_slice %arg2[%arg1, %dma_start3A, %dma_start3A_24] : memref<16x125x80xi32, #tpu.memory_space<hbm>> -> memref<1x125x80xi32, #tpu.memory_space<hbm>>
      %dma_start3A_26 = tpu.memref_squeeze %dma_start3A_25 : memref<1x125x80xi32, #tpu.memory_space<hbm>> -> memref<125x80xi32, #tpu.memory_space<hbm>>
      %dma_start3A_27 = arith.constant 0 : i32
      %dma_start3A_28 = arith.constant 0 : i32
      %dma_start3A_29 = tpu.memref_slice %arg2[%arg1, %dma_start3A_27, %dma_start3A_28] : memref<16x125x80xi32, #tpu.memory_space<hbm>> -> memref<1x125x80xi32, #tpu.memory_space<hbm>>
      %dma_start3A_30 = tpu.memref_squeeze %dma_start3A_29 : memref<1x125x80xi32, #tpu.memory_space<hbm>> -> memref<125x80xi32, #tpu.memory_space<hbm>>
      tpu.enqueue_dma source(%dma_start3A_30 : memref<125x80xi32, #tpu.memory_space<hbm>>) target(%arg6 : memref<125x80xi32, #tpu.memory_space<vmem>>) target_semaphore(%run_scoped3A : memref<!tpu.dma_semaphore, #tpu.memory_space<semaphore_mem>>)
      %dma_wait3A = arith.constant 0 : i32
      %dma_wait3A_31 = arith.constant 0 : i32
      %dma_wait3A_32 = tpu.memref_slice %arg2[%arg1, %dma_wait3A, %dma_wait3A_31] : memref<16x125x80xi32, #tpu.memory_space<hbm>> -> memref<1x125x80xi32, #tpu.memory_space<hbm>>
      %dma_wait3A_33 = tpu.memref_squeeze %dma_wait3A_32 : memref<1x125x80xi32, #tpu.memory_space<hbm>> -> memref<125x80xi32, #tpu.memory_space<hbm>>
      %dma_wait3A_34 = arith.constant 0 : i32
      %dma_wait3A_35 = arith.constant 0 : i32
      %dma_wait3A_36 = tpu.memref_slice %arg2[%arg1, %dma_wait3A_34, %dma_wait3A_35] : memref<16x125x80xi32, #tpu.memory_space<hbm>> -> memref<1x125x80xi32, #tpu.memory_space<hbm>>
      %dma_wait3A_37 = tpu.memref_squeeze %dma_wait3A_36 : memref<1x125x80xi32, #tpu.memory_space<hbm>> -> memref<125x80xi32, #tpu.memory_space<hbm>>
      tpu.wait_dma2 semaphore(%run_scoped3A : memref<!tpu.dma_semaphore, #tpu.memory_space<semaphore_mem>>) src(%dma_wait3A_37 : memref<125x80xi32, #tpu.memory_space<hbm>>) dst(%arg6 : memref<125x80xi32, #tpu.memory_space<vmem>>)
      tpu.yield
    }) : () -> ()
    "tpu.region"() ({
      %run_scoped3A = tpu.sem_alloc : memref<!tpu.dma_semaphore, #tpu.memory_space<semaphore_mem>>
      tpu.enqueue_dma source(%arg3 : memref<80x128xf32, #tpu.memory_space<hbm>>) target(%arg7 : memref<80x128xf32, #tpu.memory_space<vmem>>) target_semaphore(%run_scoped3A : memref<!tpu.dma_semaphore, #tpu.memory_space<semaphore_mem>>)
      tpu.wait_dma2 semaphore(%run_scoped3A : memref<!tpu.dma_semaphore, #tpu.memory_space<semaphore_mem>>) src(%arg3 : memref<80x128xf32, #tpu.memory_space<hbm>>) dst(%arg7 : memref<80x128xf32, #tpu.memory_space<vmem>>)
      tpu.yield
    }) : () -> ()
    %barrier3A = arith.constant 0 : index
    tpu.barrier barrier_id(%barrier3A)
    %scan3A = arith.constant 0 : i32
    %scan3A_3 = arith.constant 62 : i32
    %scan3A_4 = arith.addi %scan3A, %scan3A_3 : i32
    %scan3A_5 = arith.constant 1 : i32
    scf.for %scan3A_24 = %scan3A to %scan3A_4 step %scan3A_5  : i32 {
      %mul3A_25 = arith.constant 1 : i32
      %mul3A_26 = arith.muli %scan3A_24, %mul3A_25 : i32
      %add3A_27 = arith.constant 0 : i32
      %add3A_28 = arith.addi %add3A_27, %mul3A_26 : i32
      %mul3A_29 = arith.constant 2 : i32
      %mul3A_30 = arith.muli %mul3A_29, %add3A_28 : i32
      %add3A_31 = arith.addi %mul3A_30, %arg0 : i32
      "tpu.region"() ({
        %run_scoped3A = tpu.sem_alloc : memref<!tpu.dma_semaphore, #tpu.memory_space<semaphore_mem>>
        %dma_start3A = arith.constant 0 : i32
        %dma_start3A_32 = tpu.memref_slice %arg6[%add3A_31, %dma_start3A] : memref<125x80xi32, #tpu.memory_space<vmem>> -> memref<1x80xi32, #tpu.memory_space<vmem>>
        %dma_start3A_33 = tpu.memref_squeeze %dma_start3A_32 : memref<1x80xi32, #tpu.memory_space<vmem>> -> memref<80xi32, #tpu.memory_space<vmem>>
        %dma_start3A_34 = arith.constant 0 : i32
        %dma_start3A_35 = arith.constant 0 : i32
        %dma_start3A_36 = tpu.memref_slice %arg8[%dma_start3A_34, %dma_start3A_35] : memref<10000x128xf32, #tpu.memory_space<vmem_shared>> -> memref<10000x128xf32, #tpu.memory_space<vmem_shared>>
        tpu.enqueue_indirect_dma source(%arg7 : memref<80x128xf32, #tpu.memory_space<vmem>>) target(%dma_start3A_36 : memref<10000x128xf32, #tpu.memory_space<vmem_shared>>) offsets(%dma_start3A_33 : memref<80xi32, #tpu.memory_space<vmem>>) semaphore(%run_scoped3A : memref<!tpu.dma_semaphore, #tpu.memory_space<semaphore_mem>>) {add = true}
        %dma_wait3A = arith.constant 0 : i32
        %dma_wait3A_37 = tpu.memref_slice %arg6[%add3A_31, %dma_wait3A] : memref<125x80xi32, #tpu.memory_space<vmem>> -> memref<1x80xi32, #tpu.memory_space<vmem>>
        %dma_wait3A_38 = tpu.memref_squeeze %dma_wait3A_37 : memref<1x80xi32, #tpu.memory_space<vmem>> -> memref<80xi32, #tpu.memory_space<vmem>>
        %dma_wait3A_39 = arith.constant 0 : i32
        %dma_wait3A_40 = arith.constant 0 : i32
        %dma_wait3A_41 = tpu.memref_slice %arg8[%dma_wait3A_39, %dma_wait3A_40] : memref<10000x128xf32, #tpu.memory_space<vmem_shared>> -> memref<10000x128xf32, #tpu.memory_space<vmem_shared>>
        tpu.wait_indirect_dma semaphore(%run_scoped3A : memref<!tpu.dma_semaphore, #tpu.memory_space<semaphore_mem>>) src(%arg7 : memref<80x128xf32, #tpu.memory_space<vmem>>) dst(%dma_wait3A_41 : memref<10000x128xf32, #tpu.memory_space<vmem_shared>>)
        tpu.yield
      }) : () -> ()
    }
    %scan3A_6 = arith.constant 62 : i32
    %eq3A_7 = arith.constant 0 : i32
    %eq3A_8 = arith.cmpi eq, %arg0, %eq3A_7 : i32
    %convert_element_type3A_9 = arith.extui %eq3A_8 : i1 to i32
    %cond3A_10 = arith.constant 0 : i32
    %cond3A_11 = arith.cmpi ne, %convert_element_type3A_9, %cond3A_10 : i32
    scf.if %cond3A_11 {
      %run_scoped3A = arith.constant 124 : i32
      "tpu.region"() ({
        %run_scoped3A_24 = tpu.sem_alloc : memref<!tpu.dma_semaphore, #tpu.memory_space<semaphore_mem>>
        %dma_start3A = arith.constant 0 : i32
        %dma_start3A_25 = tpu.memref_slice %arg6[%run_scoped3A, %dma_start3A] : memref<125x80xi32, #tpu.memory_space<vmem>> -> memref<1x80xi32, #tpu.memory_space<vmem>>
        %dma_start3A_26 = tpu.memref_squeeze %dma_start3A_25 : memref<1x80xi32, #tpu.memory_space<vmem>> -> memref<80xi32, #tpu.memory_space<vmem>>
        %dma_start3A_27 = arith.constant 0 : i32
        %dma_start3A_28 = arith.constant 0 : i32
        %dma_start3A_29 = tpu.memref_slice %arg8[%dma_start3A_27, %dma_start3A_28] : memref<10000x128xf32, #tpu.memory_space<vmem_shared>> -> memref<10000x128xf32, #tpu.memory_space<vmem_shared>>
        tpu.enqueue_indirect_dma source(%arg7 : memref<80x128xf32, #tpu.memory_space<vmem>>) target(%dma_start3A_29 : memref<10000x128xf32, #tpu.memory_space<vmem_shared>>) offsets(%dma_start3A_26 : memref<80xi32, #tpu.memory_space<vmem>>) semaphore(%run_scoped3A_24 : memref<!tpu.dma_semaphore, #tpu.memory_space<semaphore_mem>>) {add = true}
        %dma_wait3A = arith.constant 0 : i32
        %dma_wait3A_30 = tpu.memref_slice %arg6[%run_scoped3A, %dma_wait3A] : memref<125x80xi32, #tpu.memory_space<vmem>> -> memref<1x80xi32, #tpu.memory_space<vmem>>
        %dma_wait3A_31 = tpu.memref_squeeze %dma_wait3A_30 : memref<1x80xi32, #tpu.memory_space<vmem>> -> memref<80xi32, #tpu.memory_space<vmem>>
        %dma_wait3A_32 = arith.constant 0 : i32
        %dma_wait3A_33 = arith.constant 0 : i32
        %dma_wait3A_34 = tpu.memref_slice %arg8[%dma_wait3A_32, %dma_wait3A_33] : memref<10000x128xf32, #tpu.memory_space<vmem_shared>> -> memref<10000x128xf32, #tpu.memory_space<vmem_shared>>
        tpu.wait_indirect_dma semaphore(%run_scoped3A_24 : memref<!tpu.dma_semaphore, #tpu.memory_space<semaphore_mem>>) src(%arg7 : memref<80x128xf32, #tpu.memory_space<vmem>>) dst(%dma_wait3A_34 : memref<10000x128xf32, #tpu.memory_space<vmem_shared>>)
        tpu.yield
      }) : () -> ()
    } else {
    }
    %barrier3A_12 = arith.constant 0 : index
    tpu.barrier barrier_id(%barrier3A_12)
    %mul3A_13 = arith.constant 624 : i32
    %mul3A_14 = arith.muli %arg1, %mul3A_13 : i32
    %mul3A_15 = arith.constant 10000 : i32
    %mul3A_16 = arith.muli %arg0, %mul3A_15 : i32
    %mul3A_17 = arith.constant 624 : i32
    %mul3A_18 = arith.muli %arg1, %mul3A_17 : i32
    %add3A = arith.addi %mul3A_16, %mul3A_18 : i32
    "tpu.region"() ({
      %run_scoped3A = tpu.sem_alloc : memref<!tpu.dma_semaphore, #tpu.memory_space<semaphore_mem>>
      %dma_start3A = arith.constant 0 : i32
      %dma_start3A_24 = tpu.memref_slice %arg5[%add3A, %dma_start3A] : memref<20000x128xf32, #tpu.memory_space<hbm>> -> memref<624x128xf32, #tpu.memory_space<hbm>>
      %dma_start3A_25 = arith.constant 0 : i32
      %dma_start3A_26 = tpu.memref_slice %arg8[%mul3A_14, %dma_start3A_25] : memref<10000x128xf32, #tpu.memory_space<vmem_shared>> -> memref<624x128xf32, #tpu.memory_space<vmem_shared>>
      tpu.enqueue_dma source(%dma_start3A_26 : memref<624x128xf32, #tpu.memory_space<vmem_shared>>) target(%dma_start3A_24 : memref<624x128xf32, #tpu.memory_space<hbm>>) target_semaphore(%run_scoped3A : memref<!tpu.dma_semaphore, #tpu.memory_space<semaphore_mem>>)
      %dma_wait3A = arith.constant 0 : i32
      %dma_wait3A_27 = tpu.memref_slice %arg5[%add3A, %dma_wait3A] : memref<20000x128xf32, #tpu.memory_space<hbm>> -> memref<624x128xf32, #tpu.memory_space<hbm>>
      %dma_wait3A_28 = arith.constant 0 : i32
      %dma_wait3A_29 = tpu.memref_slice %arg8[%mul3A_14, %dma_wait3A_28] : memref<10000x128xf32, #tpu.memory_space<vmem_shared>> -> memref<624x128xf32, #tpu.memory_space<vmem_shared>>
      tpu.wait_dma2 semaphore(%run_scoped3A : memref<!tpu.dma_semaphore, #tpu.memory_space<semaphore_mem>>) src(%dma_wait3A_29 : memref<624x128xf32, #tpu.memory_space<vmem_shared>>) dst(%dma_wait3A_27 : memref<624x128xf32, #tpu.memory_space<hbm>>)
      tpu.yield
    }) : () -> ()
    %eq3A_19 = arith.constant 0 : i32
    %eq3A_20 = arith.cmpi eq, %arg1, %eq3A_19 : i32
    %convert_element_type3A_21 = arith.extui %eq3A_20 : i1 to i32
    %cond3A_22 = arith.constant 0 : i32
    %cond3A_23 = arith.cmpi ne, %convert_element_type3A_21, %cond3A_22 : i32
    scf.if %cond3A_23 {
      %mul3A_24 = arith.constant 10000 : i32
      %mul3A_25 = arith.muli %arg0, %mul3A_24 : i32
      %add3A_26 = arith.constant 9984 : i32
      %add3A_27 = arith.addi %mul3A_25, %add3A_26 : i32
      "tpu.region"() ({
        %run_scoped3A = tpu.sem_alloc : memref<!tpu.dma_semaphore, #tpu.memory_space<semaphore_mem>>
        %dma_start3A = arith.constant 0 : i32
        %dma_start3A_28 = tpu.memref_slice %arg5[%add3A_27, %dma_start3A] : memref<20000x128xf32, #tpu.memory_space<hbm>> -> memref<16x128xf32, #tpu.memory_space<hbm>>
        %dma_start3A_29 = arith.constant 9984 : i32
        %dma_start3A_30 = arith.constant 0 : i32
        %dma_start3A_31 = tpu.memref_slice %arg8[%dma_start3A_29, %dma_start3A_30] : memref<10000x128xf32, #tpu.memory_space<vmem_shared>> -> memref<16x128xf32, #tpu.memory_space<vmem_shared>>
        tpu.enqueue_dma source(%dma_start3A_31 : memref<16x128xf32, #tpu.memory_space<vmem_shared>>) target(%dma_start3A_28 : memref<16x128xf32, #tpu.memory_space<hbm>>) target_semaphore(%run_scoped3A : memref<!tpu.dma_semaphore, #tpu.memory_space<semaphore_mem>>)
        %dma_wait3A = arith.constant 0 : i32
        %dma_wait3A_32 = tpu.memref_slice %arg5[%add3A_27, %dma_wait3A] : memref<20000x128xf32, #tpu.memory_space<hbm>> -> memref<16x128xf32, #tpu.memory_space<hbm>>
        %dma_wait3A_33 = arith.constant 9984 : i32
        %dma_wait3A_34 = arith.constant 0 : i32
        %dma_wait3A_35 = tpu.memref_slice %arg8[%dma_wait3A_33, %dma_wait3A_34] : memref<10000x128xf32, #tpu.memory_space<vmem_shared>> -> memref<16x128xf32, #tpu.memory_space<vmem_shared>>
        tpu.wait_dma2 semaphore(%run_scoped3A : memref<!tpu.dma_semaphore, #tpu.memory_space<semaphore_mem>>) src(%dma_wait3A_35 : memref<16x128xf32, #tpu.memory_space<vmem_shared>>) dst(%dma_wait3A_32 : memref<16x128xf32, #tpu.memory_space<hbm>>)
        tpu.yield
      }) : () -> ()
    } else {
    }
    return
  }
}

#map = affine_map<(d0, d1) -> (0, 0)>
#map1 = affine_map<(d0, d1) -> (0, 0, 0)>
module attributes {stable_mosaic.version = 14 : i64} {
  func.func @_sc_agg_body(%arg0: i32, %arg1: i32, %arg2: memref<20000x128xf32, #tpu.memory_space<hbm>>, %arg3: memref<32x10000xi32, #tpu.memory_space<hbm>>, %arg4: memref<16x125x80xi32, #tpu.memory_space<hbm>>, %arg5: memref<624x128xf32, #tpu.memory_space<hbm>>, %arg6: memref<20000x128xf32, #tpu.memory_space<hbm>>, %arg7: memref<10000xi32, #tpu.memory_space<vmem>>, %arg8: memref<125x80xi32, #tpu.memory_space<vmem>>, %arg9: memref<80x128xf32, #tpu.memory_space<vmem>>, %arg10: memref<80x128xf32, #tpu.memory_space<vmem>>, %arg11: memref<10000x128xf32, #tpu.memory_space<vmem_shared>>, %arg12: memref<!tpu.dma_semaphore, #tpu.memory_space<semaphore_mem>>, %arg13: memref<!tpu.dma_semaphore, #tpu.memory_space<semaphore_mem>>) attributes {dimension_semantics = [#tpu.dimension_semantics<core_parallel>, #tpu.dimension_semantics<subcore_parallel>], iteration_bounds = array<i64: 2, 16>, scalar_prefetch = 0 : i64, scratch_operands = 7 : i64, tpu.core_type = #tpu.core_type<sc_vector_subcore>, window_params = [{transform_indices = #map}, {transform_indices = #map}, {transform_indices = #map1}, {transform_indices = #map}, {transform_indices = #map}]} {
    %mul3A = arith.constant 624 : i32
    %mul3A_0 = arith.muli %arg1, %mul3A : i32
    "tpu.region"() ({
      %run_scoped3A_35 = tpu.sem_alloc : memref<!tpu.dma_semaphore, #tpu.memory_space<semaphore_mem>>
      %dma_start3A_36 = arith.constant 0 : i32
      %dma_start3A_37 = tpu.memref_slice %arg11[%mul3A_0, %dma_start3A_36] : memref<10000x128xf32, #tpu.memory_space<vmem_shared>> -> memref<624x128xf32, #tpu.memory_space<vmem_shared>>
      tpu.enqueue_dma source(%arg5 : memref<624x128xf32, #tpu.memory_space<hbm>>) target(%dma_start3A_37 : memref<624x128xf32, #tpu.memory_space<vmem_shared>>) target_semaphore(%run_scoped3A_35 : memref<!tpu.dma_semaphore, #tpu.memory_space<semaphore_mem>>)
      %dma_wait3A_38 = arith.constant 0 : i32
      %dma_wait3A_39 = tpu.memref_slice %arg11[%mul3A_0, %dma_wait3A_38] : memref<10000x128xf32, #tpu.memory_space<vmem_shared>> -> memref<624x128xf32, #tpu.memory_space<vmem_shared>>
      tpu.wait_dma2 semaphore(%run_scoped3A_35 : memref<!tpu.dma_semaphore, #tpu.memory_space<semaphore_mem>>) src(%arg5 : memref<624x128xf32, #tpu.memory_space<hbm>>) dst(%dma_wait3A_39 : memref<624x128xf32, #tpu.memory_space<vmem_shared>>)
      tpu.yield
    }) : () -> ()
    %eq3A = arith.constant 0 : i32
    %eq3A_1 = arith.cmpi eq, %arg1, %eq3A : i32
    %convert_element_type3A = arith.extui %eq3A_1 : i1 to i32
    %cond3A = arith.constant 0 : i32
    %cond3A_2 = arith.cmpi ne, %convert_element_type3A, %cond3A : i32
    scf.if %cond3A_2 {
      "tpu.region"() ({
        %run_scoped3A_35 = tpu.sem_alloc : memref<!tpu.dma_semaphore, #tpu.memory_space<semaphore_mem>>
        %dma_start3A_36 = arith.constant 9984 : i32
        %dma_start3A_37 = arith.constant 0 : i32
        %dma_start3A_38 = tpu.memref_slice %arg11[%dma_start3A_36, %dma_start3A_37] : memref<10000x128xf32, #tpu.memory_space<vmem_shared>> -> memref<16x128xf32, #tpu.memory_space<vmem_shared>>
        %dma_start3A_39 = arith.constant 0 : i32
        %dma_start3A_40 = arith.constant 0 : i32
        %dma_start3A_41 = tpu.memref_slice %arg5[%dma_start3A_39, %dma_start3A_40] : memref<624x128xf32, #tpu.memory_space<hbm>> -> memref<16x128xf32, #tpu.memory_space<hbm>>
        tpu.enqueue_dma source(%dma_start3A_41 : memref<16x128xf32, #tpu.memory_space<hbm>>) target(%dma_start3A_38 : memref<16x128xf32, #tpu.memory_space<vmem_shared>>) target_semaphore(%run_scoped3A_35 : memref<!tpu.dma_semaphore, #tpu.memory_space<semaphore_mem>>)
        %dma_wait3A_42 = arith.constant 9984 : i32
        %dma_wait3A_43 = arith.constant 0 : i32
        %dma_wait3A_44 = tpu.memref_slice %arg11[%dma_wait3A_42, %dma_wait3A_43] : memref<10000x128xf32, #tpu.memory_space<vmem_shared>> -> memref<16x128xf32, #tpu.memory_space<vmem_shared>>
        %dma_wait3A_45 = arith.constant 0 : i32
        %dma_wait3A_46 = arith.constant 0 : i32
        %dma_wait3A_47 = tpu.memref_slice %arg5[%dma_wait3A_45, %dma_wait3A_46] : memref<624x128xf32, #tpu.memory_space<hbm>> -> memref<16x128xf32, #tpu.memory_space<hbm>>
        tpu.wait_dma2 semaphore(%run_scoped3A_35 : memref<!tpu.dma_semaphore, #tpu.memory_space<semaphore_mem>>) src(%dma_wait3A_47 : memref<16x128xf32, #tpu.memory_space<hbm>>) dst(%dma_wait3A_44 : memref<16x128xf32, #tpu.memory_space<vmem_shared>>)
        tpu.yield
      }) : () -> ()
    } else {
    }
    %mul3A_3 = arith.constant 16 : i32
    %mul3A_4 = arith.muli %arg0, %mul3A_3 : i32
    %add3A = arith.addi %mul3A_4, %arg1 : i32
    "tpu.region"() ({
      %run_scoped3A_35 = tpu.sem_alloc : memref<!tpu.dma_semaphore, #tpu.memory_space<semaphore_mem>>
      %dma_start3A_36 = arith.constant 0 : i32
      %dma_start3A_37 = tpu.memref_slice %arg3[%add3A, %dma_start3A_36] : memref<32x10000xi32, #tpu.memory_space<hbm>> -> memref<1x10000xi32, #tpu.memory_space<hbm>>
      %dma_start3A_38 = tpu.memref_squeeze %dma_start3A_37 : memref<1x10000xi32, #tpu.memory_space<hbm>> -> memref<10000xi32, #tpu.memory_space<hbm>>
      %dma_start3A_39 = arith.constant 0 : i32
      %dma_start3A_40 = tpu.memref_slice %arg3[%add3A, %dma_start3A_39] : memref<32x10000xi32, #tpu.memory_space<hbm>> -> memref<1x10000xi32, #tpu.memory_space<hbm>>
      %dma_start3A_41 = tpu.memref_squeeze %dma_start3A_40 : memref<1x10000xi32, #tpu.memory_space<hbm>> -> memref<10000xi32, #tpu.memory_space<hbm>>
      tpu.enqueue_dma source(%dma_start3A_41 : memref<10000xi32, #tpu.memory_space<hbm>>) target(%arg7 : memref<10000xi32, #tpu.memory_space<vmem>>) target_semaphore(%run_scoped3A_35 : memref<!tpu.dma_semaphore, #tpu.memory_space<semaphore_mem>>)
      %dma_wait3A_42 = arith.constant 0 : i32
      %dma_wait3A_43 = tpu.memref_slice %arg3[%add3A, %dma_wait3A_42] : memref<32x10000xi32, #tpu.memory_space<hbm>> -> memref<1x10000xi32, #tpu.memory_space<hbm>>
      %dma_wait3A_44 = tpu.memref_squeeze %dma_wait3A_43 : memref<1x10000xi32, #tpu.memory_space<hbm>> -> memref<10000xi32, #tpu.memory_space<hbm>>
      %dma_wait3A_45 = arith.constant 0 : i32
      %dma_wait3A_46 = tpu.memref_slice %arg3[%add3A, %dma_wait3A_45] : memref<32x10000xi32, #tpu.memory_space<hbm>> -> memref<1x10000xi32, #tpu.memory_space<hbm>>
      %dma_wait3A_47 = tpu.memref_squeeze %dma_wait3A_46 : memref<1x10000xi32, #tpu.memory_space<hbm>> -> memref<10000xi32, #tpu.memory_space<hbm>>
      tpu.wait_dma2 semaphore(%run_scoped3A_35 : memref<!tpu.dma_semaphore, #tpu.memory_space<semaphore_mem>>) src(%dma_wait3A_47 : memref<10000xi32, #tpu.memory_space<hbm>>) dst(%arg7 : memref<10000xi32, #tpu.memory_space<vmem>>)
      tpu.yield
    }) : () -> ()
    "tpu.region"() ({
      %run_scoped3A_35 = tpu.sem_alloc : memref<!tpu.dma_semaphore, #tpu.memory_space<semaphore_mem>>
      %dma_start3A_36 = arith.constant 0 : i32
      %dma_start3A_37 = arith.constant 0 : i32
      %dma_start3A_38 = tpu.memref_slice %arg4[%arg1, %dma_start3A_36, %dma_start3A_37] : memref<16x125x80xi32, #tpu.memory_space<hbm>> -> memref<1x125x80xi32, #tpu.memory_space<hbm>>
      %dma_start3A_39 = tpu.memref_squeeze %dma_start3A_38 : memref<1x125x80xi32, #tpu.memory_space<hbm>> -> memref<125x80xi32, #tpu.memory_space<hbm>>
      %dma_start3A_40 = arith.constant 0 : i32
      %dma_start3A_41 = arith.constant 0 : i32
      %dma_start3A_42 = tpu.memref_slice %arg4[%arg1, %dma_start3A_40, %dma_start3A_41] : memref<16x125x80xi32, #tpu.memory_space<hbm>> -> memref<1x125x80xi32, #tpu.memory_space<hbm>>
      %dma_start3A_43 = tpu.memref_squeeze %dma_start3A_42 : memref<1x125x80xi32, #tpu.memory_space<hbm>> -> memref<125x80xi32, #tpu.memory_space<hbm>>
      tpu.enqueue_dma source(%dma_start3A_43 : memref<125x80xi32, #tpu.memory_space<hbm>>) target(%arg8 : memref<125x80xi32, #tpu.memory_space<vmem>>) target_semaphore(%run_scoped3A_35 : memref<!tpu.dma_semaphore, #tpu.memory_space<semaphore_mem>>)
      %dma_wait3A_44 = arith.constant 0 : i32
      %dma_wait3A_45 = arith.constant 0 : i32
      %dma_wait3A_46 = tpu.memref_slice %arg4[%arg1, %dma_wait3A_44, %dma_wait3A_45] : memref<16x125x80xi32, #tpu.memory_space<hbm>> -> memref<1x125x80xi32, #tpu.memory_space<hbm>>
      %dma_wait3A_47 = tpu.memref_squeeze %dma_wait3A_46 : memref<1x125x80xi32, #tpu.memory_space<hbm>> -> memref<125x80xi32, #tpu.memory_space<hbm>>
      %dma_wait3A_48 = arith.constant 0 : i32
      %dma_wait3A_49 = arith.constant 0 : i32
      %dma_wait3A_50 = tpu.memref_slice %arg4[%arg1, %dma_wait3A_48, %dma_wait3A_49] : memref<16x125x80xi32, #tpu.memory_space<hbm>> -> memref<1x125x80xi32, #tpu.memory_space<hbm>>
      %dma_wait3A_51 = tpu.memref_squeeze %dma_wait3A_50 : memref<1x125x80xi32, #tpu.memory_space<hbm>> -> memref<125x80xi32, #tpu.memory_space<hbm>>
      tpu.wait_dma2 semaphore(%run_scoped3A_35 : memref<!tpu.dma_semaphore, #tpu.memory_space<semaphore_mem>>) src(%dma_wait3A_51 : memref<125x80xi32, #tpu.memory_space<hbm>>) dst(%arg8 : memref<125x80xi32, #tpu.memory_space<vmem>>)
      tpu.yield
    }) : () -> ()
    %barrier3A = arith.constant 0 : index
    tpu.barrier barrier_id(%barrier3A)
    %dma_start3A = arith.constant 0 : i32
    %dma_start3A_5 = tpu.memref_slice %arg7[%dma_start3A] : memref<10000xi32, #tpu.memory_space<vmem>> -> memref<80xi32, #tpu.memory_space<vmem>>
    %dma_start3A_6 = arith.constant 0 : i32
    %dma_start3A_7 = arith.constant 0 : i32
    %dma_start3A_8 = tpu.memref_slice %arg2[%dma_start3A_6, %dma_start3A_7] : memref<20000x128xf32, #tpu.memory_space<hbm>> -> memref<20000x128xf32, #tpu.memory_space<hbm>>
    tpu.enqueue_indirect_dma source(%dma_start3A_8 : memref<20000x128xf32, #tpu.memory_space<hbm>>) target(%arg9 : memref<80x128xf32, #tpu.memory_space<vmem>>) offsets(%dma_start3A_5 : memref<80xi32, #tpu.memory_space<vmem>>) semaphore(%arg12 : memref<!tpu.dma_semaphore, #tpu.memory_space<semaphore_mem>>)
    %dma_start3A_9 = arith.constant 80 : i32
    %dma_start3A_10 = tpu.memref_slice %arg7[%dma_start3A_9] : memref<10000xi32, #tpu.memory_space<vmem>> -> memref<80xi32, #tpu.memory_space<vmem>>
    %dma_start3A_11 = arith.constant 0 : i32
    %dma_start3A_12 = arith.constant 0 : i32
    %dma_start3A_13 = tpu.memref_slice %arg2[%dma_start3A_11, %dma_start3A_12] : memref<20000x128xf32, #tpu.memory_space<hbm>> -> memref<20000x128xf32, #tpu.memory_space<hbm>>
    tpu.enqueue_indirect_dma source(%dma_start3A_13 : memref<20000x128xf32, #tpu.memory_space<hbm>>) target(%arg10 : memref<80x128xf32, #tpu.memory_space<vmem>>) offsets(%dma_start3A_10 : memref<80xi32, #tpu.memory_space<vmem>>) semaphore(%arg13 : memref<!tpu.dma_semaphore, #tpu.memory_space<semaphore_mem>>)
    %scan3A = arith.constant 0 : i32
    %scan3A_14 = arith.constant 62 : i32
    %scan3A_15 = arith.addi %scan3A, %scan3A_14 : i32
    %scan3A_16 = arith.constant 1 : i32
    scf.for %scan3A_35 = %scan3A to %scan3A_15 step %scan3A_16  : i32 {
      %mul3A_36 = arith.constant 1 : i32
      %mul3A_37 = arith.muli %scan3A_35, %mul3A_36 : i32
      %add3A_38 = arith.constant 0 : i32
      %add3A_39 = arith.addi %add3A_38, %mul3A_37 : i32
      %mul3A_40 = arith.constant 2 : i32
      %mul3A_41 = arith.muli %mul3A_40, %add3A_39 : i32
      %add3A_42 = arith.constant 0 : i32
      %add3A_43 = arith.addi %mul3A_41, %add3A_42 : i32
      %mul3A_44 = arith.constant 80 : i32
      %mul3A_45 = arith.muli %add3A_43, %mul3A_44 : i32
      %dma_wait3A_46 = tpu.memref_slice %arg7[%mul3A_45] : memref<10000xi32, #tpu.memory_space<vmem>> -> memref<80xi32, #tpu.memory_space<vmem>>
      %dma_wait3A_47 = arith.constant 0 : i32
      %dma_wait3A_48 = arith.constant 0 : i32
      %dma_wait3A_49 = tpu.memref_slice %arg2[%dma_wait3A_47, %dma_wait3A_48] : memref<20000x128xf32, #tpu.memory_space<hbm>> -> memref<20000x128xf32, #tpu.memory_space<hbm>>
      tpu.wait_indirect_dma semaphore(%arg12 : memref<!tpu.dma_semaphore, #tpu.memory_space<semaphore_mem>>) src(%dma_wait3A_49 : memref<20000x128xf32, #tpu.memory_space<hbm>>) dst(%arg9 : memref<80x128xf32, #tpu.memory_space<vmem>>)
      "tpu.region"() ({
        %run_scoped3A_73 = tpu.sem_alloc : memref<!tpu.dma_semaphore, #tpu.memory_space<semaphore_mem>>
        %dma_start3A_74 = arith.constant 0 : i32
        %dma_start3A_75 = tpu.memref_slice %arg8[%add3A_43, %dma_start3A_74] : memref<125x80xi32, #tpu.memory_space<vmem>> -> memref<1x80xi32, #tpu.memory_space<vmem>>
        %dma_start3A_76 = tpu.memref_squeeze %dma_start3A_75 : memref<1x80xi32, #tpu.memory_space<vmem>> -> memref<80xi32, #tpu.memory_space<vmem>>
        %dma_start3A_77 = arith.constant 0 : i32
        %dma_start3A_78 = arith.constant 0 : i32
        %dma_start3A_79 = tpu.memref_slice %arg11[%dma_start3A_77, %dma_start3A_78] : memref<10000x128xf32, #tpu.memory_space<vmem_shared>> -> memref<10000x128xf32, #tpu.memory_space<vmem_shared>>
        tpu.enqueue_indirect_dma source(%arg9 : memref<80x128xf32, #tpu.memory_space<vmem>>) target(%dma_start3A_79 : memref<10000x128xf32, #tpu.memory_space<vmem_shared>>) offsets(%dma_start3A_76 : memref<80xi32, #tpu.memory_space<vmem>>) semaphore(%run_scoped3A_73 : memref<!tpu.dma_semaphore, #tpu.memory_space<semaphore_mem>>) {add = true}
        %dma_wait3A_80 = arith.constant 0 : i32
        %dma_wait3A_81 = tpu.memref_slice %arg8[%add3A_43, %dma_wait3A_80] : memref<125x80xi32, #tpu.memory_space<vmem>> -> memref<1x80xi32, #tpu.memory_space<vmem>>
        %dma_wait3A_82 = tpu.memref_squeeze %dma_wait3A_81 : memref<1x80xi32, #tpu.memory_space<vmem>> -> memref<80xi32, #tpu.memory_space<vmem>>
        %dma_wait3A_83 = arith.constant 0 : i32
        %dma_wait3A_84 = arith.constant 0 : i32
        %dma_wait3A_85 = tpu.memref_slice %arg11[%dma_wait3A_83, %dma_wait3A_84] : memref<10000x128xf32, #tpu.memory_space<vmem_shared>> -> memref<10000x128xf32, #tpu.memory_space<vmem_shared>>
        tpu.wait_indirect_dma semaphore(%run_scoped3A_73 : memref<!tpu.dma_semaphore, #tpu.memory_space<semaphore_mem>>) src(%arg9 : memref<80x128xf32, #tpu.memory_space<vmem>>) dst(%dma_wait3A_85 : memref<10000x128xf32, #tpu.memory_space<vmem_shared>>)
        tpu.yield
      }) : () -> ()
      %add3A_50 = arith.constant 2 : i32
      %add3A_51 = arith.addi %add3A_43, %add3A_50 : i32
      %lt3A = arith.constant 125 : i32
      %lt3A_52 = arith.cmpi slt, %add3A_51, %lt3A : i32
      %convert_element_type3A_53 = arith.extui %lt3A_52 : i1 to i32
      %cond3A_54 = arith.constant 0 : i32
      %cond3A_55 = arith.cmpi ne, %convert_element_type3A_53, %cond3A_54 : i32
      scf.if %cond3A_55 {
        %add3A_73 = arith.constant 2 : i32
        %add3A_74 = arith.addi %add3A_43, %add3A_73 : i32
        %mul3A_75 = arith.constant 80 : i32
        %mul3A_76 = arith.muli %add3A_74, %mul3A_75 : i32
        %dma_start3A_77 = tpu.memref_slice %arg7[%mul3A_76] : memref<10000xi32, #tpu.memory_space<vmem>> -> memref<80xi32, #tpu.memory_space<vmem>>
        %dma_start3A_78 = arith.constant 0 : i32
        %dma_start3A_79 = arith.constant 0 : i32
        %dma_start3A_80 = tpu.memref_slice %arg2[%dma_start3A_78, %dma_start3A_79] : memref<20000x128xf32, #tpu.memory_space<hbm>> -> memref<20000x128xf32, #tpu.memory_space<hbm>>
        tpu.enqueue_indirect_dma source(%dma_start3A_80 : memref<20000x128xf32, #tpu.memory_space<hbm>>) target(%arg9 : memref<80x128xf32, #tpu.memory_space<vmem>>) offsets(%dma_start3A_77 : memref<80xi32, #tpu.memory_space<vmem>>) semaphore(%arg12 : memref<!tpu.dma_semaphore, #tpu.memory_space<semaphore_mem>>)
      } else {
      }
      %mul3A_56 = arith.constant 2 : i32
      %mul3A_57 = arith.muli %mul3A_56, %add3A_39 : i32
      %add3A_58 = arith.constant 1 : i32
      %add3A_59 = arith.addi %mul3A_57, %add3A_58 : i32
      %mul3A_60 = arith.constant 80 : i32
      %mul3A_61 = arith.muli %add3A_59, %mul3A_60 : i32
      %dma_wait3A_62 = tpu.memref_slice %arg7[%mul3A_61] : memref<10000xi32, #tpu.memory_space<vmem>> -> memref<80xi32, #tpu.memory_space<vmem>>
      %dma_wait3A_63 = arith.constant 0 : i32
      %dma_wait3A_64 = arith.constant 0 : i32
      %dma_wait3A_65 = tpu.memref_slice %arg2[%dma_wait3A_63, %dma_wait3A_64] : memref<20000x128xf32, #tpu.memory_space<hbm>> -> memref<20000x128xf32, #tpu.memory_space<hbm>>
      tpu.wait_indirect_dma semaphore(%arg13 : memref<!tpu.dma_semaphore, #tpu.memory_space<semaphore_mem>>) src(%dma_wait3A_65 : memref<20000x128xf32, #tpu.memory_space<hbm>>) dst(%arg10 : memref<80x128xf32, #tpu.memory_space<vmem>>)
      "tpu.region"() ({
        %run_scoped3A_73 = tpu.sem_alloc : memref<!tpu.dma_semaphore, #tpu.memory_space<semaphore_mem>>
        %dma_start3A_74 = arith.constant 0 : i32
        %dma_start3A_75 = tpu.memref_slice %arg8[%add3A_59, %dma_start3A_74] : memref<125x80xi32, #tpu.memory_space<vmem>> -> memref<1x80xi32, #tpu.memory_space<vmem>>
        %dma_start3A_76 = tpu.memref_squeeze %dma_start3A_75 : memref<1x80xi32, #tpu.memory_space<vmem>> -> memref<80xi32, #tpu.memory_space<vmem>>
        %dma_start3A_77 = arith.constant 0 : i32
        %dma_start3A_78 = arith.constant 0 : i32
        %dma_start3A_79 = tpu.memref_slice %arg11[%dma_start3A_77, %dma_start3A_78] : memref<10000x128xf32, #tpu.memory_space<vmem_shared>> -> memref<10000x128xf32, #tpu.memory_space<vmem_shared>>
        tpu.enqueue_indirect_dma source(%arg10 : memref<80x128xf32, #tpu.memory_space<vmem>>) target(%dma_start3A_79 : memref<10000x128xf32, #tpu.memory_space<vmem_shared>>) offsets(%dma_start3A_76 : memref<80xi32, #tpu.memory_space<vmem>>) semaphore(%run_scoped3A_73 : memref<!tpu.dma_semaphore, #tpu.memory_space<semaphore_mem>>) {add = true}
        %dma_wait3A_80 = arith.constant 0 : i32
        %dma_wait3A_81 = tpu.memref_slice %arg8[%add3A_59, %dma_wait3A_80] : memref<125x80xi32, #tpu.memory_space<vmem>> -> memref<1x80xi32, #tpu.memory_space<vmem>>
        %dma_wait3A_82 = tpu.memref_squeeze %dma_wait3A_81 : memref<1x80xi32, #tpu.memory_space<vmem>> -> memref<80xi32, #tpu.memory_space<vmem>>
        %dma_wait3A_83 = arith.constant 0 : i32
        %dma_wait3A_84 = arith.constant 0 : i32
        %dma_wait3A_85 = tpu.memref_slice %arg11[%dma_wait3A_83, %dma_wait3A_84] : memref<10000x128xf32, #tpu.memory_space<vmem_shared>> -> memref<10000x128xf32, #tpu.memory_space<vmem_shared>>
        tpu.wait_indirect_dma semaphore(%run_scoped3A_73 : memref<!tpu.dma_semaphore, #tpu.memory_space<semaphore_mem>>) src(%arg10 : memref<80x128xf32, #tpu.memory_space<vmem>>) dst(%dma_wait3A_85 : memref<10000x128xf32, #tpu.memory_space<vmem_shared>>)
        tpu.yield
      }) : () -> ()
      %add3A_66 = arith.constant 2 : i32
      %add3A_67 = arith.addi %add3A_59, %add3A_66 : i32
      %lt3A_68 = arith.constant 125 : i32
      %lt3A_69 = arith.cmpi slt, %add3A_67, %lt3A_68 : i32
      %convert_element_type3A_70 = arith.extui %lt3A_69 : i1 to i32
      %cond3A_71 = arith.constant 0 : i32
      %cond3A_72 = arith.cmpi ne, %convert_element_type3A_70, %cond3A_71 : i32
      scf.if %cond3A_72 {
        %add3A_73 = arith.constant 2 : i32
        %add3A_74 = arith.addi %add3A_59, %add3A_73 : i32
        %mul3A_75 = arith.constant 80 : i32
        %mul3A_76 = arith.muli %add3A_74, %mul3A_75 : i32
        %dma_start3A_77 = tpu.memref_slice %arg7[%mul3A_76] : memref<10000xi32, #tpu.memory_space<vmem>> -> memref<80xi32, #tpu.memory_space<vmem>>
        %dma_start3A_78 = arith.constant 0 : i32
        %dma_start3A_79 = arith.constant 0 : i32
        %dma_start3A_80 = tpu.memref_slice %arg2[%dma_start3A_78, %dma_start3A_79] : memref<20000x128xf32, #tpu.memory_space<hbm>> -> memref<20000x128xf32, #tpu.memory_space<hbm>>
        tpu.enqueue_indirect_dma source(%dma_start3A_80 : memref<20000x128xf32, #tpu.memory_space<hbm>>) target(%arg10 : memref<80x128xf32, #tpu.memory_space<vmem>>) offsets(%dma_start3A_77 : memref<80xi32, #tpu.memory_space<vmem>>) semaphore(%arg13 : memref<!tpu.dma_semaphore, #tpu.memory_space<semaphore_mem>>)
      } else {
      }
    }
    %scan3A_17 = arith.constant 62 : i32
    %dma_wait3A = arith.constant 9920 : i32
    %dma_wait3A_18 = tpu.memref_slice %arg7[%dma_wait3A] : memref<10000xi32, #tpu.memory_space<vmem>> -> memref<80xi32, #tpu.memory_space<vmem>>
    %dma_wait3A_19 = arith.constant 0 : i32
    %dma_wait3A_20 = arith.constant 0 : i32
    %dma_wait3A_21 = tpu.memref_slice %arg2[%dma_wait3A_19, %dma_wait3A_20] : memref<20000x128xf32, #tpu.memory_space<hbm>> -> memref<20000x128xf32, #tpu.memory_space<hbm>>
    tpu.wait_indirect_dma semaphore(%arg12 : memref<!tpu.dma_semaphore, #tpu.memory_space<semaphore_mem>>) src(%dma_wait3A_21 : memref<20000x128xf32, #tpu.memory_space<hbm>>) dst(%arg9 : memref<80x128xf32, #tpu.memory_space<vmem>>)
    %run_scoped3A = arith.constant 124 : i32
    "tpu.region"() ({
      %run_scoped3A_35 = tpu.sem_alloc : memref<!tpu.dma_semaphore, #tpu.memory_space<semaphore_mem>>
      %dma_start3A_36 = arith.constant 0 : i32
      %dma_start3A_37 = tpu.memref_slice %arg8[%run_scoped3A, %dma_start3A_36] : memref<125x80xi32, #tpu.memory_space<vmem>> -> memref<1x80xi32, #tpu.memory_space<vmem>>
      %dma_start3A_38 = tpu.memref_squeeze %dma_start3A_37 : memref<1x80xi32, #tpu.memory_space<vmem>> -> memref<80xi32, #tpu.memory_space<vmem>>
      %dma_start3A_39 = arith.constant 0 : i32
      %dma_start3A_40 = arith.constant 0 : i32
      %dma_start3A_41 = tpu.memref_slice %arg11[%dma_start3A_39, %dma_start3A_40] : memref<10000x128xf32, #tpu.memory_space<vmem_shared>> -> memref<10000x128xf32, #tpu.memory_space<vmem_shared>>
      tpu.enqueue_indirect_dma source(%arg9 : memref<80x128xf32, #tpu.memory_space<vmem>>) target(%dma_start3A_41 : memref<10000x128xf32, #tpu.memory_space<vmem_shared>>) offsets(%dma_start3A_38 : memref<80xi32, #tpu.memory_space<vmem>>) semaphore(%run_scoped3A_35 : memref<!tpu.dma_semaphore, #tpu.memory_space<semaphore_mem>>) {add = true}
      %dma_wait3A_42 = arith.constant 0 : i32
      %dma_wait3A_43 = tpu.memref_slice %arg8[%run_scoped3A, %dma_wait3A_42] : memref<125x80xi32, #tpu.memory_space<vmem>> -> memref<1x80xi32, #tpu.memory_space<vmem>>
      %dma_wait3A_44 = tpu.memref_squeeze %dma_wait3A_43 : memref<1x80xi32, #tpu.memory_space<vmem>> -> memref<80xi32, #tpu.memory_space<vmem>>
      %dma_wait3A_45 = arith.constant 0 : i32
      %dma_wait3A_46 = arith.constant 0 : i32
      %dma_wait3A_47 = tpu.memref_slice %arg11[%dma_wait3A_45, %dma_wait3A_46] : memref<10000x128xf32, #tpu.memory_space<vmem_shared>> -> memref<10000x128xf32, #tpu.memory_space<vmem_shared>>
      tpu.wait_indirect_dma semaphore(%run_scoped3A_35 : memref<!tpu.dma_semaphore, #tpu.memory_space<semaphore_mem>>) src(%arg9 : memref<80x128xf32, #tpu.memory_space<vmem>>) dst(%dma_wait3A_47 : memref<10000x128xf32, #tpu.memory_space<vmem_shared>>)
      tpu.yield
    }) : () -> ()
    %barrier3A_22 = arith.constant 0 : index
    tpu.barrier barrier_id(%barrier3A_22)
    %mul3A_23 = arith.constant 624 : i32
    %mul3A_24 = arith.muli %arg1, %mul3A_23 : i32
    %mul3A_25 = arith.constant 10000 : i32
    %mul3A_26 = arith.muli %arg0, %mul3A_25 : i32
    %mul3A_27 = arith.constant 624 : i32
    %mul3A_28 = arith.muli %arg1, %mul3A_27 : i32
    %add3A_29 = arith.addi %mul3A_26, %mul3A_28 : i32
    "tpu.region"() ({
      %run_scoped3A_35 = tpu.sem_alloc : memref<!tpu.dma_semaphore, #tpu.memory_space<semaphore_mem>>
      %dma_start3A_36 = arith.constant 0 : i32
      %dma_start3A_37 = tpu.memref_slice %arg6[%add3A_29, %dma_start3A_36] : memref<20000x128xf32, #tpu.memory_space<hbm>> -> memref<624x128xf32, #tpu.memory_space<hbm>>
      %dma_start3A_38 = arith.constant 0 : i32
      %dma_start3A_39 = tpu.memref_slice %arg11[%mul3A_24, %dma_start3A_38] : memref<10000x128xf32, #tpu.memory_space<vmem_shared>> -> memref<624x128xf32, #tpu.memory_space<vmem_shared>>
      tpu.enqueue_dma source(%dma_start3A_39 : memref<624x128xf32, #tpu.memory_space<vmem_shared>>) target(%dma_start3A_37 : memref<624x128xf32, #tpu.memory_space<hbm>>) target_semaphore(%run_scoped3A_35 : memref<!tpu.dma_semaphore, #tpu.memory_space<semaphore_mem>>)
      %dma_wait3A_40 = arith.constant 0 : i32
      %dma_wait3A_41 = tpu.memref_slice %arg6[%add3A_29, %dma_wait3A_40] : memref<20000x128xf32, #tpu.memory_space<hbm>> -> memref<624x128xf32, #tpu.memory_space<hbm>>
      %dma_wait3A_42 = arith.constant 0 : i32
      %dma_wait3A_43 = tpu.memref_slice %arg11[%mul3A_24, %dma_wait3A_42] : memref<10000x128xf32, #tpu.memory_space<vmem_shared>> -> memref<624x128xf32, #tpu.memory_space<vmem_shared>>
      tpu.wait_dma2 semaphore(%run_scoped3A_35 : memref<!tpu.dma_semaphore, #tpu.memory_space<semaphore_mem>>) src(%dma_wait3A_43 : memref<624x128xf32, #tpu.memory_space<vmem_shared>>) dst(%dma_wait3A_41 : memref<624x128xf32, #tpu.memory_space<hbm>>)
      tpu.yield
    }) : () -> ()
    %eq3A_30 = arith.constant 0 : i32
    %eq3A_31 = arith.cmpi eq, %arg1, %eq3A_30 : i32
    %convert_element_type3A_32 = arith.extui %eq3A_31 : i1 to i32
    %cond3A_33 = arith.constant 0 : i32
    %cond3A_34 = arith.cmpi ne, %convert_element_type3A_32, %cond3A_33 : i32
    scf.if %cond3A_34 {
      %mul3A_35 = arith.constant 10000 : i32
      %mul3A_36 = arith.muli %arg0, %mul3A_35 : i32
      %add3A_37 = arith.constant 9984 : i32
      %add3A_38 = arith.addi %mul3A_36, %add3A_37 : i32
      "tpu.region"() ({
        %run_scoped3A_39 = tpu.sem_alloc : memref<!tpu.dma_semaphore, #tpu.memory_space<semaphore_mem>>
        %dma_start3A_40 = arith.constant 0 : i32
        %dma_start3A_41 = tpu.memref_slice %arg6[%add3A_38, %dma_start3A_40] : memref<20000x128xf32, #tpu.memory_space<hbm>> -> memref<16x128xf32, #tpu.memory_space<hbm>>
        %dma_start3A_42 = arith.constant 9984 : i32
        %dma_start3A_43 = arith.constant 0 : i32
        %dma_start3A_44 = tpu.memref_slice %arg11[%dma_start3A_42, %dma_start3A_43] : memref<10000x128xf32, #tpu.memory_space<vmem_shared>> -> memref<16x128xf32, #tpu.memory_space<vmem_shared>>
        tpu.enqueue_dma source(%dma_start3A_44 : memref<16x128xf32, #tpu.memory_space<vmem_shared>>) target(%dma_start3A_41 : memref<16x128xf32, #tpu.memory_space<hbm>>) target_semaphore(%run_scoped3A_39 : memref<!tpu.dma_semaphore, #tpu.memory_space<semaphore_mem>>)
        %dma_wait3A_45 = arith.constant 0 : i32
        %dma_wait3A_46 = tpu.memref_slice %arg6[%add3A_38, %dma_wait3A_45] : memref<20000x128xf32, #tpu.memory_space<hbm>> -> memref<16x128xf32, #tpu.memory_space<hbm>>
        %dma_wait3A_47 = arith.constant 9984 : i32
        %dma_wait3A_48 = arith.constant 0 : i32
        %dma_wait3A_49 = tpu.memref_slice %arg11[%dma_wait3A_47, %dma_wait3A_48] : memref<10000x128xf32, #tpu.memory_space<vmem_shared>> -> memref<16x128xf32, #tpu.memory_space<vmem_shared>>
        tpu.wait_dma2 semaphore(%run_scoped3A_39 : memref<!tpu.dma_semaphore, #tpu.memory_space<semaphore_mem>>) src(%dma_wait3A_49 : memref<16x128xf32, #tpu.memory_space<vmem_shared>>) dst(%dma_wait3A_46 : memref<16x128xf32, #tpu.memory_space<hbm>>)
        tpu.yield
      }) : () -> ()
    } else {
    }
    return
  }
}

#map = affine_map<(d0, d1) -> (0, 0)>
#map1 = affine_map<(d0, d1) -> (0, 0, 0)>
module attributes {stable_mosaic.version = 14 : i64} {
  func.func @_sc_agg_body(%arg0: i32, %arg1: i32, %arg2: memref<20000x128xf32, #tpu.memory_space<hbm>>, %arg3: memref<32x10000xi32, #tpu.memory_space<hbm>>, %arg4: memref<16x125x80xi32, #tpu.memory_space<hbm>>, %arg5: memref<624x128xf32, #tpu.memory_space<hbm>>, %arg6: memref<20000x128xf32, #tpu.memory_space<hbm>>, %arg7: memref<10000xi32, #tpu.memory_space<vmem>>, %arg8: memref<125x80xi32, #tpu.memory_space<vmem>>, %arg9: memref<80x128xf32, #tpu.memory_space<vmem>>, %arg10: memref<80x128xf32, #tpu.memory_space<vmem>>, %arg11: memref<10000x128xf32, #tpu.memory_space<vmem_shared>>, %arg12: memref<!tpu.dma_semaphore, #tpu.memory_space<semaphore_mem>>, %arg13: memref<!tpu.dma_semaphore, #tpu.memory_space<semaphore_mem>>) attributes {dimension_semantics = [#tpu.dimension_semantics<core_parallel>, #tpu.dimension_semantics<subcore_parallel>], iteration_bounds = array<i64: 2, 16>, scalar_prefetch = 0 : i64, scratch_operands = 7 : i64, tpu.core_type = #tpu.core_type<sc_vector_subcore>, window_params = [{transform_indices = #map}, {transform_indices = #map}, {transform_indices = #map1}, {transform_indices = #map}, {transform_indices = #map}]} {
    %mul3A = arith.constant 624 : i32
    %mul3A_0 = arith.muli %arg1, %mul3A : i32
    "tpu.region"() ({
      %run_scoped3A_35 = tpu.sem_alloc : memref<!tpu.dma_semaphore, #tpu.memory_space<semaphore_mem>>
      %dma_start3A_36 = arith.constant 0 : i32
      %dma_start3A_37 = tpu.memref_slice %arg11[%mul3A_0, %dma_start3A_36] : memref<10000x128xf32, #tpu.memory_space<vmem_shared>> -> memref<624x128xf32, #tpu.memory_space<vmem_shared>>
      tpu.enqueue_dma source(%arg5 : memref<624x128xf32, #tpu.memory_space<hbm>>) target(%dma_start3A_37 : memref<624x128xf32, #tpu.memory_space<vmem_shared>>) target_semaphore(%run_scoped3A_35 : memref<!tpu.dma_semaphore, #tpu.memory_space<semaphore_mem>>)
      %dma_wait3A_38 = arith.constant 0 : i32
      %dma_wait3A_39 = tpu.memref_slice %arg11[%mul3A_0, %dma_wait3A_38] : memref<10000x128xf32, #tpu.memory_space<vmem_shared>> -> memref<624x128xf32, #tpu.memory_space<vmem_shared>>
      tpu.wait_dma2 semaphore(%run_scoped3A_35 : memref<!tpu.dma_semaphore, #tpu.memory_space<semaphore_mem>>) src(%arg5 : memref<624x128xf32, #tpu.memory_space<hbm>>) dst(%dma_wait3A_39 : memref<624x128xf32, #tpu.memory_space<vmem_shared>>)
      tpu.yield
    }) : () -> ()
    %eq3A = arith.constant 0 : i32
    %eq3A_1 = arith.cmpi eq, %arg1, %eq3A : i32
    %convert_element_type3A = arith.extui %eq3A_1 : i1 to i32
    %cond3A = arith.constant 0 : i32
    %cond3A_2 = arith.cmpi ne, %convert_element_type3A, %cond3A : i32
    scf.if %cond3A_2 {
      "tpu.region"() ({
        %run_scoped3A_35 = tpu.sem_alloc : memref<!tpu.dma_semaphore, #tpu.memory_space<semaphore_mem>>
        %dma_start3A_36 = arith.constant 9984 : i32
        %dma_start3A_37 = arith.constant 0 : i32
        %dma_start3A_38 = tpu.memref_slice %arg11[%dma_start3A_36, %dma_start3A_37] : memref<10000x128xf32, #tpu.memory_space<vmem_shared>> -> memref<16x128xf32, #tpu.memory_space<vmem_shared>>
        %dma_start3A_39 = arith.constant 0 : i32
        %dma_start3A_40 = arith.constant 0 : i32
        %dma_start3A_41 = tpu.memref_slice %arg5[%dma_start3A_39, %dma_start3A_40] : memref<624x128xf32, #tpu.memory_space<hbm>> -> memref<16x128xf32, #tpu.memory_space<hbm>>
        tpu.enqueue_dma source(%dma_start3A_41 : memref<16x128xf32, #tpu.memory_space<hbm>>) target(%dma_start3A_38 : memref<16x128xf32, #tpu.memory_space<vmem_shared>>) target_semaphore(%run_scoped3A_35 : memref<!tpu.dma_semaphore, #tpu.memory_space<semaphore_mem>>)
        %dma_wait3A_42 = arith.constant 9984 : i32
        %dma_wait3A_43 = arith.constant 0 : i32
        %dma_wait3A_44 = tpu.memref_slice %arg11[%dma_wait3A_42, %dma_wait3A_43] : memref<10000x128xf32, #tpu.memory_space<vmem_shared>> -> memref<16x128xf32, #tpu.memory_space<vmem_shared>>
        %dma_wait3A_45 = arith.constant 0 : i32
        %dma_wait3A_46 = arith.constant 0 : i32
        %dma_wait3A_47 = tpu.memref_slice %arg5[%dma_wait3A_45, %dma_wait3A_46] : memref<624x128xf32, #tpu.memory_space<hbm>> -> memref<16x128xf32, #tpu.memory_space<hbm>>
        tpu.wait_dma2 semaphore(%run_scoped3A_35 : memref<!tpu.dma_semaphore, #tpu.memory_space<semaphore_mem>>) src(%dma_wait3A_47 : memref<16x128xf32, #tpu.memory_space<hbm>>) dst(%dma_wait3A_44 : memref<16x128xf32, #tpu.memory_space<vmem_shared>>)
        tpu.yield
      }) : () -> ()
    } else {
    }
    %mul3A_3 = arith.constant 16 : i32
    %mul3A_4 = arith.muli %arg0, %mul3A_3 : i32
    %add3A = arith.addi %mul3A_4, %arg1 : i32
    "tpu.region"() ({
      %run_scoped3A_35 = tpu.sem_alloc : memref<!tpu.dma_semaphore, #tpu.memory_space<semaphore_mem>>
      %dma_start3A_36 = arith.constant 0 : i32
      %dma_start3A_37 = tpu.memref_slice %arg3[%add3A, %dma_start3A_36] : memref<32x10000xi32, #tpu.memory_space<hbm>> -> memref<1x10000xi32, #tpu.memory_space<hbm>>
      %dma_start3A_38 = tpu.memref_squeeze %dma_start3A_37 : memref<1x10000xi32, #tpu.memory_space<hbm>> -> memref<10000xi32, #tpu.memory_space<hbm>>
      %dma_start3A_39 = arith.constant 0 : i32
      %dma_start3A_40 = tpu.memref_slice %arg3[%add3A, %dma_start3A_39] : memref<32x10000xi32, #tpu.memory_space<hbm>> -> memref<1x10000xi32, #tpu.memory_space<hbm>>
      %dma_start3A_41 = tpu.memref_squeeze %dma_start3A_40 : memref<1x10000xi32, #tpu.memory_space<hbm>> -> memref<10000xi32, #tpu.memory_space<hbm>>
      tpu.enqueue_dma source(%dma_start3A_41 : memref<10000xi32, #tpu.memory_space<hbm>>) target(%arg7 : memref<10000xi32, #tpu.memory_space<vmem>>) target_semaphore(%run_scoped3A_35 : memref<!tpu.dma_semaphore, #tpu.memory_space<semaphore_mem>>)
      %dma_wait3A_42 = arith.constant 0 : i32
      %dma_wait3A_43 = tpu.memref_slice %arg3[%add3A, %dma_wait3A_42] : memref<32x10000xi32, #tpu.memory_space<hbm>> -> memref<1x10000xi32, #tpu.memory_space<hbm>>
      %dma_wait3A_44 = tpu.memref_squeeze %dma_wait3A_43 : memref<1x10000xi32, #tpu.memory_space<hbm>> -> memref<10000xi32, #tpu.memory_space<hbm>>
      %dma_wait3A_45 = arith.constant 0 : i32
      %dma_wait3A_46 = tpu.memref_slice %arg3[%add3A, %dma_wait3A_45] : memref<32x10000xi32, #tpu.memory_space<hbm>> -> memref<1x10000xi32, #tpu.memory_space<hbm>>
      %dma_wait3A_47 = tpu.memref_squeeze %dma_wait3A_46 : memref<1x10000xi32, #tpu.memory_space<hbm>> -> memref<10000xi32, #tpu.memory_space<hbm>>
      tpu.wait_dma2 semaphore(%run_scoped3A_35 : memref<!tpu.dma_semaphore, #tpu.memory_space<semaphore_mem>>) src(%dma_wait3A_47 : memref<10000xi32, #tpu.memory_space<hbm>>) dst(%arg7 : memref<10000xi32, #tpu.memory_space<vmem>>)
      tpu.yield
    }) : () -> ()
    "tpu.region"() ({
      %run_scoped3A_35 = tpu.sem_alloc : memref<!tpu.dma_semaphore, #tpu.memory_space<semaphore_mem>>
      %dma_start3A_36 = arith.constant 0 : i32
      %dma_start3A_37 = arith.constant 0 : i32
      %dma_start3A_38 = tpu.memref_slice %arg4[%arg1, %dma_start3A_36, %dma_start3A_37] : memref<16x125x80xi32, #tpu.memory_space<hbm>> -> memref<1x125x80xi32, #tpu.memory_space<hbm>>
      %dma_start3A_39 = tpu.memref_squeeze %dma_start3A_38 : memref<1x125x80xi32, #tpu.memory_space<hbm>> -> memref<125x80xi32, #tpu.memory_space<hbm>>
      %dma_start3A_40 = arith.constant 0 : i32
      %dma_start3A_41 = arith.constant 0 : i32
      %dma_start3A_42 = tpu.memref_slice %arg4[%arg1, %dma_start3A_40, %dma_start3A_41] : memref<16x125x80xi32, #tpu.memory_space<hbm>> -> memref<1x125x80xi32, #tpu.memory_space<hbm>>
      %dma_start3A_43 = tpu.memref_squeeze %dma_start3A_42 : memref<1x125x80xi32, #tpu.memory_space<hbm>> -> memref<125x80xi32, #tpu.memory_space<hbm>>
      tpu.enqueue_dma source(%dma_start3A_43 : memref<125x80xi32, #tpu.memory_space<hbm>>) target(%arg8 : memref<125x80xi32, #tpu.memory_space<vmem>>) target_semaphore(%run_scoped3A_35 : memref<!tpu.dma_semaphore, #tpu.memory_space<semaphore_mem>>)
      %dma_wait3A_44 = arith.constant 0 : i32
      %dma_wait3A_45 = arith.constant 0 : i32
      %dma_wait3A_46 = tpu.memref_slice %arg4[%arg1, %dma_wait3A_44, %dma_wait3A_45] : memref<16x125x80xi32, #tpu.memory_space<hbm>> -> memref<1x125x80xi32, #tpu.memory_space<hbm>>
      %dma_wait3A_47 = tpu.memref_squeeze %dma_wait3A_46 : memref<1x125x80xi32, #tpu.memory_space<hbm>> -> memref<125x80xi32, #tpu.memory_space<hbm>>
      %dma_wait3A_48 = arith.constant 0 : i32
      %dma_wait3A_49 = arith.constant 0 : i32
      %dma_wait3A_50 = tpu.memref_slice %arg4[%arg1, %dma_wait3A_48, %dma_wait3A_49] : memref<16x125x80xi32, #tpu.memory_space<hbm>> -> memref<1x125x80xi32, #tpu.memory_space<hbm>>
      %dma_wait3A_51 = tpu.memref_squeeze %dma_wait3A_50 : memref<1x125x80xi32, #tpu.memory_space<hbm>> -> memref<125x80xi32, #tpu.memory_space<hbm>>
      tpu.wait_dma2 semaphore(%run_scoped3A_35 : memref<!tpu.dma_semaphore, #tpu.memory_space<semaphore_mem>>) src(%dma_wait3A_51 : memref<125x80xi32, #tpu.memory_space<hbm>>) dst(%arg8 : memref<125x80xi32, #tpu.memory_space<vmem>>)
      tpu.yield
    }) : () -> ()
    %barrier3A = arith.constant 0 : index
    tpu.barrier barrier_id(%barrier3A)
    %dma_start3A = arith.constant 0 : i32
    %dma_start3A_5 = tpu.memref_slice %arg7[%dma_start3A] : memref<10000xi32, #tpu.memory_space<vmem>> -> memref<80xi32, #tpu.memory_space<vmem>>
    %dma_start3A_6 = arith.constant 0 : i32
    %dma_start3A_7 = arith.constant 0 : i32
    %dma_start3A_8 = tpu.memref_slice %arg2[%dma_start3A_6, %dma_start3A_7] : memref<20000x128xf32, #tpu.memory_space<hbm>> -> memref<20000x128xf32, #tpu.memory_space<hbm>>
    tpu.enqueue_indirect_dma source(%dma_start3A_8 : memref<20000x128xf32, #tpu.memory_space<hbm>>) target(%arg9 : memref<80x128xf32, #tpu.memory_space<vmem>>) offsets(%dma_start3A_5 : memref<80xi32, #tpu.memory_space<vmem>>) semaphore(%arg12 : memref<!tpu.dma_semaphore, #tpu.memory_space<semaphore_mem>>)
    %dma_start3A_9 = arith.constant 80 : i32
    %dma_start3A_10 = tpu.memref_slice %arg7[%dma_start3A_9] : memref<10000xi32, #tpu.memory_space<vmem>> -> memref<80xi32, #tpu.memory_space<vmem>>
    %dma_start3A_11 = arith.constant 0 : i32
    %dma_start3A_12 = arith.constant 0 : i32
    %dma_start3A_13 = tpu.memref_slice %arg2[%dma_start3A_11, %dma_start3A_12] : memref<20000x128xf32, #tpu.memory_space<hbm>> -> memref<20000x128xf32, #tpu.memory_space<hbm>>
    tpu.enqueue_indirect_dma source(%dma_start3A_13 : memref<20000x128xf32, #tpu.memory_space<hbm>>) target(%arg10 : memref<80x128xf32, #tpu.memory_space<vmem>>) offsets(%dma_start3A_10 : memref<80xi32, #tpu.memory_space<vmem>>) semaphore(%arg13 : memref<!tpu.dma_semaphore, #tpu.memory_space<semaphore_mem>>)
    %scan3A = arith.constant 0 : i32
    %scan3A_14 = arith.constant 62 : i32
    %scan3A_15 = arith.addi %scan3A, %scan3A_14 : i32
    %scan3A_16 = arith.constant 1 : i32
    scf.for %scan3A_35 = %scan3A to %scan3A_15 step %scan3A_16  : i32 {
      %mul3A_36 = arith.constant 1 : i32
      %mul3A_37 = arith.muli %scan3A_35, %mul3A_36 : i32
      %add3A_38 = arith.constant 0 : i32
      %add3A_39 = arith.addi %add3A_38, %mul3A_37 : i32
      %mul3A_40 = arith.constant 2 : i32
      %mul3A_41 = arith.muli %mul3A_40, %add3A_39 : i32
      %add3A_42 = arith.constant 0 : i32
      %add3A_43 = arith.addi %mul3A_41, %add3A_42 : i32
      %mul3A_44 = arith.constant 80 : i32
      %mul3A_45 = arith.muli %add3A_43, %mul3A_44 : i32
      %dma_wait3A_46 = tpu.memref_slice %arg7[%mul3A_45] : memref<10000xi32, #tpu.memory_space<vmem>> -> memref<80xi32, #tpu.memory_space<vmem>>
      %dma_wait3A_47 = arith.constant 0 : i32
      %dma_wait3A_48 = arith.constant 0 : i32
      %dma_wait3A_49 = tpu.memref_slice %arg2[%dma_wait3A_47, %dma_wait3A_48] : memref<20000x128xf32, #tpu.memory_space<hbm>> -> memref<20000x128xf32, #tpu.memory_space<hbm>>
      tpu.wait_indirect_dma semaphore(%arg12 : memref<!tpu.dma_semaphore, #tpu.memory_space<semaphore_mem>>) src(%dma_wait3A_49 : memref<20000x128xf32, #tpu.memory_space<hbm>>) dst(%arg9 : memref<80x128xf32, #tpu.memory_space<vmem>>)
      "tpu.region"() ({
        %run_scoped3A_73 = tpu.sem_alloc : memref<!tpu.dma_semaphore, #tpu.memory_space<semaphore_mem>>
        %dma_start3A_74 = arith.constant 0 : i32
        %dma_start3A_75 = tpu.memref_slice %arg8[%add3A_43, %dma_start3A_74] : memref<125x80xi32, #tpu.memory_space<vmem>> -> memref<1x80xi32, #tpu.memory_space<vmem>>
        %dma_start3A_76 = tpu.memref_squeeze %dma_start3A_75 : memref<1x80xi32, #tpu.memory_space<vmem>> -> memref<80xi32, #tpu.memory_space<vmem>>
        %dma_start3A_77 = arith.constant 0 : i32
        %dma_start3A_78 = arith.constant 0 : i32
        %dma_start3A_79 = tpu.memref_slice %arg11[%dma_start3A_77, %dma_start3A_78] : memref<10000x128xf32, #tpu.memory_space<vmem_shared>> -> memref<10000x128xf32, #tpu.memory_space<vmem_shared>>
        tpu.enqueue_indirect_dma source(%arg9 : memref<80x128xf32, #tpu.memory_space<vmem>>) target(%dma_start3A_79 : memref<10000x128xf32, #tpu.memory_space<vmem_shared>>) offsets(%dma_start3A_76 : memref<80xi32, #tpu.memory_space<vmem>>) semaphore(%run_scoped3A_73 : memref<!tpu.dma_semaphore, #tpu.memory_space<semaphore_mem>>) {add = true}
        %dma_wait3A_80 = arith.constant 0 : i32
        %dma_wait3A_81 = tpu.memref_slice %arg8[%add3A_43, %dma_wait3A_80] : memref<125x80xi32, #tpu.memory_space<vmem>> -> memref<1x80xi32, #tpu.memory_space<vmem>>
        %dma_wait3A_82 = tpu.memref_squeeze %dma_wait3A_81 : memref<1x80xi32, #tpu.memory_space<vmem>> -> memref<80xi32, #tpu.memory_space<vmem>>
        %dma_wait3A_83 = arith.constant 0 : i32
        %dma_wait3A_84 = arith.constant 0 : i32
        %dma_wait3A_85 = tpu.memref_slice %arg11[%dma_wait3A_83, %dma_wait3A_84] : memref<10000x128xf32, #tpu.memory_space<vmem_shared>> -> memref<10000x128xf32, #tpu.memory_space<vmem_shared>>
        tpu.wait_indirect_dma semaphore(%run_scoped3A_73 : memref<!tpu.dma_semaphore, #tpu.memory_space<semaphore_mem>>) src(%arg9 : memref<80x128xf32, #tpu.memory_space<vmem>>) dst(%dma_wait3A_85 : memref<10000x128xf32, #tpu.memory_space<vmem_shared>>)
        tpu.yield
      }) : () -> ()
      %add3A_50 = arith.constant 2 : i32
      %add3A_51 = arith.addi %add3A_43, %add3A_50 : i32
      %lt3A = arith.constant 125 : i32
      %lt3A_52 = arith.cmpi slt, %add3A_51, %lt3A : i32
      %convert_element_type3A_53 = arith.extui %lt3A_52 : i1 to i32
      %cond3A_54 = arith.constant 0 : i32
      %cond3A_55 = arith.cmpi ne, %convert_element_type3A_53, %cond3A_54 : i32
      scf.if %cond3A_55 {
        %add3A_73 = arith.constant 2 : i32
        %add3A_74 = arith.addi %add3A_43, %add3A_73 : i32
        %mul3A_75 = arith.constant 80 : i32
        %mul3A_76 = arith.muli %add3A_74, %mul3A_75 : i32
        %dma_start3A_77 = tpu.memref_slice %arg7[%mul3A_76] : memref<10000xi32, #tpu.memory_space<vmem>> -> memref<80xi32, #tpu.memory_space<vmem>>
        %dma_start3A_78 = arith.constant 0 : i32
        %dma_start3A_79 = arith.constant 0 : i32
        %dma_start3A_80 = tpu.memref_slice %arg2[%dma_start3A_78, %dma_start3A_79] : memref<20000x128xf32, #tpu.memory_space<hbm>> -> memref<20000x128xf32, #tpu.memory_space<hbm>>
        tpu.enqueue_indirect_dma source(%dma_start3A_80 : memref<20000x128xf32, #tpu.memory_space<hbm>>) target(%arg9 : memref<80x128xf32, #tpu.memory_space<vmem>>) offsets(%dma_start3A_77 : memref<80xi32, #tpu.memory_space<vmem>>) semaphore(%arg12 : memref<!tpu.dma_semaphore, #tpu.memory_space<semaphore_mem>>)
      } else {
      }
      %mul3A_56 = arith.constant 2 : i32
      %mul3A_57 = arith.muli %mul3A_56, %add3A_39 : i32
      %add3A_58 = arith.constant 1 : i32
      %add3A_59 = arith.addi %mul3A_57, %add3A_58 : i32
      %mul3A_60 = arith.constant 80 : i32
      %mul3A_61 = arith.muli %add3A_59, %mul3A_60 : i32
      %dma_wait3A_62 = tpu.memref_slice %arg7[%mul3A_61] : memref<10000xi32, #tpu.memory_space<vmem>> -> memref<80xi32, #tpu.memory_space<vmem>>
      %dma_wait3A_63 = arith.constant 0 : i32
      %dma_wait3A_64 = arith.constant 0 : i32
      %dma_wait3A_65 = tpu.memref_slice %arg2[%dma_wait3A_63, %dma_wait3A_64] : memref<20000x128xf32, #tpu.memory_space<hbm>> -> memref<20000x128xf32, #tpu.memory_space<hbm>>
      tpu.wait_indirect_dma semaphore(%arg13 : memref<!tpu.dma_semaphore, #tpu.memory_space<semaphore_mem>>) src(%dma_wait3A_65 : memref<20000x128xf32, #tpu.memory_space<hbm>>) dst(%arg10 : memref<80x128xf32, #tpu.memory_space<vmem>>)
      "tpu.region"() ({
        %run_scoped3A_73 = tpu.sem_alloc : memref<!tpu.dma_semaphore, #tpu.memory_space<semaphore_mem>>
        %dma_start3A_74 = arith.constant 0 : i32
        %dma_start3A_75 = tpu.memref_slice %arg8[%add3A_59, %dma_start3A_74] : memref<125x80xi32, #tpu.memory_space<vmem>> -> memref<1x80xi32, #tpu.memory_space<vmem>>
        %dma_start3A_76 = tpu.memref_squeeze %dma_start3A_75 : memref<1x80xi32, #tpu.memory_space<vmem>> -> memref<80xi32, #tpu.memory_space<vmem>>
        %dma_start3A_77 = arith.constant 0 : i32
        %dma_start3A_78 = arith.constant 0 : i32
        %dma_start3A_79 = tpu.memref_slice %arg11[%dma_start3A_77, %dma_start3A_78] : memref<10000x128xf32, #tpu.memory_space<vmem_shared>> -> memref<10000x128xf32, #tpu.memory_space<vmem_shared>>
        tpu.enqueue_indirect_dma source(%arg10 : memref<80x128xf32, #tpu.memory_space<vmem>>) target(%dma_start3A_79 : memref<10000x128xf32, #tpu.memory_space<vmem_shared>>) offsets(%dma_start3A_76 : memref<80xi32, #tpu.memory_space<vmem>>) semaphore(%run_scoped3A_73 : memref<!tpu.dma_semaphore, #tpu.memory_space<semaphore_mem>>) {add = true}
        %dma_wait3A_80 = arith.constant 0 : i32
        %dma_wait3A_81 = tpu.memref_slice %arg8[%add3A_59, %dma_wait3A_80] : memref<125x80xi32, #tpu.memory_space<vmem>> -> memref<1x80xi32, #tpu.memory_space<vmem>>
        %dma_wait3A_82 = tpu.memref_squeeze %dma_wait3A_81 : memref<1x80xi32, #tpu.memory_space<vmem>> -> memref<80xi32, #tpu.memory_space<vmem>>
        %dma_wait3A_83 = arith.constant 0 : i32
        %dma_wait3A_84 = arith.constant 0 : i32
        %dma_wait3A_85 = tpu.memref_slice %arg11[%dma_wait3A_83, %dma_wait3A_84] : memref<10000x128xf32, #tpu.memory_space<vmem_shared>> -> memref<10000x128xf32, #tpu.memory_space<vmem_shared>>
        tpu.wait_indirect_dma semaphore(%run_scoped3A_73 : memref<!tpu.dma_semaphore, #tpu.memory_space<semaphore_mem>>) src(%arg10 : memref<80x128xf32, #tpu.memory_space<vmem>>) dst(%dma_wait3A_85 : memref<10000x128xf32, #tpu.memory_space<vmem_shared>>)
        tpu.yield
      }) : () -> ()
      %add3A_66 = arith.constant 2 : i32
      %add3A_67 = arith.addi %add3A_59, %add3A_66 : i32
      %lt3A_68 = arith.constant 125 : i32
      %lt3A_69 = arith.cmpi slt, %add3A_67, %lt3A_68 : i32
      %convert_element_type3A_70 = arith.extui %lt3A_69 : i1 to i32
      %cond3A_71 = arith.constant 0 : i32
      %cond3A_72 = arith.cmpi ne, %convert_element_type3A_70, %cond3A_71 : i32
      scf.if %cond3A_72 {
        %add3A_73 = arith.constant 2 : i32
        %add3A_74 = arith.addi %add3A_59, %add3A_73 : i32
        %mul3A_75 = arith.constant 80 : i32
        %mul3A_76 = arith.muli %add3A_74, %mul3A_75 : i32
        %dma_start3A_77 = tpu.memref_slice %arg7[%mul3A_76] : memref<10000xi32, #tpu.memory_space<vmem>> -> memref<80xi32, #tpu.memory_space<vmem>>
        %dma_start3A_78 = arith.constant 0 : i32
        %dma_start3A_79 = arith.constant 0 : i32
        %dma_start3A_80 = tpu.memref_slice %arg2[%dma_start3A_78, %dma_start3A_79] : memref<20000x128xf32, #tpu.memory_space<hbm>> -> memref<20000x128xf32, #tpu.memory_space<hbm>>
        tpu.enqueue_indirect_dma source(%dma_start3A_80 : memref<20000x128xf32, #tpu.memory_space<hbm>>) target(%arg10 : memref<80x128xf32, #tpu.memory_space<vmem>>) offsets(%dma_start3A_77 : memref<80xi32, #tpu.memory_space<vmem>>) semaphore(%arg13 : memref<!tpu.dma_semaphore, #tpu.memory_space<semaphore_mem>>)
      } else {
      }
    }
    %scan3A_17 = arith.constant 62 : i32
    %dma_wait3A = arith.constant 9920 : i32
    %dma_wait3A_18 = tpu.memref_slice %arg7[%dma_wait3A] : memref<10000xi32, #tpu.memory_space<vmem>> -> memref<80xi32, #tpu.memory_space<vmem>>
    %dma_wait3A_19 = arith.constant 0 : i32
    %dma_wait3A_20 = arith.constant 0 : i32
    %dma_wait3A_21 = tpu.memref_slice %arg2[%dma_wait3A_19, %dma_wait3A_20] : memref<20000x128xf32, #tpu.memory_space<hbm>> -> memref<20000x128xf32, #tpu.memory_space<hbm>>
    tpu.wait_indirect_dma semaphore(%arg12 : memref<!tpu.dma_semaphore, #tpu.memory_space<semaphore_mem>>) src(%dma_wait3A_21 : memref<20000x128xf32, #tpu.memory_space<hbm>>) dst(%arg9 : memref<80x128xf32, #tpu.memory_space<vmem>>)
    %run_scoped3A = arith.constant 124 : i32
    "tpu.region"() ({
      %run_scoped3A_35 = tpu.sem_alloc : memref<!tpu.dma_semaphore, #tpu.memory_space<semaphore_mem>>
      %dma_start3A_36 = arith.constant 0 : i32
      %dma_start3A_37 = tpu.memref_slice %arg8[%run_scoped3A, %dma_start3A_36] : memref<125x80xi32, #tpu.memory_space<vmem>> -> memref<1x80xi32, #tpu.memory_space<vmem>>
      %dma_start3A_38 = tpu.memref_squeeze %dma_start3A_37 : memref<1x80xi32, #tpu.memory_space<vmem>> -> memref<80xi32, #tpu.memory_space<vmem>>
      %dma_start3A_39 = arith.constant 0 : i32
      %dma_start3A_40 = arith.constant 0 : i32
      %dma_start3A_41 = tpu.memref_slice %arg11[%dma_start3A_39, %dma_start3A_40] : memref<10000x128xf32, #tpu.memory_space<vmem_shared>> -> memref<10000x128xf32, #tpu.memory_space<vmem_shared>>
      tpu.enqueue_indirect_dma source(%arg9 : memref<80x128xf32, #tpu.memory_space<vmem>>) target(%dma_start3A_41 : memref<10000x128xf32, #tpu.memory_space<vmem_shared>>) offsets(%dma_start3A_38 : memref<80xi32, #tpu.memory_space<vmem>>) semaphore(%run_scoped3A_35 : memref<!tpu.dma_semaphore, #tpu.memory_space<semaphore_mem>>) {add = true}
      %dma_wait3A_42 = arith.constant 0 : i32
      %dma_wait3A_43 = tpu.memref_slice %arg8[%run_scoped3A, %dma_wait3A_42] : memref<125x80xi32, #tpu.memory_space<vmem>> -> memref<1x80xi32, #tpu.memory_space<vmem>>
      %dma_wait3A_44 = tpu.memref_squeeze %dma_wait3A_43 : memref<1x80xi32, #tpu.memory_space<vmem>> -> memref<80xi32, #tpu.memory_space<vmem>>
      %dma_wait3A_45 = arith.constant 0 : i32
      %dma_wait3A_46 = arith.constant 0 : i32
      %dma_wait3A_47 = tpu.memref_slice %arg11[%dma_wait3A_45, %dma_wait3A_46] : memref<10000x128xf32, #tpu.memory_space<vmem_shared>> -> memref<10000x128xf32, #tpu.memory_space<vmem_shared>>
      tpu.wait_indirect_dma semaphore(%run_scoped3A_35 : memref<!tpu.dma_semaphore, #tpu.memory_space<semaphore_mem>>) src(%arg9 : memref<80x128xf32, #tpu.memory_space<vmem>>) dst(%dma_wait3A_47 : memref<10000x128xf32, #tpu.memory_space<vmem_shared>>)
      tpu.yield
    }) : () -> ()
    %barrier3A_22 = arith.constant 0 : index
    tpu.barrier barrier_id(%barrier3A_22)
    %mul3A_23 = arith.constant 624 : i32
    %mul3A_24 = arith.muli %arg1, %mul3A_23 : i32
    %mul3A_25 = arith.constant 10000 : i32
    %mul3A_26 = arith.muli %arg0, %mul3A_25 : i32
    %mul3A_27 = arith.constant 624 : i32
    %mul3A_28 = arith.muli %arg1, %mul3A_27 : i32
    %add3A_29 = arith.addi %mul3A_26, %mul3A_28 : i32
    "tpu.region"() ({
      %run_scoped3A_35 = tpu.sem_alloc : memref<!tpu.dma_semaphore, #tpu.memory_space<semaphore_mem>>
      %dma_start3A_36 = arith.constant 0 : i32
      %dma_start3A_37 = tpu.memref_slice %arg6[%add3A_29, %dma_start3A_36] : memref<20000x128xf32, #tpu.memory_space<hbm>> -> memref<624x128xf32, #tpu.memory_space<hbm>>
      %dma_start3A_38 = arith.constant 0 : i32
      %dma_start3A_39 = tpu.memref_slice %arg11[%mul3A_24, %dma_start3A_38] : memref<10000x128xf32, #tpu.memory_space<vmem_shared>> -> memref<624x128xf32, #tpu.memory_space<vmem_shared>>
      tpu.enqueue_dma source(%dma_start3A_39 : memref<624x128xf32, #tpu.memory_space<vmem_shared>>) target(%dma_start3A_37 : memref<624x128xf32, #tpu.memory_space<hbm>>) target_semaphore(%run_scoped3A_35 : memref<!tpu.dma_semaphore, #tpu.memory_space<semaphore_mem>>)
      %dma_wait3A_40 = arith.constant 0 : i32
      %dma_wait3A_41 = tpu.memref_slice %arg6[%add3A_29, %dma_wait3A_40] : memref<20000x128xf32, #tpu.memory_space<hbm>> -> memref<624x128xf32, #tpu.memory_space<hbm>>
      %dma_wait3A_42 = arith.constant 0 : i32
      %dma_wait3A_43 = tpu.memref_slice %arg11[%mul3A_24, %dma_wait3A_42] : memref<10000x128xf32, #tpu.memory_space<vmem_shared>> -> memref<624x128xf32, #tpu.memory_space<vmem_shared>>
      tpu.wait_dma2 semaphore(%run_scoped3A_35 : memref<!tpu.dma_semaphore, #tpu.memory_space<semaphore_mem>>) src(%dma_wait3A_43 : memref<624x128xf32, #tpu.memory_space<vmem_shared>>) dst(%dma_wait3A_41 : memref<624x128xf32, #tpu.memory_space<hbm>>)
      tpu.yield
    }) : () -> ()
    %eq3A_30 = arith.constant 0 : i32
    %eq3A_31 = arith.cmpi eq, %arg1, %eq3A_30 : i32
    %convert_element_type3A_32 = arith.extui %eq3A_31 : i1 to i32
    %cond3A_33 = arith.constant 0 : i32
    %cond3A_34 = arith.cmpi ne, %convert_element_type3A_32, %cond3A_33 : i32
    scf.if %cond3A_34 {
      %mul3A_35 = arith.constant 10000 : i32
      %mul3A_36 = arith.muli %arg0, %mul3A_35 : i32
      %add3A_37 = arith.constant 9984 : i32
      %add3A_38 = arith.addi %mul3A_36, %add3A_37 : i32
      "tpu.region"() ({
        %run_scoped3A_39 = tpu.sem_alloc : memref<!tpu.dma_semaphore, #tpu.memory_space<semaphore_mem>>
        %dma_start3A_40 = arith.constant 0 : i32
        %dma_start3A_41 = tpu.memref_slice %arg6[%add3A_38, %dma_start3A_40] : memref<20000x128xf32, #tpu.memory_space<hbm>> -> memref<16x128xf32, #tpu.memory_space<hbm>>
        %dma_start3A_42 = arith.constant 9984 : i32
        %dma_start3A_43 = arith.constant 0 : i32
        %dma_start3A_44 = tpu.memref_slice %arg11[%dma_start3A_42, %dma_start3A_43] : memref<10000x128xf32, #tpu.memory_space<vmem_shared>> -> memref<16x128xf32, #tpu.memory_space<vmem_shared>>
        tpu.enqueue_dma source(%dma_start3A_44 : memref<16x128xf32, #tpu.memory_space<vmem_shared>>) target(%dma_start3A_41 : memref<16x128xf32, #tpu.memory_space<hbm>>) target_semaphore(%run_scoped3A_39 : memref<!tpu.dma_semaphore, #tpu.memory_space<semaphore_mem>>)
        %dma_wait3A_45 = arith.constant 0 : i32
        %dma_wait3A_46 = tpu.memref_slice %arg6[%add3A_38, %dma_wait3A_45] : memref<20000x128xf32, #tpu.memory_space<hbm>> -> memref<16x128xf32, #tpu.memory_space<hbm>>
        %dma_wait3A_47 = arith.constant 9984 : i32
        %dma_wait3A_48 = arith.constant 0 : i32
        %dma_wait3A_49 = tpu.memref_slice %arg11[%dma_wait3A_47, %dma_wait3A_48] : memref<10000x128xf32, #tpu.memory_space<vmem_shared>> -> memref<16x128xf32, #tpu.memory_space<vmem_shared>>
        tpu.wait_dma2 semaphore(%run_scoped3A_39 : memref<!tpu.dma_semaphore, #tpu.memory_space<semaphore_mem>>) src(%dma_wait3A_49 : memref<16x128xf32, #tpu.memory_space<vmem_shared>>) dst(%dma_wait3A_46 : memref<16x128xf32, #tpu.memory_space<hbm>>)
        tpu.yield
      }) : () -> ()
    } else {
    }
    return
  }
}

#map = affine_map<(d0, d1) -> (0, 0)>
#map1 = affine_map<(d0, d1) -> (0, 0, 0)>
module attributes {stable_mosaic.version = 14 : i64} {
  func.func @_sc_agg_body(%arg0: i32, %arg1: i32, %arg2: memref<20000x128xf32, #tpu.memory_space<hbm>>, %arg3: memref<32x10000xi32, #tpu.memory_space<hbm>>, %arg4: memref<16x125x80xi32, #tpu.memory_space<hbm>>, %arg5: memref<624x128xf32, #tpu.memory_space<hbm>>, %arg6: memref<20000x128xf32, #tpu.memory_space<hbm>>, %arg7: memref<10000xi32, #tpu.memory_space<vmem>>, %arg8: memref<125x80xi32, #tpu.memory_space<vmem>>, %arg9: memref<80x128xf32, #tpu.memory_space<vmem>>, %arg10: memref<80x128xf32, #tpu.memory_space<vmem>>, %arg11: memref<10000x128xf32, #tpu.memory_space<vmem_shared>>, %arg12: memref<!tpu.dma_semaphore, #tpu.memory_space<semaphore_mem>>, %arg13: memref<!tpu.dma_semaphore, #tpu.memory_space<semaphore_mem>>) attributes {dimension_semantics = [#tpu.dimension_semantics<core_parallel>, #tpu.dimension_semantics<subcore_parallel>], iteration_bounds = array<i64: 2, 16>, scalar_prefetch = 0 : i64, scratch_operands = 7 : i64, tpu.core_type = #tpu.core_type<sc_vector_subcore>, window_params = [{transform_indices = #map}, {transform_indices = #map}, {transform_indices = #map1}, {transform_indices = #map}, {transform_indices = #map}]} {
    %mul3A = arith.constant 624 : i32
    %mul3A_0 = arith.muli %arg1, %mul3A : i32
    "tpu.region"() ({
      %run_scoped3A_35 = tpu.sem_alloc : memref<!tpu.dma_semaphore, #tpu.memory_space<semaphore_mem>>
      %dma_start3A_36 = arith.constant 0 : i32
      %dma_start3A_37 = tpu.memref_slice %arg11[%mul3A_0, %dma_start3A_36] : memref<10000x128xf32, #tpu.memory_space<vmem_shared>> -> memref<624x128xf32, #tpu.memory_space<vmem_shared>>
      tpu.enqueue_dma source(%arg5 : memref<624x128xf32, #tpu.memory_space<hbm>>) target(%dma_start3A_37 : memref<624x128xf32, #tpu.memory_space<vmem_shared>>) target_semaphore(%run_scoped3A_35 : memref<!tpu.dma_semaphore, #tpu.memory_space<semaphore_mem>>)
      %dma_wait3A_38 = arith.constant 0 : i32
      %dma_wait3A_39 = tpu.memref_slice %arg11[%mul3A_0, %dma_wait3A_38] : memref<10000x128xf32, #tpu.memory_space<vmem_shared>> -> memref<624x128xf32, #tpu.memory_space<vmem_shared>>
      tpu.wait_dma2 semaphore(%run_scoped3A_35 : memref<!tpu.dma_semaphore, #tpu.memory_space<semaphore_mem>>) src(%arg5 : memref<624x128xf32, #tpu.memory_space<hbm>>) dst(%dma_wait3A_39 : memref<624x128xf32, #tpu.memory_space<vmem_shared>>)
      tpu.yield
    }) : () -> ()
    %eq3A = arith.constant 0 : i32
    %eq3A_1 = arith.cmpi eq, %arg1, %eq3A : i32
    %convert_element_type3A = arith.extui %eq3A_1 : i1 to i32
    %cond3A = arith.constant 0 : i32
    %cond3A_2 = arith.cmpi ne, %convert_element_type3A, %cond3A : i32
    scf.if %cond3A_2 {
      "tpu.region"() ({
        %run_scoped3A_35 = tpu.sem_alloc : memref<!tpu.dma_semaphore, #tpu.memory_space<semaphore_mem>>
        %dma_start3A_36 = arith.constant 9984 : i32
        %dma_start3A_37 = arith.constant 0 : i32
        %dma_start3A_38 = tpu.memref_slice %arg11[%dma_start3A_36, %dma_start3A_37] : memref<10000x128xf32, #tpu.memory_space<vmem_shared>> -> memref<16x128xf32, #tpu.memory_space<vmem_shared>>
        %dma_start3A_39 = arith.constant 0 : i32
        %dma_start3A_40 = arith.constant 0 : i32
        %dma_start3A_41 = tpu.memref_slice %arg5[%dma_start3A_39, %dma_start3A_40] : memref<624x128xf32, #tpu.memory_space<hbm>> -> memref<16x128xf32, #tpu.memory_space<hbm>>
        tpu.enqueue_dma source(%dma_start3A_41 : memref<16x128xf32, #tpu.memory_space<hbm>>) target(%dma_start3A_38 : memref<16x128xf32, #tpu.memory_space<vmem_shared>>) target_semaphore(%run_scoped3A_35 : memref<!tpu.dma_semaphore, #tpu.memory_space<semaphore_mem>>)
        %dma_wait3A_42 = arith.constant 9984 : i32
        %dma_wait3A_43 = arith.constant 0 : i32
        %dma_wait3A_44 = tpu.memref_slice %arg11[%dma_wait3A_42, %dma_wait3A_43] : memref<10000x128xf32, #tpu.memory_space<vmem_shared>> -> memref<16x128xf32, #tpu.memory_space<vmem_shared>>
        %dma_wait3A_45 = arith.constant 0 : i32
        %dma_wait3A_46 = arith.constant 0 : i32
        %dma_wait3A_47 = tpu.memref_slice %arg5[%dma_wait3A_45, %dma_wait3A_46] : memref<624x128xf32, #tpu.memory_space<hbm>> -> memref<16x128xf32, #tpu.memory_space<hbm>>
        tpu.wait_dma2 semaphore(%run_scoped3A_35 : memref<!tpu.dma_semaphore, #tpu.memory_space<semaphore_mem>>) src(%dma_wait3A_47 : memref<16x128xf32, #tpu.memory_space<hbm>>) dst(%dma_wait3A_44 : memref<16x128xf32, #tpu.memory_space<vmem_shared>>)
        tpu.yield
      }) : () -> ()
    } else {
    }
    %mul3A_3 = arith.constant 16 : i32
    %mul3A_4 = arith.muli %arg0, %mul3A_3 : i32
    %add3A = arith.addi %mul3A_4, %arg1 : i32
    "tpu.region"() ({
      %run_scoped3A_35 = tpu.sem_alloc : memref<!tpu.dma_semaphore, #tpu.memory_space<semaphore_mem>>
      %dma_start3A_36 = arith.constant 0 : i32
      %dma_start3A_37 = tpu.memref_slice %arg3[%add3A, %dma_start3A_36] : memref<32x10000xi32, #tpu.memory_space<hbm>> -> memref<1x10000xi32, #tpu.memory_space<hbm>>
      %dma_start3A_38 = tpu.memref_squeeze %dma_start3A_37 : memref<1x10000xi32, #tpu.memory_space<hbm>> -> memref<10000xi32, #tpu.memory_space<hbm>>
      %dma_start3A_39 = arith.constant 0 : i32
      %dma_start3A_40 = tpu.memref_slice %arg3[%add3A, %dma_start3A_39] : memref<32x10000xi32, #tpu.memory_space<hbm>> -> memref<1x10000xi32, #tpu.memory_space<hbm>>
      %dma_start3A_41 = tpu.memref_squeeze %dma_start3A_40 : memref<1x10000xi32, #tpu.memory_space<hbm>> -> memref<10000xi32, #tpu.memory_space<hbm>>
      tpu.enqueue_dma source(%dma_start3A_41 : memref<10000xi32, #tpu.memory_space<hbm>>) target(%arg7 : memref<10000xi32, #tpu.memory_space<vmem>>) target_semaphore(%run_scoped3A_35 : memref<!tpu.dma_semaphore, #tpu.memory_space<semaphore_mem>>)
      %dma_wait3A_42 = arith.constant 0 : i32
      %dma_wait3A_43 = tpu.memref_slice %arg3[%add3A, %dma_wait3A_42] : memref<32x10000xi32, #tpu.memory_space<hbm>> -> memref<1x10000xi32, #tpu.memory_space<hbm>>
      %dma_wait3A_44 = tpu.memref_squeeze %dma_wait3A_43 : memref<1x10000xi32, #tpu.memory_space<hbm>> -> memref<10000xi32, #tpu.memory_space<hbm>>
      %dma_wait3A_45 = arith.constant 0 : i32
      %dma_wait3A_46 = tpu.memref_slice %arg3[%add3A, %dma_wait3A_45] : memref<32x10000xi32, #tpu.memory_space<hbm>> -> memref<1x10000xi32, #tpu.memory_space<hbm>>
      %dma_wait3A_47 = tpu.memref_squeeze %dma_wait3A_46 : memref<1x10000xi32, #tpu.memory_space<hbm>> -> memref<10000xi32, #tpu.memory_space<hbm>>
      tpu.wait_dma2 semaphore(%run_scoped3A_35 : memref<!tpu.dma_semaphore, #tpu.memory_space<semaphore_mem>>) src(%dma_wait3A_47 : memref<10000xi32, #tpu.memory_space<hbm>>) dst(%arg7 : memref<10000xi32, #tpu.memory_space<vmem>>)
      tpu.yield
    }) : () -> ()
    "tpu.region"() ({
      %run_scoped3A_35 = tpu.sem_alloc : memref<!tpu.dma_semaphore, #tpu.memory_space<semaphore_mem>>
      %dma_start3A_36 = arith.constant 0 : i32
      %dma_start3A_37 = arith.constant 0 : i32
      %dma_start3A_38 = tpu.memref_slice %arg4[%arg1, %dma_start3A_36, %dma_start3A_37] : memref<16x125x80xi32, #tpu.memory_space<hbm>> -> memref<1x125x80xi32, #tpu.memory_space<hbm>>
      %dma_start3A_39 = tpu.memref_squeeze %dma_start3A_38 : memref<1x125x80xi32, #tpu.memory_space<hbm>> -> memref<125x80xi32, #tpu.memory_space<hbm>>
      %dma_start3A_40 = arith.constant 0 : i32
      %dma_start3A_41 = arith.constant 0 : i32
      %dma_start3A_42 = tpu.memref_slice %arg4[%arg1, %dma_start3A_40, %dma_start3A_41] : memref<16x125x80xi32, #tpu.memory_space<hbm>> -> memref<1x125x80xi32, #tpu.memory_space<hbm>>
      %dma_start3A_43 = tpu.memref_squeeze %dma_start3A_42 : memref<1x125x80xi32, #tpu.memory_space<hbm>> -> memref<125x80xi32, #tpu.memory_space<hbm>>
      tpu.enqueue_dma source(%dma_start3A_43 : memref<125x80xi32, #tpu.memory_space<hbm>>) target(%arg8 : memref<125x80xi32, #tpu.memory_space<vmem>>) target_semaphore(%run_scoped3A_35 : memref<!tpu.dma_semaphore, #tpu.memory_space<semaphore_mem>>)
      %dma_wait3A_44 = arith.constant 0 : i32
      %dma_wait3A_45 = arith.constant 0 : i32
      %dma_wait3A_46 = tpu.memref_slice %arg4[%arg1, %dma_wait3A_44, %dma_wait3A_45] : memref<16x125x80xi32, #tpu.memory_space<hbm>> -> memref<1x125x80xi32, #tpu.memory_space<hbm>>
      %dma_wait3A_47 = tpu.memref_squeeze %dma_wait3A_46 : memref<1x125x80xi32, #tpu.memory_space<hbm>> -> memref<125x80xi32, #tpu.memory_space<hbm>>
      %dma_wait3A_48 = arith.constant 0 : i32
      %dma_wait3A_49 = arith.constant 0 : i32
      %dma_wait3A_50 = tpu.memref_slice %arg4[%arg1, %dma_wait3A_48, %dma_wait3A_49] : memref<16x125x80xi32, #tpu.memory_space<hbm>> -> memref<1x125x80xi32, #tpu.memory_space<hbm>>
      %dma_wait3A_51 = tpu.memref_squeeze %dma_wait3A_50 : memref<1x125x80xi32, #tpu.memory_space<hbm>> -> memref<125x80xi32, #tpu.memory_space<hbm>>
      tpu.wait_dma2 semaphore(%run_scoped3A_35 : memref<!tpu.dma_semaphore, #tpu.memory_space<semaphore_mem>>) src(%dma_wait3A_51 : memref<125x80xi32, #tpu.memory_space<hbm>>) dst(%arg8 : memref<125x80xi32, #tpu.memory_space<vmem>>)
      tpu.yield
    }) : () -> ()
    %barrier3A = arith.constant 0 : index
    tpu.barrier barrier_id(%barrier3A)
    %dma_start3A = arith.constant 0 : i32
    %dma_start3A_5 = tpu.memref_slice %arg7[%dma_start3A] : memref<10000xi32, #tpu.memory_space<vmem>> -> memref<80xi32, #tpu.memory_space<vmem>>
    %dma_start3A_6 = arith.constant 0 : i32
    %dma_start3A_7 = arith.constant 0 : i32
    %dma_start3A_8 = tpu.memref_slice %arg2[%dma_start3A_6, %dma_start3A_7] : memref<20000x128xf32, #tpu.memory_space<hbm>> -> memref<20000x128xf32, #tpu.memory_space<hbm>>
    tpu.enqueue_indirect_dma source(%dma_start3A_8 : memref<20000x128xf32, #tpu.memory_space<hbm>>) target(%arg9 : memref<80x128xf32, #tpu.memory_space<vmem>>) offsets(%dma_start3A_5 : memref<80xi32, #tpu.memory_space<vmem>>) semaphore(%arg12 : memref<!tpu.dma_semaphore, #tpu.memory_space<semaphore_mem>>)
    %dma_start3A_9 = arith.constant 80 : i32
    %dma_start3A_10 = tpu.memref_slice %arg7[%dma_start3A_9] : memref<10000xi32, #tpu.memory_space<vmem>> -> memref<80xi32, #tpu.memory_space<vmem>>
    %dma_start3A_11 = arith.constant 0 : i32
    %dma_start3A_12 = arith.constant 0 : i32
    %dma_start3A_13 = tpu.memref_slice %arg2[%dma_start3A_11, %dma_start3A_12] : memref<20000x128xf32, #tpu.memory_space<hbm>> -> memref<20000x128xf32, #tpu.memory_space<hbm>>
    tpu.enqueue_indirect_dma source(%dma_start3A_13 : memref<20000x128xf32, #tpu.memory_space<hbm>>) target(%arg10 : memref<80x128xf32, #tpu.memory_space<vmem>>) offsets(%dma_start3A_10 : memref<80xi32, #tpu.memory_space<vmem>>) semaphore(%arg13 : memref<!tpu.dma_semaphore, #tpu.memory_space<semaphore_mem>>)
    %scan3A = arith.constant 0 : i32
    %scan3A_14 = arith.constant 62 : i32
    %scan3A_15 = arith.addi %scan3A, %scan3A_14 : i32
    %scan3A_16 = arith.constant 1 : i32
    scf.for %scan3A_35 = %scan3A to %scan3A_15 step %scan3A_16  : i32 {
      %mul3A_36 = arith.constant 1 : i32
      %mul3A_37 = arith.muli %scan3A_35, %mul3A_36 : i32
      %add3A_38 = arith.constant 0 : i32
      %add3A_39 = arith.addi %add3A_38, %mul3A_37 : i32
      %mul3A_40 = arith.constant 2 : i32
      %mul3A_41 = arith.muli %mul3A_40, %add3A_39 : i32
      %add3A_42 = arith.constant 0 : i32
      %add3A_43 = arith.addi %mul3A_41, %add3A_42 : i32
      %mul3A_44 = arith.constant 80 : i32
      %mul3A_45 = arith.muli %add3A_43, %mul3A_44 : i32
      %dma_wait3A_46 = tpu.memref_slice %arg7[%mul3A_45] : memref<10000xi32, #tpu.memory_space<vmem>> -> memref<80xi32, #tpu.memory_space<vmem>>
      %dma_wait3A_47 = arith.constant 0 : i32
      %dma_wait3A_48 = arith.constant 0 : i32
      %dma_wait3A_49 = tpu.memref_slice %arg2[%dma_wait3A_47, %dma_wait3A_48] : memref<20000x128xf32, #tpu.memory_space<hbm>> -> memref<20000x128xf32, #tpu.memory_space<hbm>>
      tpu.wait_indirect_dma semaphore(%arg12 : memref<!tpu.dma_semaphore, #tpu.memory_space<semaphore_mem>>) src(%dma_wait3A_49 : memref<20000x128xf32, #tpu.memory_space<hbm>>) dst(%arg9 : memref<80x128xf32, #tpu.memory_space<vmem>>)
      "tpu.region"() ({
        %run_scoped3A_73 = tpu.sem_alloc : memref<!tpu.dma_semaphore, #tpu.memory_space<semaphore_mem>>
        %dma_start3A_74 = arith.constant 0 : i32
        %dma_start3A_75 = tpu.memref_slice %arg8[%add3A_43, %dma_start3A_74] : memref<125x80xi32, #tpu.memory_space<vmem>> -> memref<1x80xi32, #tpu.memory_space<vmem>>
        %dma_start3A_76 = tpu.memref_squeeze %dma_start3A_75 : memref<1x80xi32, #tpu.memory_space<vmem>> -> memref<80xi32, #tpu.memory_space<vmem>>
        %dma_start3A_77 = arith.constant 0 : i32
        %dma_start3A_78 = arith.constant 0 : i32
        %dma_start3A_79 = tpu.memref_slice %arg11[%dma_start3A_77, %dma_start3A_78] : memref<10000x128xf32, #tpu.memory_space<vmem_shared>> -> memref<10000x128xf32, #tpu.memory_space<vmem_shared>>
        tpu.enqueue_indirect_dma source(%arg9 : memref<80x128xf32, #tpu.memory_space<vmem>>) target(%dma_start3A_79 : memref<10000x128xf32, #tpu.memory_space<vmem_shared>>) offsets(%dma_start3A_76 : memref<80xi32, #tpu.memory_space<vmem>>) semaphore(%run_scoped3A_73 : memref<!tpu.dma_semaphore, #tpu.memory_space<semaphore_mem>>) {add = true}
        %dma_wait3A_80 = arith.constant 0 : i32
        %dma_wait3A_81 = tpu.memref_slice %arg8[%add3A_43, %dma_wait3A_80] : memref<125x80xi32, #tpu.memory_space<vmem>> -> memref<1x80xi32, #tpu.memory_space<vmem>>
        %dma_wait3A_82 = tpu.memref_squeeze %dma_wait3A_81 : memref<1x80xi32, #tpu.memory_space<vmem>> -> memref<80xi32, #tpu.memory_space<vmem>>
        %dma_wait3A_83 = arith.constant 0 : i32
        %dma_wait3A_84 = arith.constant 0 : i32
        %dma_wait3A_85 = tpu.memref_slice %arg11[%dma_wait3A_83, %dma_wait3A_84] : memref<10000x128xf32, #tpu.memory_space<vmem_shared>> -> memref<10000x128xf32, #tpu.memory_space<vmem_shared>>
        tpu.wait_indirect_dma semaphore(%run_scoped3A_73 : memref<!tpu.dma_semaphore, #tpu.memory_space<semaphore_mem>>) src(%arg9 : memref<80x128xf32, #tpu.memory_space<vmem>>) dst(%dma_wait3A_85 : memref<10000x128xf32, #tpu.memory_space<vmem_shared>>)
        tpu.yield
      }) : () -> ()
      %add3A_50 = arith.constant 2 : i32
      %add3A_51 = arith.addi %add3A_43, %add3A_50 : i32
      %lt3A = arith.constant 125 : i32
      %lt3A_52 = arith.cmpi slt, %add3A_51, %lt3A : i32
      %convert_element_type3A_53 = arith.extui %lt3A_52 : i1 to i32
      %cond3A_54 = arith.constant 0 : i32
      %cond3A_55 = arith.cmpi ne, %convert_element_type3A_53, %cond3A_54 : i32
      scf.if %cond3A_55 {
        %add3A_73 = arith.constant 2 : i32
        %add3A_74 = arith.addi %add3A_43, %add3A_73 : i32
        %mul3A_75 = arith.constant 80 : i32
        %mul3A_76 = arith.muli %add3A_74, %mul3A_75 : i32
        %dma_start3A_77 = tpu.memref_slice %arg7[%mul3A_76] : memref<10000xi32, #tpu.memory_space<vmem>> -> memref<80xi32, #tpu.memory_space<vmem>>
        %dma_start3A_78 = arith.constant 0 : i32
        %dma_start3A_79 = arith.constant 0 : i32
        %dma_start3A_80 = tpu.memref_slice %arg2[%dma_start3A_78, %dma_start3A_79] : memref<20000x128xf32, #tpu.memory_space<hbm>> -> memref<20000x128xf32, #tpu.memory_space<hbm>>
        tpu.enqueue_indirect_dma source(%dma_start3A_80 : memref<20000x128xf32, #tpu.memory_space<hbm>>) target(%arg9 : memref<80x128xf32, #tpu.memory_space<vmem>>) offsets(%dma_start3A_77 : memref<80xi32, #tpu.memory_space<vmem>>) semaphore(%arg12 : memref<!tpu.dma_semaphore, #tpu.memory_space<semaphore_mem>>)
      } else {
      }
      %mul3A_56 = arith.constant 2 : i32
      %mul3A_57 = arith.muli %mul3A_56, %add3A_39 : i32
      %add3A_58 = arith.constant 1 : i32
      %add3A_59 = arith.addi %mul3A_57, %add3A_58 : i32
      %mul3A_60 = arith.constant 80 : i32
      %mul3A_61 = arith.muli %add3A_59, %mul3A_60 : i32
      %dma_wait3A_62 = tpu.memref_slice %arg7[%mul3A_61] : memref<10000xi32, #tpu.memory_space<vmem>> -> memref<80xi32, #tpu.memory_space<vmem>>
      %dma_wait3A_63 = arith.constant 0 : i32
      %dma_wait3A_64 = arith.constant 0 : i32
      %dma_wait3A_65 = tpu.memref_slice %arg2[%dma_wait3A_63, %dma_wait3A_64] : memref<20000x128xf32, #tpu.memory_space<hbm>> -> memref<20000x128xf32, #tpu.memory_space<hbm>>
      tpu.wait_indirect_dma semaphore(%arg13 : memref<!tpu.dma_semaphore, #tpu.memory_space<semaphore_mem>>) src(%dma_wait3A_65 : memref<20000x128xf32, #tpu.memory_space<hbm>>) dst(%arg10 : memref<80x128xf32, #tpu.memory_space<vmem>>)
      "tpu.region"() ({
        %run_scoped3A_73 = tpu.sem_alloc : memref<!tpu.dma_semaphore, #tpu.memory_space<semaphore_mem>>
        %dma_start3A_74 = arith.constant 0 : i32
        %dma_start3A_75 = tpu.memref_slice %arg8[%add3A_59, %dma_start3A_74] : memref<125x80xi32, #tpu.memory_space<vmem>> -> memref<1x80xi32, #tpu.memory_space<vmem>>
        %dma_start3A_76 = tpu.memref_squeeze %dma_start3A_75 : memref<1x80xi32, #tpu.memory_space<vmem>> -> memref<80xi32, #tpu.memory_space<vmem>>
        %dma_start3A_77 = arith.constant 0 : i32
        %dma_start3A_78 = arith.constant 0 : i32
        %dma_start3A_79 = tpu.memref_slice %arg11[%dma_start3A_77, %dma_start3A_78] : memref<10000x128xf32, #tpu.memory_space<vmem_shared>> -> memref<10000x128xf32, #tpu.memory_space<vmem_shared>>
        tpu.enqueue_indirect_dma source(%arg10 : memref<80x128xf32, #tpu.memory_space<vmem>>) target(%dma_start3A_79 : memref<10000x128xf32, #tpu.memory_space<vmem_shared>>) offsets(%dma_start3A_76 : memref<80xi32, #tpu.memory_space<vmem>>) semaphore(%run_scoped3A_73 : memref<!tpu.dma_semaphore, #tpu.memory_space<semaphore_mem>>) {add = true}
        %dma_wait3A_80 = arith.constant 0 : i32
        %dma_wait3A_81 = tpu.memref_slice %arg8[%add3A_59, %dma_wait3A_80] : memref<125x80xi32, #tpu.memory_space<vmem>> -> memref<1x80xi32, #tpu.memory_space<vmem>>
        %dma_wait3A_82 = tpu.memref_squeeze %dma_wait3A_81 : memref<1x80xi32, #tpu.memory_space<vmem>> -> memref<80xi32, #tpu.memory_space<vmem>>
        %dma_wait3A_83 = arith.constant 0 : i32
        %dma_wait3A_84 = arith.constant 0 : i32
        %dma_wait3A_85 = tpu.memref_slice %arg11[%dma_wait3A_83, %dma_wait3A_84] : memref<10000x128xf32, #tpu.memory_space<vmem_shared>> -> memref<10000x128xf32, #tpu.memory_space<vmem_shared>>
        tpu.wait_indirect_dma semaphore(%run_scoped3A_73 : memref<!tpu.dma_semaphore, #tpu.memory_space<semaphore_mem>>) src(%arg10 : memref<80x128xf32, #tpu.memory_space<vmem>>) dst(%dma_wait3A_85 : memref<10000x128xf32, #tpu.memory_space<vmem_shared>>)
        tpu.yield
      }) : () -> ()
      %add3A_66 = arith.constant 2 : i32
      %add3A_67 = arith.addi %add3A_59, %add3A_66 : i32
      %lt3A_68 = arith.constant 125 : i32
      %lt3A_69 = arith.cmpi slt, %add3A_67, %lt3A_68 : i32
      %convert_element_type3A_70 = arith.extui %lt3A_69 : i1 to i32
      %cond3A_71 = arith.constant 0 : i32
      %cond3A_72 = arith.cmpi ne, %convert_element_type3A_70, %cond3A_71 : i32
      scf.if %cond3A_72 {
        %add3A_73 = arith.constant 2 : i32
        %add3A_74 = arith.addi %add3A_59, %add3A_73 : i32
        %mul3A_75 = arith.constant 80 : i32
        %mul3A_76 = arith.muli %add3A_74, %mul3A_75 : i32
        %dma_start3A_77 = tpu.memref_slice %arg7[%mul3A_76] : memref<10000xi32, #tpu.memory_space<vmem>> -> memref<80xi32, #tpu.memory_space<vmem>>
        %dma_start3A_78 = arith.constant 0 : i32
        %dma_start3A_79 = arith.constant 0 : i32
        %dma_start3A_80 = tpu.memref_slice %arg2[%dma_start3A_78, %dma_start3A_79] : memref<20000x128xf32, #tpu.memory_space<hbm>> -> memref<20000x128xf32, #tpu.memory_space<hbm>>
        tpu.enqueue_indirect_dma source(%dma_start3A_80 : memref<20000x128xf32, #tpu.memory_space<hbm>>) target(%arg10 : memref<80x128xf32, #tpu.memory_space<vmem>>) offsets(%dma_start3A_77 : memref<80xi32, #tpu.memory_space<vmem>>) semaphore(%arg13 : memref<!tpu.dma_semaphore, #tpu.memory_space<semaphore_mem>>)
      } else {
      }
    }
    %scan3A_17 = arith.constant 62 : i32
    %dma_wait3A = arith.constant 9920 : i32
    %dma_wait3A_18 = tpu.memref_slice %arg7[%dma_wait3A] : memref<10000xi32, #tpu.memory_space<vmem>> -> memref<80xi32, #tpu.memory_space<vmem>>
    %dma_wait3A_19 = arith.constant 0 : i32
    %dma_wait3A_20 = arith.constant 0 : i32
    %dma_wait3A_21 = tpu.memref_slice %arg2[%dma_wait3A_19, %dma_wait3A_20] : memref<20000x128xf32, #tpu.memory_space<hbm>> -> memref<20000x128xf32, #tpu.memory_space<hbm>>
    tpu.wait_indirect_dma semaphore(%arg12 : memref<!tpu.dma_semaphore, #tpu.memory_space<semaphore_mem>>) src(%dma_wait3A_21 : memref<20000x128xf32, #tpu.memory_space<hbm>>) dst(%arg9 : memref<80x128xf32, #tpu.memory_space<vmem>>)
    %run_scoped3A = arith.constant 124 : i32
    "tpu.region"() ({
      %run_scoped3A_35 = tpu.sem_alloc : memref<!tpu.dma_semaphore, #tpu.memory_space<semaphore_mem>>
      %dma_start3A_36 = arith.constant 0 : i32
      %dma_start3A_37 = tpu.memref_slice %arg8[%run_scoped3A, %dma_start3A_36] : memref<125x80xi32, #tpu.memory_space<vmem>> -> memref<1x80xi32, #tpu.memory_space<vmem>>
      %dma_start3A_38 = tpu.memref_squeeze %dma_start3A_37 : memref<1x80xi32, #tpu.memory_space<vmem>> -> memref<80xi32, #tpu.memory_space<vmem>>
      %dma_start3A_39 = arith.constant 0 : i32
      %dma_start3A_40 = arith.constant 0 : i32
      %dma_start3A_41 = tpu.memref_slice %arg11[%dma_start3A_39, %dma_start3A_40] : memref<10000x128xf32, #tpu.memory_space<vmem_shared>> -> memref<10000x128xf32, #tpu.memory_space<vmem_shared>>
      tpu.enqueue_indirect_dma source(%arg9 : memref<80x128xf32, #tpu.memory_space<vmem>>) target(%dma_start3A_41 : memref<10000x128xf32, #tpu.memory_space<vmem_shared>>) offsets(%dma_start3A_38 : memref<80xi32, #tpu.memory_space<vmem>>) semaphore(%run_scoped3A_35 : memref<!tpu.dma_semaphore, #tpu.memory_space<semaphore_mem>>) {add = true}
      %dma_wait3A_42 = arith.constant 0 : i32
      %dma_wait3A_43 = tpu.memref_slice %arg8[%run_scoped3A, %dma_wait3A_42] : memref<125x80xi32, #tpu.memory_space<vmem>> -> memref<1x80xi32, #tpu.memory_space<vmem>>
      %dma_wait3A_44 = tpu.memref_squeeze %dma_wait3A_43 : memref<1x80xi32, #tpu.memory_space<vmem>> -> memref<80xi32, #tpu.memory_space<vmem>>
      %dma_wait3A_45 = arith.constant 0 : i32
      %dma_wait3A_46 = arith.constant 0 : i32
      %dma_wait3A_47 = tpu.memref_slice %arg11[%dma_wait3A_45, %dma_wait3A_46] : memref<10000x128xf32, #tpu.memory_space<vmem_shared>> -> memref<10000x128xf32, #tpu.memory_space<vmem_shared>>
      tpu.wait_indirect_dma semaphore(%run_scoped3A_35 : memref<!tpu.dma_semaphore, #tpu.memory_space<semaphore_mem>>) src(%arg9 : memref<80x128xf32, #tpu.memory_space<vmem>>) dst(%dma_wait3A_47 : memref<10000x128xf32, #tpu.memory_space<vmem_shared>>)
      tpu.yield
    }) : () -> ()
    %barrier3A_22 = arith.constant 0 : index
    tpu.barrier barrier_id(%barrier3A_22)
    %mul3A_23 = arith.constant 624 : i32
    %mul3A_24 = arith.muli %arg1, %mul3A_23 : i32
    %mul3A_25 = arith.constant 10000 : i32
    %mul3A_26 = arith.muli %arg0, %mul3A_25 : i32
    %mul3A_27 = arith.constant 624 : i32
    %mul3A_28 = arith.muli %arg1, %mul3A_27 : i32
    %add3A_29 = arith.addi %mul3A_26, %mul3A_28 : i32
    "tpu.region"() ({
      %run_scoped3A_35 = tpu.sem_alloc : memref<!tpu.dma_semaphore, #tpu.memory_space<semaphore_mem>>
      %dma_start3A_36 = arith.constant 0 : i32
      %dma_start3A_37 = tpu.memref_slice %arg6[%add3A_29, %dma_start3A_36] : memref<20000x128xf32, #tpu.memory_space<hbm>> -> memref<624x128xf32, #tpu.memory_space<hbm>>
      %dma_start3A_38 = arith.constant 0 : i32
      %dma_start3A_39 = tpu.memref_slice %arg11[%mul3A_24, %dma_start3A_38] : memref<10000x128xf32, #tpu.memory_space<vmem_shared>> -> memref<624x128xf32, #tpu.memory_space<vmem_shared>>
      tpu.enqueue_dma source(%dma_start3A_39 : memref<624x128xf32, #tpu.memory_space<vmem_shared>>) target(%dma_start3A_37 : memref<624x128xf32, #tpu.memory_space<hbm>>) target_semaphore(%run_scoped3A_35 : memref<!tpu.dma_semaphore, #tpu.memory_space<semaphore_mem>>)
      %dma_wait3A_40 = arith.constant 0 : i32
      %dma_wait3A_41 = tpu.memref_slice %arg6[%add3A_29, %dma_wait3A_40] : memref<20000x128xf32, #tpu.memory_space<hbm>> -> memref<624x128xf32, #tpu.memory_space<hbm>>
      %dma_wait3A_42 = arith.constant 0 : i32
      %dma_wait3A_43 = tpu.memref_slice %arg11[%mul3A_24, %dma_wait3A_42] : memref<10000x128xf32, #tpu.memory_space<vmem_shared>> -> memref<624x128xf32, #tpu.memory_space<vmem_shared>>
      tpu.wait_dma2 semaphore(%run_scoped3A_35 : memref<!tpu.dma_semaphore, #tpu.memory_space<semaphore_mem>>) src(%dma_wait3A_43 : memref<624x128xf32, #tpu.memory_space<vmem_shared>>) dst(%dma_wait3A_41 : memref<624x128xf32, #tpu.memory_space<hbm>>)
      tpu.yield
    }) : () -> ()
    %eq3A_30 = arith.constant 0 : i32
    %eq3A_31 = arith.cmpi eq, %arg1, %eq3A_30 : i32
    %convert_element_type3A_32 = arith.extui %eq3A_31 : i1 to i32
    %cond3A_33 = arith.constant 0 : i32
    %cond3A_34 = arith.cmpi ne, %convert_element_type3A_32, %cond3A_33 : i32
    scf.if %cond3A_34 {
      %mul3A_35 = arith.constant 10000 : i32
      %mul3A_36 = arith.muli %arg0, %mul3A_35 : i32
      %add3A_37 = arith.constant 9984 : i32
      %add3A_38 = arith.addi %mul3A_36, %add3A_37 : i32
      "tpu.region"() ({
        %run_scoped3A_39 = tpu.sem_alloc : memref<!tpu.dma_semaphore, #tpu.memory_space<semaphore_mem>>
        %dma_start3A_40 = arith.constant 0 : i32
        %dma_start3A_41 = tpu.memref_slice %arg6[%add3A_38, %dma_start3A_40] : memref<20000x128xf32, #tpu.memory_space<hbm>> -> memref<16x128xf32, #tpu.memory_space<hbm>>
        %dma_start3A_42 = arith.constant 9984 : i32
        %dma_start3A_43 = arith.constant 0 : i32
        %dma_start3A_44 = tpu.memref_slice %arg11[%dma_start3A_42, %dma_start3A_43] : memref<10000x128xf32, #tpu.memory_space<vmem_shared>> -> memref<16x128xf32, #tpu.memory_space<vmem_shared>>
        tpu.enqueue_dma source(%dma_start3A_44 : memref<16x128xf32, #tpu.memory_space<vmem_shared>>) target(%dma_start3A_41 : memref<16x128xf32, #tpu.memory_space<hbm>>) target_semaphore(%run_scoped3A_39 : memref<!tpu.dma_semaphore, #tpu.memory_space<semaphore_mem>>)
        %dma_wait3A_45 = arith.constant 0 : i32
        %dma_wait3A_46 = tpu.memref_slice %arg6[%add3A_38, %dma_wait3A_45] : memref<20000x128xf32, #tpu.memory_space<hbm>> -> memref<16x128xf32, #tpu.memory_space<hbm>>
        %dma_wait3A_47 = arith.constant 9984 : i32
        %dma_wait3A_48 = arith.constant 0 : i32
        %dma_wait3A_49 = tpu.memref_slice %arg11[%dma_wait3A_47, %dma_wait3A_48] : memref<10000x128xf32, #tpu.memory_space<vmem_shared>> -> memref<16x128xf32, #tpu.memory_space<vmem_shared>>
        tpu.wait_dma2 semaphore(%run_scoped3A_39 : memref<!tpu.dma_semaphore, #tpu.memory_space<semaphore_mem>>) src(%dma_wait3A_49 : memref<16x128xf32, #tpu.memory_space<vmem_shared>>) dst(%dma_wait3A_46 : memref<16x128xf32, #tpu.memory_space<hbm>>)
        tpu.yield
      }) : () -> ()
    } else {
    }
    return
  }
}

#map = affine_map<(d0, d1) -> (0, 0)>
#map1 = affine_map<(d0, d1) -> (0, 0, 0)>
module attributes {stable_mosaic.version = 14 : i64} {
  func.func @_sc_agg_body(%arg0: i32, %arg1: i32, %arg2: memref<20000x128xf32, #tpu.memory_space<hbm>>, %arg3: memref<32x10000xi32, #tpu.memory_space<hbm>>, %arg4: memref<16x125x80xi32, #tpu.memory_space<hbm>>, %arg5: memref<624x128xf32, #tpu.memory_space<hbm>>, %arg6: memref<20000x128xf32, #tpu.memory_space<hbm>>, %arg7: memref<10000xi32, #tpu.memory_space<vmem>>, %arg8: memref<125x80xi32, #tpu.memory_space<vmem>>, %arg9: memref<80x128xf32, #tpu.memory_space<vmem>>, %arg10: memref<80x128xf32, #tpu.memory_space<vmem>>, %arg11: memref<10000x128xf32, #tpu.memory_space<vmem_shared>>, %arg12: memref<!tpu.dma_semaphore, #tpu.memory_space<semaphore_mem>>, %arg13: memref<!tpu.dma_semaphore, #tpu.memory_space<semaphore_mem>>) attributes {dimension_semantics = [#tpu.dimension_semantics<core_parallel>, #tpu.dimension_semantics<subcore_parallel>], iteration_bounds = array<i64: 2, 16>, scalar_prefetch = 0 : i64, scratch_operands = 7 : i64, tpu.core_type = #tpu.core_type<sc_vector_subcore>, window_params = [{transform_indices = #map}, {transform_indices = #map}, {transform_indices = #map1}, {transform_indices = #map}, {transform_indices = #map}]} {
    %mul3A = arith.constant 624 : i32
    %mul3A_0 = arith.muli %arg1, %mul3A : i32
    "tpu.region"() ({
      %run_scoped3A_35 = tpu.sem_alloc : memref<!tpu.dma_semaphore, #tpu.memory_space<semaphore_mem>>
      %dma_start3A_36 = arith.constant 0 : i32
      %dma_start3A_37 = tpu.memref_slice %arg11[%mul3A_0, %dma_start3A_36] : memref<10000x128xf32, #tpu.memory_space<vmem_shared>> -> memref<624x128xf32, #tpu.memory_space<vmem_shared>>
      tpu.enqueue_dma source(%arg5 : memref<624x128xf32, #tpu.memory_space<hbm>>) target(%dma_start3A_37 : memref<624x128xf32, #tpu.memory_space<vmem_shared>>) target_semaphore(%run_scoped3A_35 : memref<!tpu.dma_semaphore, #tpu.memory_space<semaphore_mem>>)
      %dma_wait3A_38 = arith.constant 0 : i32
      %dma_wait3A_39 = tpu.memref_slice %arg11[%mul3A_0, %dma_wait3A_38] : memref<10000x128xf32, #tpu.memory_space<vmem_shared>> -> memref<624x128xf32, #tpu.memory_space<vmem_shared>>
      tpu.wait_dma2 semaphore(%run_scoped3A_35 : memref<!tpu.dma_semaphore, #tpu.memory_space<semaphore_mem>>) src(%arg5 : memref<624x128xf32, #tpu.memory_space<hbm>>) dst(%dma_wait3A_39 : memref<624x128xf32, #tpu.memory_space<vmem_shared>>)
      tpu.yield
    }) : () -> ()
    %eq3A = arith.constant 0 : i32
    %eq3A_1 = arith.cmpi eq, %arg1, %eq3A : i32
    %convert_element_type3A = arith.extui %eq3A_1 : i1 to i32
    %cond3A = arith.constant 0 : i32
    %cond3A_2 = arith.cmpi ne, %convert_element_type3A, %cond3A : i32
    scf.if %cond3A_2 {
      "tpu.region"() ({
        %run_scoped3A_35 = tpu.sem_alloc : memref<!tpu.dma_semaphore, #tpu.memory_space<semaphore_mem>>
        %dma_start3A_36 = arith.constant 9984 : i32
        %dma_start3A_37 = arith.constant 0 : i32
        %dma_start3A_38 = tpu.memref_slice %arg11[%dma_start3A_36, %dma_start3A_37] : memref<10000x128xf32, #tpu.memory_space<vmem_shared>> -> memref<16x128xf32, #tpu.memory_space<vmem_shared>>
        %dma_start3A_39 = arith.constant 0 : i32
        %dma_start3A_40 = arith.constant 0 : i32
        %dma_start3A_41 = tpu.memref_slice %arg5[%dma_start3A_39, %dma_start3A_40] : memref<624x128xf32, #tpu.memory_space<hbm>> -> memref<16x128xf32, #tpu.memory_space<hbm>>
        tpu.enqueue_dma source(%dma_start3A_41 : memref<16x128xf32, #tpu.memory_space<hbm>>) target(%dma_start3A_38 : memref<16x128xf32, #tpu.memory_space<vmem_shared>>) target_semaphore(%run_scoped3A_35 : memref<!tpu.dma_semaphore, #tpu.memory_space<semaphore_mem>>)
        %dma_wait3A_42 = arith.constant 9984 : i32
        %dma_wait3A_43 = arith.constant 0 : i32
        %dma_wait3A_44 = tpu.memref_slice %arg11[%dma_wait3A_42, %dma_wait3A_43] : memref<10000x128xf32, #tpu.memory_space<vmem_shared>> -> memref<16x128xf32, #tpu.memory_space<vmem_shared>>
        %dma_wait3A_45 = arith.constant 0 : i32
        %dma_wait3A_46 = arith.constant 0 : i32
        %dma_wait3A_47 = tpu.memref_slice %arg5[%dma_wait3A_45, %dma_wait3A_46] : memref<624x128xf32, #tpu.memory_space<hbm>> -> memref<16x128xf32, #tpu.memory_space<hbm>>
        tpu.wait_dma2 semaphore(%run_scoped3A_35 : memref<!tpu.dma_semaphore, #tpu.memory_space<semaphore_mem>>) src(%dma_wait3A_47 : memref<16x128xf32, #tpu.memory_space<hbm>>) dst(%dma_wait3A_44 : memref<16x128xf32, #tpu.memory_space<vmem_shared>>)
        tpu.yield
      }) : () -> ()
    } else {
    }
    %mul3A_3 = arith.constant 16 : i32
    %mul3A_4 = arith.muli %arg0, %mul3A_3 : i32
    %add3A = arith.addi %mul3A_4, %arg1 : i32
    "tpu.region"() ({
      %run_scoped3A_35 = tpu.sem_alloc : memref<!tpu.dma_semaphore, #tpu.memory_space<semaphore_mem>>
      %dma_start3A_36 = arith.constant 0 : i32
      %dma_start3A_37 = tpu.memref_slice %arg3[%add3A, %dma_start3A_36] : memref<32x10000xi32, #tpu.memory_space<hbm>> -> memref<1x10000xi32, #tpu.memory_space<hbm>>
      %dma_start3A_38 = tpu.memref_squeeze %dma_start3A_37 : memref<1x10000xi32, #tpu.memory_space<hbm>> -> memref<10000xi32, #tpu.memory_space<hbm>>
      %dma_start3A_39 = arith.constant 0 : i32
      %dma_start3A_40 = tpu.memref_slice %arg3[%add3A, %dma_start3A_39] : memref<32x10000xi32, #tpu.memory_space<hbm>> -> memref<1x10000xi32, #tpu.memory_space<hbm>>
      %dma_start3A_41 = tpu.memref_squeeze %dma_start3A_40 : memref<1x10000xi32, #tpu.memory_space<hbm>> -> memref<10000xi32, #tpu.memory_space<hbm>>
      tpu.enqueue_dma source(%dma_start3A_41 : memref<10000xi32, #tpu.memory_space<hbm>>) target(%arg7 : memref<10000xi32, #tpu.memory_space<vmem>>) target_semaphore(%run_scoped3A_35 : memref<!tpu.dma_semaphore, #tpu.memory_space<semaphore_mem>>)
      %dma_wait3A_42 = arith.constant 0 : i32
      %dma_wait3A_43 = tpu.memref_slice %arg3[%add3A, %dma_wait3A_42] : memref<32x10000xi32, #tpu.memory_space<hbm>> -> memref<1x10000xi32, #tpu.memory_space<hbm>>
      %dma_wait3A_44 = tpu.memref_squeeze %dma_wait3A_43 : memref<1x10000xi32, #tpu.memory_space<hbm>> -> memref<10000xi32, #tpu.memory_space<hbm>>
      %dma_wait3A_45 = arith.constant 0 : i32
      %dma_wait3A_46 = tpu.memref_slice %arg3[%add3A, %dma_wait3A_45] : memref<32x10000xi32, #tpu.memory_space<hbm>> -> memref<1x10000xi32, #tpu.memory_space<hbm>>
      %dma_wait3A_47 = tpu.memref_squeeze %dma_wait3A_46 : memref<1x10000xi32, #tpu.memory_space<hbm>> -> memref<10000xi32, #tpu.memory_space<hbm>>
      tpu.wait_dma2 semaphore(%run_scoped3A_35 : memref<!tpu.dma_semaphore, #tpu.memory_space<semaphore_mem>>) src(%dma_wait3A_47 : memref<10000xi32, #tpu.memory_space<hbm>>) dst(%arg7 : memref<10000xi32, #tpu.memory_space<vmem>>)
      tpu.yield
    }) : () -> ()
    "tpu.region"() ({
      %run_scoped3A_35 = tpu.sem_alloc : memref<!tpu.dma_semaphore, #tpu.memory_space<semaphore_mem>>
      %dma_start3A_36 = arith.constant 0 : i32
      %dma_start3A_37 = arith.constant 0 : i32
      %dma_start3A_38 = tpu.memref_slice %arg4[%arg1, %dma_start3A_36, %dma_start3A_37] : memref<16x125x80xi32, #tpu.memory_space<hbm>> -> memref<1x125x80xi32, #tpu.memory_space<hbm>>
      %dma_start3A_39 = tpu.memref_squeeze %dma_start3A_38 : memref<1x125x80xi32, #tpu.memory_space<hbm>> -> memref<125x80xi32, #tpu.memory_space<hbm>>
      %dma_start3A_40 = arith.constant 0 : i32
      %dma_start3A_41 = arith.constant 0 : i32
      %dma_start3A_42 = tpu.memref_slice %arg4[%arg1, %dma_start3A_40, %dma_start3A_41] : memref<16x125x80xi32, #tpu.memory_space<hbm>> -> memref<1x125x80xi32, #tpu.memory_space<hbm>>
      %dma_start3A_43 = tpu.memref_squeeze %dma_start3A_42 : memref<1x125x80xi32, #tpu.memory_space<hbm>> -> memref<125x80xi32, #tpu.memory_space<hbm>>
      tpu.enqueue_dma source(%dma_start3A_43 : memref<125x80xi32, #tpu.memory_space<hbm>>) target(%arg8 : memref<125x80xi32, #tpu.memory_space<vmem>>) target_semaphore(%run_scoped3A_35 : memref<!tpu.dma_semaphore, #tpu.memory_space<semaphore_mem>>)
      %dma_wait3A_44 = arith.constant 0 : i32
      %dma_wait3A_45 = arith.constant 0 : i32
      %dma_wait3A_46 = tpu.memref_slice %arg4[%arg1, %dma_wait3A_44, %dma_wait3A_45] : memref<16x125x80xi32, #tpu.memory_space<hbm>> -> memref<1x125x80xi32, #tpu.memory_space<hbm>>
      %dma_wait3A_47 = tpu.memref_squeeze %dma_wait3A_46 : memref<1x125x80xi32, #tpu.memory_space<hbm>> -> memref<125x80xi32, #tpu.memory_space<hbm>>
      %dma_wait3A_48 = arith.constant 0 : i32
      %dma_wait3A_49 = arith.constant 0 : i32
      %dma_wait3A_50 = tpu.memref_slice %arg4[%arg1, %dma_wait3A_48, %dma_wait3A_49] : memref<16x125x80xi32, #tpu.memory_space<hbm>> -> memref<1x125x80xi32, #tpu.memory_space<hbm>>
      %dma_wait3A_51 = tpu.memref_squeeze %dma_wait3A_50 : memref<1x125x80xi32, #tpu.memory_space<hbm>> -> memref<125x80xi32, #tpu.memory_space<hbm>>
      tpu.wait_dma2 semaphore(%run_scoped3A_35 : memref<!tpu.dma_semaphore, #tpu.memory_space<semaphore_mem>>) src(%dma_wait3A_51 : memref<125x80xi32, #tpu.memory_space<hbm>>) dst(%arg8 : memref<125x80xi32, #tpu.memory_space<vmem>>)
      tpu.yield
    }) : () -> ()
    %barrier3A = arith.constant 0 : index
    tpu.barrier barrier_id(%barrier3A)
    %dma_start3A = arith.constant 0 : i32
    %dma_start3A_5 = tpu.memref_slice %arg7[%dma_start3A] : memref<10000xi32, #tpu.memory_space<vmem>> -> memref<80xi32, #tpu.memory_space<vmem>>
    %dma_start3A_6 = arith.constant 0 : i32
    %dma_start3A_7 = arith.constant 0 : i32
    %dma_start3A_8 = tpu.memref_slice %arg2[%dma_start3A_6, %dma_start3A_7] : memref<20000x128xf32, #tpu.memory_space<hbm>> -> memref<20000x128xf32, #tpu.memory_space<hbm>>
    tpu.enqueue_indirect_dma source(%dma_start3A_8 : memref<20000x128xf32, #tpu.memory_space<hbm>>) target(%arg9 : memref<80x128xf32, #tpu.memory_space<vmem>>) offsets(%dma_start3A_5 : memref<80xi32, #tpu.memory_space<vmem>>) semaphore(%arg12 : memref<!tpu.dma_semaphore, #tpu.memory_space<semaphore_mem>>)
    %dma_start3A_9 = arith.constant 80 : i32
    %dma_start3A_10 = tpu.memref_slice %arg7[%dma_start3A_9] : memref<10000xi32, #tpu.memory_space<vmem>> -> memref<80xi32, #tpu.memory_space<vmem>>
    %dma_start3A_11 = arith.constant 0 : i32
    %dma_start3A_12 = arith.constant 0 : i32
    %dma_start3A_13 = tpu.memref_slice %arg2[%dma_start3A_11, %dma_start3A_12] : memref<20000x128xf32, #tpu.memory_space<hbm>> -> memref<20000x128xf32, #tpu.memory_space<hbm>>
    tpu.enqueue_indirect_dma source(%dma_start3A_13 : memref<20000x128xf32, #tpu.memory_space<hbm>>) target(%arg10 : memref<80x128xf32, #tpu.memory_space<vmem>>) offsets(%dma_start3A_10 : memref<80xi32, #tpu.memory_space<vmem>>) semaphore(%arg13 : memref<!tpu.dma_semaphore, #tpu.memory_space<semaphore_mem>>)
    %scan3A = arith.constant 0 : i32
    %scan3A_14 = arith.constant 62 : i32
    %scan3A_15 = arith.addi %scan3A, %scan3A_14 : i32
    %scan3A_16 = arith.constant 1 : i32
    scf.for %scan3A_35 = %scan3A to %scan3A_15 step %scan3A_16  : i32 {
      %mul3A_36 = arith.constant 1 : i32
      %mul3A_37 = arith.muli %scan3A_35, %mul3A_36 : i32
      %add3A_38 = arith.constant 0 : i32
      %add3A_39 = arith.addi %add3A_38, %mul3A_37 : i32
      %mul3A_40 = arith.constant 2 : i32
      %mul3A_41 = arith.muli %mul3A_40, %add3A_39 : i32
      %add3A_42 = arith.constant 0 : i32
      %add3A_43 = arith.addi %mul3A_41, %add3A_42 : i32
      %mul3A_44 = arith.constant 80 : i32
      %mul3A_45 = arith.muli %add3A_43, %mul3A_44 : i32
      %dma_wait3A_46 = tpu.memref_slice %arg7[%mul3A_45] : memref<10000xi32, #tpu.memory_space<vmem>> -> memref<80xi32, #tpu.memory_space<vmem>>
      %dma_wait3A_47 = arith.constant 0 : i32
      %dma_wait3A_48 = arith.constant 0 : i32
      %dma_wait3A_49 = tpu.memref_slice %arg2[%dma_wait3A_47, %dma_wait3A_48] : memref<20000x128xf32, #tpu.memory_space<hbm>> -> memref<20000x128xf32, #tpu.memory_space<hbm>>
      tpu.wait_indirect_dma semaphore(%arg12 : memref<!tpu.dma_semaphore, #tpu.memory_space<semaphore_mem>>) src(%dma_wait3A_49 : memref<20000x128xf32, #tpu.memory_space<hbm>>) dst(%arg9 : memref<80x128xf32, #tpu.memory_space<vmem>>)
      "tpu.region"() ({
        %run_scoped3A_73 = tpu.sem_alloc : memref<!tpu.dma_semaphore, #tpu.memory_space<semaphore_mem>>
        %dma_start3A_74 = arith.constant 0 : i32
        %dma_start3A_75 = tpu.memref_slice %arg8[%add3A_43, %dma_start3A_74] : memref<125x80xi32, #tpu.memory_space<vmem>> -> memref<1x80xi32, #tpu.memory_space<vmem>>
        %dma_start3A_76 = tpu.memref_squeeze %dma_start3A_75 : memref<1x80xi32, #tpu.memory_space<vmem>> -> memref<80xi32, #tpu.memory_space<vmem>>
        %dma_start3A_77 = arith.constant 0 : i32
        %dma_start3A_78 = arith.constant 0 : i32
        %dma_start3A_79 = tpu.memref_slice %arg11[%dma_start3A_77, %dma_start3A_78] : memref<10000x128xf32, #tpu.memory_space<vmem_shared>> -> memref<10000x128xf32, #tpu.memory_space<vmem_shared>>
        tpu.enqueue_indirect_dma source(%arg9 : memref<80x128xf32, #tpu.memory_space<vmem>>) target(%dma_start3A_79 : memref<10000x128xf32, #tpu.memory_space<vmem_shared>>) offsets(%dma_start3A_76 : memref<80xi32, #tpu.memory_space<vmem>>) semaphore(%run_scoped3A_73 : memref<!tpu.dma_semaphore, #tpu.memory_space<semaphore_mem>>) {add = true}
        %dma_wait3A_80 = arith.constant 0 : i32
        %dma_wait3A_81 = tpu.memref_slice %arg8[%add3A_43, %dma_wait3A_80] : memref<125x80xi32, #tpu.memory_space<vmem>> -> memref<1x80xi32, #tpu.memory_space<vmem>>
        %dma_wait3A_82 = tpu.memref_squeeze %dma_wait3A_81 : memref<1x80xi32, #tpu.memory_space<vmem>> -> memref<80xi32, #tpu.memory_space<vmem>>
        %dma_wait3A_83 = arith.constant 0 : i32
        %dma_wait3A_84 = arith.constant 0 : i32
        %dma_wait3A_85 = tpu.memref_slice %arg11[%dma_wait3A_83, %dma_wait3A_84] : memref<10000x128xf32, #tpu.memory_space<vmem_shared>> -> memref<10000x128xf32, #tpu.memory_space<vmem_shared>>
        tpu.wait_indirect_dma semaphore(%run_scoped3A_73 : memref<!tpu.dma_semaphore, #tpu.memory_space<semaphore_mem>>) src(%arg9 : memref<80x128xf32, #tpu.memory_space<vmem>>) dst(%dma_wait3A_85 : memref<10000x128xf32, #tpu.memory_space<vmem_shared>>)
        tpu.yield
      }) : () -> ()
      %add3A_50 = arith.constant 2 : i32
      %add3A_51 = arith.addi %add3A_43, %add3A_50 : i32
      %lt3A = arith.constant 125 : i32
      %lt3A_52 = arith.cmpi slt, %add3A_51, %lt3A : i32
      %convert_element_type3A_53 = arith.extui %lt3A_52 : i1 to i32
      %cond3A_54 = arith.constant 0 : i32
      %cond3A_55 = arith.cmpi ne, %convert_element_type3A_53, %cond3A_54 : i32
      scf.if %cond3A_55 {
        %add3A_73 = arith.constant 2 : i32
        %add3A_74 = arith.addi %add3A_43, %add3A_73 : i32
        %mul3A_75 = arith.constant 80 : i32
        %mul3A_76 = arith.muli %add3A_74, %mul3A_75 : i32
        %dma_start3A_77 = tpu.memref_slice %arg7[%mul3A_76] : memref<10000xi32, #tpu.memory_space<vmem>> -> memref<80xi32, #tpu.memory_space<vmem>>
        %dma_start3A_78 = arith.constant 0 : i32
        %dma_start3A_79 = arith.constant 0 : i32
        %dma_start3A_80 = tpu.memref_slice %arg2[%dma_start3A_78, %dma_start3A_79] : memref<20000x128xf32, #tpu.memory_space<hbm>> -> memref<20000x128xf32, #tpu.memory_space<hbm>>
        tpu.enqueue_indirect_dma source(%dma_start3A_80 : memref<20000x128xf32, #tpu.memory_space<hbm>>) target(%arg9 : memref<80x128xf32, #tpu.memory_space<vmem>>) offsets(%dma_start3A_77 : memref<80xi32, #tpu.memory_space<vmem>>) semaphore(%arg12 : memref<!tpu.dma_semaphore, #tpu.memory_space<semaphore_mem>>)
      } else {
      }
      %mul3A_56 = arith.constant 2 : i32
      %mul3A_57 = arith.muli %mul3A_56, %add3A_39 : i32
      %add3A_58 = arith.constant 1 : i32
      %add3A_59 = arith.addi %mul3A_57, %add3A_58 : i32
      %mul3A_60 = arith.constant 80 : i32
      %mul3A_61 = arith.muli %add3A_59, %mul3A_60 : i32
      %dma_wait3A_62 = tpu.memref_slice %arg7[%mul3A_61] : memref<10000xi32, #tpu.memory_space<vmem>> -> memref<80xi32, #tpu.memory_space<vmem>>
      %dma_wait3A_63 = arith.constant 0 : i32
      %dma_wait3A_64 = arith.constant 0 : i32
      %dma_wait3A_65 = tpu.memref_slice %arg2[%dma_wait3A_63, %dma_wait3A_64] : memref<20000x128xf32, #tpu.memory_space<hbm>> -> memref<20000x128xf32, #tpu.memory_space<hbm>>
      tpu.wait_indirect_dma semaphore(%arg13 : memref<!tpu.dma_semaphore, #tpu.memory_space<semaphore_mem>>) src(%dma_wait3A_65 : memref<20000x128xf32, #tpu.memory_space<hbm>>) dst(%arg10 : memref<80x128xf32, #tpu.memory_space<vmem>>)
      "tpu.region"() ({
        %run_scoped3A_73 = tpu.sem_alloc : memref<!tpu.dma_semaphore, #tpu.memory_space<semaphore_mem>>
        %dma_start3A_74 = arith.constant 0 : i32
        %dma_start3A_75 = tpu.memref_slice %arg8[%add3A_59, %dma_start3A_74] : memref<125x80xi32, #tpu.memory_space<vmem>> -> memref<1x80xi32, #tpu.memory_space<vmem>>
        %dma_start3A_76 = tpu.memref_squeeze %dma_start3A_75 : memref<1x80xi32, #tpu.memory_space<vmem>> -> memref<80xi32, #tpu.memory_space<vmem>>
        %dma_start3A_77 = arith.constant 0 : i32
        %dma_start3A_78 = arith.constant 0 : i32
        %dma_start3A_79 = tpu.memref_slice %arg11[%dma_start3A_77, %dma_start3A_78] : memref<10000x128xf32, #tpu.memory_space<vmem_shared>> -> memref<10000x128xf32, #tpu.memory_space<vmem_shared>>
        tpu.enqueue_indirect_dma source(%arg10 : memref<80x128xf32, #tpu.memory_space<vmem>>) target(%dma_start3A_79 : memref<10000x128xf32, #tpu.memory_space<vmem_shared>>) offsets(%dma_start3A_76 : memref<80xi32, #tpu.memory_space<vmem>>) semaphore(%run_scoped3A_73 : memref<!tpu.dma_semaphore, #tpu.memory_space<semaphore_mem>>) {add = true}
        %dma_wait3A_80 = arith.constant 0 : i32
        %dma_wait3A_81 = tpu.memref_slice %arg8[%add3A_59, %dma_wait3A_80] : memref<125x80xi32, #tpu.memory_space<vmem>> -> memref<1x80xi32, #tpu.memory_space<vmem>>
        %dma_wait3A_82 = tpu.memref_squeeze %dma_wait3A_81 : memref<1x80xi32, #tpu.memory_space<vmem>> -> memref<80xi32, #tpu.memory_space<vmem>>
        %dma_wait3A_83 = arith.constant 0 : i32
        %dma_wait3A_84 = arith.constant 0 : i32
        %dma_wait3A_85 = tpu.memref_slice %arg11[%dma_wait3A_83, %dma_wait3A_84] : memref<10000x128xf32, #tpu.memory_space<vmem_shared>> -> memref<10000x128xf32, #tpu.memory_space<vmem_shared>>
        tpu.wait_indirect_dma semaphore(%run_scoped3A_73 : memref<!tpu.dma_semaphore, #tpu.memory_space<semaphore_mem>>) src(%arg10 : memref<80x128xf32, #tpu.memory_space<vmem>>) dst(%dma_wait3A_85 : memref<10000x128xf32, #tpu.memory_space<vmem_shared>>)
        tpu.yield
      }) : () -> ()
      %add3A_66 = arith.constant 2 : i32
      %add3A_67 = arith.addi %add3A_59, %add3A_66 : i32
      %lt3A_68 = arith.constant 125 : i32
      %lt3A_69 = arith.cmpi slt, %add3A_67, %lt3A_68 : i32
      %convert_element_type3A_70 = arith.extui %lt3A_69 : i1 to i32
      %cond3A_71 = arith.constant 0 : i32
      %cond3A_72 = arith.cmpi ne, %convert_element_type3A_70, %cond3A_71 : i32
      scf.if %cond3A_72 {
        %add3A_73 = arith.constant 2 : i32
        %add3A_74 = arith.addi %add3A_59, %add3A_73 : i32
        %mul3A_75 = arith.constant 80 : i32
        %mul3A_76 = arith.muli %add3A_74, %mul3A_75 : i32
        %dma_start3A_77 = tpu.memref_slice %arg7[%mul3A_76] : memref<10000xi32, #tpu.memory_space<vmem>> -> memref<80xi32, #tpu.memory_space<vmem>>
        %dma_start3A_78 = arith.constant 0 : i32
        %dma_start3A_79 = arith.constant 0 : i32
        %dma_start3A_80 = tpu.memref_slice %arg2[%dma_start3A_78, %dma_start3A_79] : memref<20000x128xf32, #tpu.memory_space<hbm>> -> memref<20000x128xf32, #tpu.memory_space<hbm>>
        tpu.enqueue_indirect_dma source(%dma_start3A_80 : memref<20000x128xf32, #tpu.memory_space<hbm>>) target(%arg10 : memref<80x128xf32, #tpu.memory_space<vmem>>) offsets(%dma_start3A_77 : memref<80xi32, #tpu.memory_space<vmem>>) semaphore(%arg13 : memref<!tpu.dma_semaphore, #tpu.memory_space<semaphore_mem>>)
      } else {
      }
    }
    %scan3A_17 = arith.constant 62 : i32
    %dma_wait3A = arith.constant 9920 : i32
    %dma_wait3A_18 = tpu.memref_slice %arg7[%dma_wait3A] : memref<10000xi32, #tpu.memory_space<vmem>> -> memref<80xi32, #tpu.memory_space<vmem>>
    %dma_wait3A_19 = arith.constant 0 : i32
    %dma_wait3A_20 = arith.constant 0 : i32
    %dma_wait3A_21 = tpu.memref_slice %arg2[%dma_wait3A_19, %dma_wait3A_20] : memref<20000x128xf32, #tpu.memory_space<hbm>> -> memref<20000x128xf32, #tpu.memory_space<hbm>>
    tpu.wait_indirect_dma semaphore(%arg12 : memref<!tpu.dma_semaphore, #tpu.memory_space<semaphore_mem>>) src(%dma_wait3A_21 : memref<20000x128xf32, #tpu.memory_space<hbm>>) dst(%arg9 : memref<80x128xf32, #tpu.memory_space<vmem>>)
    %run_scoped3A = arith.constant 124 : i32
    "tpu.region"() ({
      %run_scoped3A_35 = tpu.sem_alloc : memref<!tpu.dma_semaphore, #tpu.memory_space<semaphore_mem>>
      %dma_start3A_36 = arith.constant 0 : i32
      %dma_start3A_37 = tpu.memref_slice %arg8[%run_scoped3A, %dma_start3A_36] : memref<125x80xi32, #tpu.memory_space<vmem>> -> memref<1x80xi32, #tpu.memory_space<vmem>>
      %dma_start3A_38 = tpu.memref_squeeze %dma_start3A_37 : memref<1x80xi32, #tpu.memory_space<vmem>> -> memref<80xi32, #tpu.memory_space<vmem>>
      %dma_start3A_39 = arith.constant 0 : i32
      %dma_start3A_40 = arith.constant 0 : i32
      %dma_start3A_41 = tpu.memref_slice %arg11[%dma_start3A_39, %dma_start3A_40] : memref<10000x128xf32, #tpu.memory_space<vmem_shared>> -> memref<10000x128xf32, #tpu.memory_space<vmem_shared>>
      tpu.enqueue_indirect_dma source(%arg9 : memref<80x128xf32, #tpu.memory_space<vmem>>) target(%dma_start3A_41 : memref<10000x128xf32, #tpu.memory_space<vmem_shared>>) offsets(%dma_start3A_38 : memref<80xi32, #tpu.memory_space<vmem>>) semaphore(%run_scoped3A_35 : memref<!tpu.dma_semaphore, #tpu.memory_space<semaphore_mem>>) {add = true}
      %dma_wait3A_42 = arith.constant 0 : i32
      %dma_wait3A_43 = tpu.memref_slice %arg8[%run_scoped3A, %dma_wait3A_42] : memref<125x80xi32, #tpu.memory_space<vmem>> -> memref<1x80xi32, #tpu.memory_space<vmem>>
      %dma_wait3A_44 = tpu.memref_squeeze %dma_wait3A_43 : memref<1x80xi32, #tpu.memory_space<vmem>> -> memref<80xi32, #tpu.memory_space<vmem>>
      %dma_wait3A_45 = arith.constant 0 : i32
      %dma_wait3A_46 = arith.constant 0 : i32
      %dma_wait3A_47 = tpu.memref_slice %arg11[%dma_wait3A_45, %dma_wait3A_46] : memref<10000x128xf32, #tpu.memory_space<vmem_shared>> -> memref<10000x128xf32, #tpu.memory_space<vmem_shared>>
      tpu.wait_indirect_dma semaphore(%run_scoped3A_35 : memref<!tpu.dma_semaphore, #tpu.memory_space<semaphore_mem>>) src(%arg9 : memref<80x128xf32, #tpu.memory_space<vmem>>) dst(%dma_wait3A_47 : memref<10000x128xf32, #tpu.memory_space<vmem_shared>>)
      tpu.yield
    }) : () -> ()
    %barrier3A_22 = arith.constant 0 : index
    tpu.barrier barrier_id(%barrier3A_22)
    %mul3A_23 = arith.constant 624 : i32
    %mul3A_24 = arith.muli %arg1, %mul3A_23 : i32
    %mul3A_25 = arith.constant 10000 : i32
    %mul3A_26 = arith.muli %arg0, %mul3A_25 : i32
    %mul3A_27 = arith.constant 624 : i32
    %mul3A_28 = arith.muli %arg1, %mul3A_27 : i32
    %add3A_29 = arith.addi %mul3A_26, %mul3A_28 : i32
    "tpu.region"() ({
      %run_scoped3A_35 = tpu.sem_alloc : memref<!tpu.dma_semaphore, #tpu.memory_space<semaphore_mem>>
      %dma_start3A_36 = arith.constant 0 : i32
      %dma_start3A_37 = tpu.memref_slice %arg6[%add3A_29, %dma_start3A_36] : memref<20000x128xf32, #tpu.memory_space<hbm>> -> memref<624x128xf32, #tpu.memory_space<hbm>>
      %dma_start3A_38 = arith.constant 0 : i32
      %dma_start3A_39 = tpu.memref_slice %arg11[%mul3A_24, %dma_start3A_38] : memref<10000x128xf32, #tpu.memory_space<vmem_shared>> -> memref<624x128xf32, #tpu.memory_space<vmem_shared>>
      tpu.enqueue_dma source(%dma_start3A_39 : memref<624x128xf32, #tpu.memory_space<vmem_shared>>) target(%dma_start3A_37 : memref<624x128xf32, #tpu.memory_space<hbm>>) target_semaphore(%run_scoped3A_35 : memref<!tpu.dma_semaphore, #tpu.memory_space<semaphore_mem>>)
      %dma_wait3A_40 = arith.constant 0 : i32
      %dma_wait3A_41 = tpu.memref_slice %arg6[%add3A_29, %dma_wait3A_40] : memref<20000x128xf32, #tpu.memory_space<hbm>> -> memref<624x128xf32, #tpu.memory_space<hbm>>
      %dma_wait3A_42 = arith.constant 0 : i32
      %dma_wait3A_43 = tpu.memref_slice %arg11[%mul3A_24, %dma_wait3A_42] : memref<10000x128xf32, #tpu.memory_space<vmem_shared>> -> memref<624x128xf32, #tpu.memory_space<vmem_shared>>
      tpu.wait_dma2 semaphore(%run_scoped3A_35 : memref<!tpu.dma_semaphore, #tpu.memory_space<semaphore_mem>>) src(%dma_wait3A_43 : memref<624x128xf32, #tpu.memory_space<vmem_shared>>) dst(%dma_wait3A_41 : memref<624x128xf32, #tpu.memory_space<hbm>>)
      tpu.yield
    }) : () -> ()
    %eq3A_30 = arith.constant 0 : i32
    %eq3A_31 = arith.cmpi eq, %arg1, %eq3A_30 : i32
    %convert_element_type3A_32 = arith.extui %eq3A_31 : i1 to i32
    %cond3A_33 = arith.constant 0 : i32
    %cond3A_34 = arith.cmpi ne, %convert_element_type3A_32, %cond3A_33 : i32
    scf.if %cond3A_34 {
      %mul3A_35 = arith.constant 10000 : i32
      %mul3A_36 = arith.muli %arg0, %mul3A_35 : i32
      %add3A_37 = arith.constant 9984 : i32
      %add3A_38 = arith.addi %mul3A_36, %add3A_37 : i32
      "tpu.region"() ({
        %run_scoped3A_39 = tpu.sem_alloc : memref<!tpu.dma_semaphore, #tpu.memory_space<semaphore_mem>>
        %dma_start3A_40 = arith.constant 0 : i32
        %dma_start3A_41 = tpu.memref_slice %arg6[%add3A_38, %dma_start3A_40] : memref<20000x128xf32, #tpu.memory_space<hbm>> -> memref<16x128xf32, #tpu.memory_space<hbm>>
        %dma_start3A_42 = arith.constant 9984 : i32
        %dma_start3A_43 = arith.constant 0 : i32
        %dma_start3A_44 = tpu.memref_slice %arg11[%dma_start3A_42, %dma_start3A_43] : memref<10000x128xf32, #tpu.memory_space<vmem_shared>> -> memref<16x128xf32, #tpu.memory_space<vmem_shared>>
        tpu.enqueue_dma source(%dma_start3A_44 : memref<16x128xf32, #tpu.memory_space<vmem_shared>>) target(%dma_start3A_41 : memref<16x128xf32, #tpu.memory_space<hbm>>) target_semaphore(%run_scoped3A_39 : memref<!tpu.dma_semaphore, #tpu.memory_space<semaphore_mem>>)
        %dma_wait3A_45 = arith.constant 0 : i32
        %dma_wait3A_46 = tpu.memref_slice %arg6[%add3A_38, %dma_wait3A_45] : memref<20000x128xf32, #tpu.memory_space<hbm>> -> memref<16x128xf32, #tpu.memory_space<hbm>>
        %dma_wait3A_47 = arith.constant 9984 : i32
        %dma_wait3A_48 = arith.constant 0 : i32
        %dma_wait3A_49 = tpu.memref_slice %arg11[%dma_wait3A_47, %dma_wait3A_48] : memref<10000x128xf32, #tpu.memory_space<vmem_shared>> -> memref<16x128xf32, #tpu.memory_space<vmem_shared>>
        tpu.wait_dma2 semaphore(%run_scoped3A_39 : memref<!tpu.dma_semaphore, #tpu.memory_space<semaphore_mem>>) src(%dma_wait3A_49 : memref<16x128xf32, #tpu.memory_space<vmem_shared>>) dst(%dma_wait3A_46 : memref<16x128xf32, #tpu.memory_space<hbm>>)
        tpu.yield
      }) : () -> ()
    } else {
    }
    return
  }
}

module attributes {stable_mosaic.version = 14 : i64} {
  func.func @_mm_relu_body(%arg0: i32, %arg1: memref<1000x128xf32, #tpu.memory_space<vmem>>, %arg2: memref<1000x128xf32, #tpu.memory_space<vmem>>, %arg3: memref<1x1000x128xf32, #tpu.memory_space<vmem>>, %arg4: memref<1x1000x128xf32, #tpu.memory_space<vmem>>, %arg5: memref<1000x128xf32, #tpu.memory_space<vmem>>, %arg6: memref<1000x128xf32, #tpu.memory_space<vmem>>, %arg7: memref<256x256xf32, #tpu.memory_space<vmem>>, %arg8: memref<1x256xf32, #tpu.memory_space<vmem>>, %arg9: memref<256x256xf32, #tpu.memory_space<vmem>>, %arg10: memref<2x1000x128xf32, #tpu.memory_space<vmem>>) attributes {dimension_semantics = [#tpu.dimension_semantics<arbitrary>], iteration_bounds = array<i64: 10>, scalar_prefetch = 0 : i64, scratch_operands = 0 : i64, tpu.core_type = #tpu.core_type<tc>, window_params = [{transform_indices = @transform_0, window_bounds = array<i64: 1000, 128>}, {transform_indices = @transform_1, window_bounds = array<i64: 1000, 128>}, {transform_indices = @transform_2, window_bounds = array<i64: 1, 1000, 128>}, {transform_indices = @transform_3, window_bounds = array<i64: 1, 1000, 128>}, {transform_indices = @transform_4, window_bounds = array<i64: 1000, 128>}, {transform_indices = @transform_5, window_bounds = array<i64: 1000, 128>}, {pipeline_mode = #tpu.pipeline_mode<synchronous>, transform_indices = @transform_6, window_bounds = array<i64: 256, 256>}, {pipeline_mode = #tpu.pipeline_mode<synchronous>, transform_indices = @transform_7, window_bounds = array<i64: 1, 256>}, {pipeline_mode = #tpu.pipeline_mode<synchronous>, transform_indices = @transform_8, window_bounds = array<i64: 256, 256>}, {transform_indices = @transform_9, window_bounds = array<i64: 2, 1000, 128>}]} {
    %get3A = arith.constant 0 : index
    %get3A_0 = arith.constant 0 : index
    %get3A_1 = arith.constant 0 : index
    %get3A_2 = vector.load %arg3[%get3A, %get3A_0, %get3A_1] : memref<1x1000x128xf32, #tpu.memory_space<vmem>>, vector<1x1000x128xf32>
    %get3A_3 = vector.shape_cast %get3A_2 : vector<1x1000x128xf32> to vector<1000x128xf32>
    %slice3A = vector.extract_strided_slice %get3A_3 {offsets = [0, 0], sizes = [1000, 1], strides = [1, 1]} : vector<1000x128xf32> to vector<1000x1xf32>
    %get3A_4 = arith.constant 0 : index
    %get3A_5 = arith.constant 0 : index
    %get3A_6 = arith.constant 0 : index
    %get3A_7 = vector.load %arg4[%get3A_4, %get3A_5, %get3A_6] : memref<1x1000x128xf32, #tpu.memory_space<vmem>>, vector<1x1000x128xf32>
    %get3A_8 = vector.shape_cast %get3A_7 : vector<1x1000x128xf32> to vector<1000x128xf32>
    %slice3A_9 = vector.extract_strided_slice %get3A_8 {offsets = [0, 0], sizes = [1000, 1], strides = [1, 1]} : vector<1000x128xf32> to vector<1000x1xf32>
    %add3A = arith.addf %slice3A, %slice3A_9 : vector<1000x1xf32>
    %max3A = arith.constant 1.000000e+00 : f32
    %max3A_10 = vector.broadcast %max3A : f32 to vector<1000x1xf32>
    %max3A_11 = arith.maximumf %add3A, %max3A_10 : vector<1000x1xf32>
    %div3A = arith.constant 1.000000e+00 : f32
    %div3A_12 = vector.broadcast %div3A : f32 to vector<1000x1xf32>
    %div3A_13 = arith.divf %div3A_12, %max3A_11 : vector<1000x1xf32>
    %get3A_14 = arith.constant 0 : index
    %get3A_15 = arith.constant 0 : index
    %get3A_16 = vector.load %arg1[%get3A_14, %get3A_15] : memref<1000x128xf32, #tpu.memory_space<vmem>>, vector<1000x128xf32>
    %mul3A = vector.broadcast %div3A_13 : vector<1000x1xf32> to vector<1000x128xf32>
    %mul3A_17 = arith.mulf %get3A_16, %mul3A : vector<1000x128xf32>
    %get3A_18 = arith.constant 0 : index
    %get3A_19 = arith.constant 0 : index
    %get3A_20 = vector.load %arg7[%get3A_18, %get3A_19] : memref<256x256xf32, #tpu.memory_space<vmem>>, vector<128x256xf32>
    %dot_general3A = arith.constant dense<0.000000e+00> : vector<1000x256xf32>
    %dot_general3A_21 = tpu.matmul %mul3A_17, %get3A_20, %dot_general3A {dimension_numbers = #tpu.dot_dimension_numbers<[1], [0], [0], [1], [0, 0, 1, 1], [], []>, transpose_lhs_hint = false} : vector<1000x128xf32>, vector<128x256xf32>, vector<1000x256xf32> -> vector<1000x256xf32>
    %get3A_22 = arith.constant 0 : index
    %get3A_23 = arith.constant 0 : index
    %get3A_24 = vector.load %arg2[%get3A_22, %get3A_23] : memref<1000x128xf32, #tpu.memory_space<vmem>>, vector<1000x128xf32>
    %mul3A_25 = vector.broadcast %div3A_13 : vector<1000x1xf32> to vector<1000x128xf32>
    %mul3A_26 = arith.mulf %get3A_24, %mul3A_25 : vector<1000x128xf32>
    %get3A_27 = arith.constant 128 : index
    %get3A_28 = arith.constant 0 : index
    %get3A_29 = vector.load %arg7[%get3A_27, %get3A_28] : memref<256x256xf32, #tpu.memory_space<vmem>>, vector<128x256xf32>
    %dot_general3A_30 = arith.constant dense<0.000000e+00> : vector<1000x256xf32>
    %dot_general3A_31 = tpu.matmul %mul3A_26, %get3A_29, %dot_general3A_30 {dimension_numbers = #tpu.dot_dimension_numbers<[1], [0], [0], [1], [0, 0, 1, 1], [], []>, transpose_lhs_hint = false} : vector<1000x128xf32>, vector<128x256xf32>, vector<1000x256xf32> -> vector<1000x256xf32>
    %add3A_32 = arith.addf %dot_general3A_21, %dot_general3A_31 : vector<1000x256xf32>
    %get3A_33 = arith.constant 0 : index
    %get3A_34 = arith.constant 0 : index
    %get3A_35 = vector.load %arg5[%get3A_33, %get3A_34] : memref<1000x128xf32, #tpu.memory_space<vmem>>, vector<1000x128xf32>
    %get3A_36 = arith.constant 0 : index
    %get3A_37 = arith.constant 0 : index
    %get3A_38 = vector.load %arg9[%get3A_36, %get3A_37] : memref<256x256xf32, #tpu.memory_space<vmem>>, vector<128x256xf32>
    %dot_general3A_39 = arith.constant dense<0.000000e+00> : vector<1000x256xf32>
    %dot_general3A_40 = tpu.matmul %get3A_35, %get3A_38, %dot_general3A_39 {dimension_numbers = #tpu.dot_dimension_numbers<[1], [0], [0], [1], [0, 0, 1, 1], [], []>, transpose_lhs_hint = false} : vector<1000x128xf32>, vector<128x256xf32>, vector<1000x256xf32> -> vector<1000x256xf32>
    %add3A_41 = arith.addf %add3A_32, %dot_general3A_40 : vector<1000x256xf32>
    %get3A_42 = arith.constant 0 : index
    %get3A_43 = arith.constant 0 : index
    %get3A_44 = vector.load %arg6[%get3A_42, %get3A_43] : memref<1000x128xf32, #tpu.memory_space<vmem>>, vector<1000x128xf32>
    %get3A_45 = arith.constant 128 : index
    %get3A_46 = arith.constant 0 : index
    %get3A_47 = vector.load %arg9[%get3A_45, %get3A_46] : memref<256x256xf32, #tpu.memory_space<vmem>>, vector<128x256xf32>
    %dot_general3A_48 = arith.constant dense<0.000000e+00> : vector<1000x256xf32>
    %dot_general3A_49 = tpu.matmul %get3A_44, %get3A_47, %dot_general3A_48 {dimension_numbers = #tpu.dot_dimension_numbers<[1], [0], [0], [1], [0, 0, 1, 1], [], []>, transpose_lhs_hint = false} : vector<1000x128xf32>, vector<128x256xf32>, vector<1000x256xf32> -> vector<1000x256xf32>
    %add3A_50 = arith.addf %add3A_41, %dot_general3A_49 : vector<1000x256xf32>
    %get3A_51 = arith.constant 0 : index
    %get3A_52 = arith.constant 0 : index
    %get3A_53 = vector.load %arg8[%get3A_51, %get3A_52] : memref<1x256xf32, #tpu.memory_space<vmem>>, vector<1x256xf32>
    %add3A_54 = vector.broadcast %get3A_53 : vector<1x256xf32> to vector<1000x256xf32>
    %add3A_55 = arith.addf %add3A_50, %add3A_54 : vector<1000x256xf32>
    %max3A_56 = arith.constant 0.000000e+00 : f32
    %max3A_57 = vector.broadcast %max3A_56 : f32 to vector<1000x256xf32>
    %max3A_58 = arith.maximumf %add3A_55, %max3A_57 : vector<1000x256xf32>
    %slice3A_59 = vector.extract_strided_slice %max3A_58 {offsets = [0, 0], sizes = [1000, 128], strides = [1, 1]} : vector<1000x256xf32> to vector<1000x128xf32>
    %swap3A = arith.constant 0 : index
    %swap3A_60 = arith.constant 0 : index
    %swap3A_61 = arith.constant 0 : index
    %swap3A_62 = vector.load %arg10[%swap3A, %swap3A_60, %swap3A_61] : memref<2x1000x128xf32, #tpu.memory_space<vmem>>, vector<1x1000x128xf32>
    %swap3A_63 = vector.shape_cast %swap3A_62 : vector<1x1000x128xf32> to vector<1000x128xf32>
    %swap3A_64 = vector.shape_cast %slice3A_59 : vector<1000x128xf32> to vector<1x1000x128xf32>
    tpu.vector_store %arg10[%swap3A, %swap3A_60, %swap3A_61], %swap3A_64 {strides = array<i32>} : memref<2x1000x128xf32, #tpu.memory_space<vmem>>, vector<1x1000x128xf32>,
    %slice3A_65 = vector.extract_strided_slice %max3A_58 {offsets = [0, 128], sizes = [1000, 128], strides = [1, 1]} : vector<1000x256xf32> to vector<1000x128xf32>
    %swap3A_66 = arith.constant 1 : index
    %swap3A_67 = arith.constant 0 : index
    %swap3A_68 = arith.constant 0 : index
    %swap3A_69 = vector.load %arg10[%swap3A_66, %swap3A_67, %swap3A_68] : memref<2x1000x128xf32, #tpu.memory_space<vmem>>, vector<1x1000x128xf32>
    %swap3A_70 = vector.shape_cast %swap3A_69 : vector<1x1000x128xf32> to vector<1000x128xf32>
    %swap3A_71 = vector.shape_cast %slice3A_65 : vector<1000x128xf32> to vector<1x1000x128xf32>
    tpu.vector_store %arg10[%swap3A_66, %swap3A_67, %swap3A_68], %swap3A_71 {strides = array<i32>} : memref<2x1000x128xf32, #tpu.memory_space<vmem>>, vector<1x1000x128xf32>,
    return
  }
  func.func @transform_0(%arg0: i32) -> (i32, i32) {
    %add3A = arith.constant 0 : i32
    %add3A_0 = arith.addi %arg0, %add3A : i32
    %c0_i32 = arith.constant 0 : i32
    %c0_i32_1 = arith.constant 0 : i32
    return %add3A_0, %c0_i32 : i32, i32
  }
  func.func @transform_1(%arg0: i32) -> (i32, i32) {
    %add3A = arith.constant 10 : i32
    %add3A_0 = arith.addi %arg0, %add3A : i32
    %c0_i32 = arith.constant 0 : i32
    %c0_i32_1 = arith.constant 0 : i32
    return %add3A_0, %c0_i32 : i32, i32
  }
  func.func @transform_2(%arg0: i32) -> (i32, i32, i32) {
    %c0_i32 = arith.constant 0 : i32
    %c0_i32_0 = arith.constant 0 : i32
    %c0_i32_1 = arith.constant 0 : i32
    return %c0_i32, %arg0, %c0_i32_0 : i32, i32, i32
  }
  func.func @transform_3(%arg0: i32) -> (i32, i32, i32) {
    %c1_i32 = arith.constant 1 : i32
    %c0_i32 = arith.constant 0 : i32
    %c0_i32_0 = arith.constant 0 : i32
    return %c1_i32, %arg0, %c0_i32 : i32, i32, i32
  }
  func.func @transform_4(%arg0: i32) -> (i32, i32) {
    %add3A = arith.constant 0 : i32
    %add3A_0 = arith.addi %arg0, %add3A : i32
    %c0_i32 = arith.constant 0 : i32
    %c0_i32_1 = arith.constant 0 : i32
    return %add3A_0, %c0_i32 : i32, i32
  }
  func.func @transform_5(%arg0: i32) -> (i32, i32) {
    %add3A = arith.constant 10 : i32
    %add3A_0 = arith.addi %arg0, %add3A : i32
    %c0_i32 = arith.constant 0 : i32
    %c0_i32_1 = arith.constant 0 : i32
    return %add3A_0, %c0_i32 : i32, i32
  }
  func.func @transform_6(%arg0: i32) -> (i32, i32) {
    %c0_i32 = arith.constant 0 : i32
    %c0_i32_0 = arith.constant 0 : i32
    %c0_i32_1 = arith.constant 0 : i32
    return %c0_i32, %c0_i32_0 : i32, i32
  }
  func.func @transform_7(%arg0: i32) -> (i32, i32) {
    %c0_i32 = arith.constant 0 : i32
    %c0_i32_0 = arith.constant 0 : i32
    %c0_i32_1 = arith.constant 0 : i32
    return %c0_i32, %c0_i32_0 : i32, i32
  }
  func.func @transform_8(%arg0: i32) -> (i32, i32) {
    %c0_i32 = arith.constant 0 : i32
    %c0_i32_0 = arith.constant 0 : i32
    %c0_i32_1 = arith.constant 0 : i32
    return %c0_i32, %c0_i32_0 : i32, i32
  }
  func.func @transform_9(%arg0: i32) -> (i32, i32, i32) {
    %c0_i32 = arith.constant 0 : i32
    %c0_i32_0 = arith.constant 0 : i32
    %c0_i32_1 = arith.constant 0 : i32
    return %c0_i32, %arg0, %c0_i32_0 : i32, i32, i32
  }
}

module attributes {stable_mosaic.version = 14 : i64} {
  func.func @_mm_pool_head_body(%arg0: i32, %arg1: memref<1000x128xf32, #tpu.memory_space<vmem>>, %arg2: memref<1000x128xf32, #tpu.memory_space<vmem>>, %arg3: memref<1x1000x128xf32, #tpu.memory_space<vmem>>, %arg4: memref<1x1000x128xf32, #tpu.memory_space<vmem>>, %arg5: memref<1000x128xf32, #tpu.memory_space<vmem>>, %arg6: memref<1000x128xf32, #tpu.memory_space<vmem>>, %arg7: memref<256x256xf32, #tpu.memory_space<vmem>>, %arg8: memref<1x256xf32, #tpu.memory_space<vmem>>, %arg9: memref<256x256xf32, #tpu.memory_space<vmem>>, %arg10: memref<1000x1xi32, #tpu.memory_space<vmem>>, %arg11: memref<256x128xf32, #tpu.memory_space<vmem>>, %arg12: memref<1x128xf32, #tpu.memory_space<vmem>>, %arg13: memref<64x128xf32, #tpu.memory_space<vmem>>, %arg14: memref<64x256xf32, #tpu.memory_space<vmem>>, %arg15: memref<64x128xf32, #tpu.memory_space<vmem>>) attributes {dimension_semantics = [#tpu.dimension_semantics<arbitrary>], iteration_bounds = array<i64: 10>, scalar_prefetch = 0 : i64, scratch_operands = 2 : i64, tpu.core_type = #tpu.core_type<tc>, window_params = [{transform_indices = @transform_0, window_bounds = array<i64: 1000, 128>}, {transform_indices = @transform_1, window_bounds = array<i64: 1000, 128>}, {transform_indices = @transform_2, window_bounds = array<i64: 1, 1000, 128>}, {transform_indices = @transform_3, window_bounds = array<i64: 1, 1000, 128>}, {transform_indices = @transform_4, window_bounds = array<i64: 1000, 128>}, {transform_indices = @transform_5, window_bounds = array<i64: 1000, 128>}, {pipeline_mode = #tpu.pipeline_mode<synchronous>, transform_indices = @transform_6, window_bounds = array<i64: 256, 256>}, {pipeline_mode = #tpu.pipeline_mode<synchronous>, transform_indices = @transform_7, window_bounds = array<i64: 1, 256>}, {pipeline_mode = #tpu.pipeline_mode<synchronous>, transform_indices = @transform_8, window_bounds = array<i64: 256, 256>}, {transform_indices = @transform_9, window_bounds = array<i64: 1000, 1>}, {pipeline_mode = #tpu.pipeline_mode<synchronous>, transform_indices = @transform_10, window_bounds = array<i64: 256, 128>}, {pipeline_mode = #tpu.pipeline_mode<synchronous>, transform_indices = @transform_11, window_bounds = array<i64: 1, 128>}, {pipeline_mode = #tpu.pipeline_mode<synchronous>, transform_indices = @transform_12, window_bounds = array<i64: 64, 128>}]} {
    %get3A = arith.constant 0 : index
    %get3A_0 = arith.constant 0 : index
    %get3A_1 = arith.constant 0 : index
    %get3A_2 = vector.load %arg3[%get3A, %get3A_0, %get3A_1] : memref<1x1000x128xf32, #tpu.memory_space<vmem>>, vector<1x1000x128xf32>
    %get3A_3 = vector.shape_cast %get3A_2 : vector<1x1000x128xf32> to vector<1000x128xf32>
    %slice3A = vector.extract_strided_slice %get3A_3 {offsets = [0, 0], sizes = [1000, 1], strides = [1, 1]} : vector<1000x128xf32> to vector<1000x1xf32>
    %get3A_4 = arith.constant 0 : index
    %get3A_5 = arith.constant 0 : index
    %get3A_6 = arith.constant 0 : index
    %get3A_7 = vector.load %arg4[%get3A_4, %get3A_5, %get3A_6] : memref<1x1000x128xf32, #tpu.memory_space<vmem>>, vector<1x1000x128xf32>
    %get3A_8 = vector.shape_cast %get3A_7 : vector<1x1000x128xf32> to vector<1000x128xf32>
    %slice3A_9 = vector.extract_strided_slice %get3A_8 {offsets = [0, 0], sizes = [1000, 1], strides = [1, 1]} : vector<1000x128xf32> to vector<1000x1xf32>
    %add3A = arith.addf %slice3A, %slice3A_9 : vector<1000x1xf32>
    %max3A = arith.constant 1.000000e+00 : f32
    %max3A_10 = vector.broadcast %max3A : f32 to vector<1000x1xf32>
    %max3A_11 = arith.maximumf %add3A, %max3A_10 : vector<1000x1xf32>
    %div3A = arith.constant 1.000000e+00 : f32
    %div3A_12 = vector.broadcast %div3A : f32 to vector<1000x1xf32>
    %div3A_13 = arith.divf %div3A_12, %max3A_11 : vector<1000x1xf32>
    %get3A_14 = arith.constant 0 : index
    %get3A_15 = arith.constant 0 : index
    %get3A_16 = vector.load %arg1[%get3A_14, %get3A_15] : memref<1000x128xf32, #tpu.memory_space<vmem>>, vector<1000x128xf32>
    %mul3A = vector.broadcast %div3A_13 : vector<1000x1xf32> to vector<1000x128xf32>
    %mul3A_17 = arith.mulf %get3A_16, %mul3A : vector<1000x128xf32>
    %get3A_18 = arith.constant 0 : index
    %get3A_19 = arith.constant 0 : index
    %get3A_20 = vector.load %arg7[%get3A_18, %get3A_19] : memref<256x256xf32, #tpu.memory_space<vmem>>, vector<128x256xf32>
    %dot_general3A = arith.constant dense<0.000000e+00> : vector<1000x256xf32>
    %dot_general3A_21 = tpu.matmul %mul3A_17, %get3A_20, %dot_general3A {dimension_numbers = #tpu.dot_dimension_numbers<[1], [0], [0], [1], [0, 0, 1, 1], [], []>, transpose_lhs_hint = false} : vector<1000x128xf32>, vector<128x256xf32>, vector<1000x256xf32> -> vector<1000x256xf32>
    %get3A_22 = arith.constant 0 : index
    %get3A_23 = arith.constant 0 : index
    %get3A_24 = vector.load %arg2[%get3A_22, %get3A_23] : memref<1000x128xf32, #tpu.memory_space<vmem>>, vector<1000x128xf32>
    %mul3A_25 = vector.broadcast %div3A_13 : vector<1000x1xf32> to vector<1000x128xf32>
    %mul3A_26 = arith.mulf %get3A_24, %mul3A_25 : vector<1000x128xf32>
    %get3A_27 = arith.constant 128 : index
    %get3A_28 = arith.constant 0 : index
    %get3A_29 = vector.load %arg7[%get3A_27, %get3A_28] : memref<256x256xf32, #tpu.memory_space<vmem>>, vector<128x256xf32>
    %dot_general3A_30 = arith.constant dense<0.000000e+00> : vector<1000x256xf32>
    %dot_general3A_31 = tpu.matmul %mul3A_26, %get3A_29, %dot_general3A_30 {dimension_numbers = #tpu.dot_dimension_numbers<[1], [0], [0], [1], [0, 0, 1, 1], [], []>, transpose_lhs_hint = false} : vector<1000x128xf32>, vector<128x256xf32>, vector<1000x256xf32> -> vector<1000x256xf32>
    %add3A_32 = arith.addf %dot_general3A_21, %dot_general3A_31 : vector<1000x256xf32>
    %get3A_33 = arith.constant 0 : index
    %get3A_34 = arith.constant 0 : index
    %get3A_35 = vector.load %arg5[%get3A_33, %get3A_34] : memref<1000x128xf32, #tpu.memory_space<vmem>>, vector<1000x128xf32>
    %get3A_36 = arith.constant 0 : index
    %get3A_37 = arith.constant 0 : index
    %get3A_38 = vector.load %arg9[%get3A_36, %get3A_37] : memref<256x256xf32, #tpu.memory_space<vmem>>, vector<128x256xf32>
    %dot_general3A_39 = arith.constant dense<0.000000e+00> : vector<1000x256xf32>
    %dot_general3A_40 = tpu.matmul %get3A_35, %get3A_38, %dot_general3A_39 {dimension_numbers = #tpu.dot_dimension_numbers<[1], [0], [0], [1], [0, 0, 1, 1], [], []>, transpose_lhs_hint = false} : vector<1000x128xf32>, vector<128x256xf32>, vector<1000x256xf32> -> vector<1000x256xf32>
    %add3A_41 = arith.addf %add3A_32, %dot_general3A_40 : vector<1000x256xf32>
    %get3A_42 = arith.constant 0 : index
    %get3A_43 = arith.constant 0 : index
    %get3A_44 = vector.load %arg6[%get3A_42, %get3A_43] : memref<1000x128xf32, #tpu.memory_space<vmem>>, vector<1000x128xf32>
    %get3A_45 = arith.constant 128 : index
    %get3A_46 = arith.constant 0 : index
    %get3A_47 = vector.load %arg9[%get3A_45, %get3A_46] : memref<256x256xf32, #tpu.memory_space<vmem>>, vector<128x256xf32>
    %dot_general3A_48 = arith.constant dense<0.000000e+00> : vector<1000x256xf32>
    %dot_general3A_49 = tpu.matmul %get3A_44, %get3A_47, %dot_general3A_48 {dimension_numbers = #tpu.dot_dimension_numbers<[1], [0], [0], [1], [0, 0, 1, 1], [], []>, transpose_lhs_hint = false} : vector<1000x128xf32>, vector<128x256xf32>, vector<1000x256xf32> -> vector<1000x256xf32>
    %add3A_50 = arith.addf %add3A_41, %dot_general3A_49 : vector<1000x256xf32>
    %get3A_51 = arith.constant 0 : index
    %get3A_52 = arith.constant 0 : index
    %get3A_53 = vector.load %arg8[%get3A_51, %get3A_52] : memref<1x256xf32, #tpu.memory_space<vmem>>, vector<1x256xf32>
    %add3A_54 = vector.broadcast %get3A_53 : vector<1x256xf32> to vector<1000x256xf32>
    %add3A_55 = arith.addf %add3A_50, %add3A_54 : vector<1000x256xf32>
    %get3A_56 = arith.constant 0 : index
    %get3A_57 = arith.constant 0 : index
    %get3A_58 = vector.load %arg10[%get3A_56, %get3A_57] : memref<1000x1xi32, #tpu.memory_space<vmem>>, vector<1000x1xi32>
    %iota3A = tpu.iota {dimensions = array<i32: 1>} : vector<1000x64xi32>
    %eq3A = vector.broadcast %get3A_58 : vector<1000x1xi32> to vector<1000x64xi32>
    %eq3A_59 = arith.cmpi eq, %eq3A, %iota3A : vector<1000x64xi32>
    %convert_element_type3A = arith.extui %eq3A_59 : vector<1000x64xi1> to vector<1000x64xi32>
    %convert_element_type3A_60 = arith.sitofp %convert_element_type3A : vector<1000x64xi32> to vector<1000x64xf32>
    %eq3A_61 = arith.constant 0 : i32
    %eq3A_62 = arith.cmpi eq, %arg0, %eq3A_61 : i32
    %convert_element_type3A_63 = arith.extui %eq3A_62 : i1 to i32
    %cond3A = arith.constant 0 : i32
    %cond3A_64 = arith.cmpi ne, %convert_element_type3A_63, %cond3A : i32
    scf.if %cond3A_64 {
      %broadcast_in_dim3A_88 = arith.constant 0.000000e+00 : f32
      %broadcast_in_dim3A_89 = vector.broadcast %broadcast_in_dim3A_88 : f32 to vector<64x256xf32>
      %swap3A_90 = arith.constant 0 : index
      %swap3A_91 = arith.constant 0 : index
      %swap3A_92 = vector.load %arg14[%swap3A_90, %swap3A_91] : memref<64x256xf32, #tpu.memory_space<vmem>>, vector<64x256xf32>
      tpu.vector_store %arg14[%swap3A_90, %swap3A_91], %broadcast_in_dim3A_89 {strides = array<i32>} : memref<64x256xf32, #tpu.memory_space<vmem>>, vector<64x256xf32>,
      %broadcast_in_dim3A_93 = arith.constant 0.000000e+00 : f32
      %broadcast_in_dim3A_94 = vector.broadcast %broadcast_in_dim3A_93 : f32 to vector<64x128xf32>
      %swap3A_95 = arith.constant 0 : index
      %swap3A_96 = arith.constant 0 : index
      %swap3A_97 = vector.load %arg15[%swap3A_95, %swap3A_96] : memref<64x128xf32, #tpu.memory_space<vmem>>, vector<64x128xf32>
      tpu.vector_store %arg15[%swap3A_95, %swap3A_96], %broadcast_in_dim3A_94 {strides = array<i32>} : memref<64x128xf32, #tpu.memory_space<vmem>>, vector<64x128xf32>,
    } else {
    }
    %get3A_65 = arith.constant 0 : index
    %get3A_66 = arith.constant 0 : index
    %get3A_67 = vector.load %arg14[%get3A_65, %get3A_66] : memref<64x256xf32, #tpu.memory_space<vmem>>, vector<64x256xf32>
    %dot_general3A_68 = arith.constant dense<0.000000e+00> : vector<64x256xf32>
    %dot_general3A_69 = tpu.matmul %convert_element_type3A_60, %add3A_55, %dot_general3A_68 {dimension_numbers = #tpu.dot_dimension_numbers<[0], [0], [1], [1], [0, 1, 1, 1], [], []>, transpose_lhs_hint = false} : vector<1000x64xf32>, vector<1000x256xf32>, vector<64x256xf32> -> vector<64x256xf32>
    %add3A_70 = arith.addf %get3A_67, %dot_general3A_69 : vector<64x256xf32>
    %swap3A = arith.constant 0 : index
    %swap3A_71 = arith.constant 0 : index
    %swap3A_72 = vector.load %arg14[%swap3A, %swap3A_71] : memref<64x256xf32, #tpu.memory_space<vmem>>, vector<64x256xf32>
    tpu.vector_store %arg14[%swap3A, %swap3A_71], %add3A_70 {strides = array<i32>} : memref<64x256xf32, #tpu.memory_space<vmem>>, vector<64x256xf32>,
    %get3A_73 = arith.constant 0 : index
    %get3A_74 = arith.constant 0 : index
    %get3A_75 = vector.load %arg15[%get3A_73, %get3A_74] : memref<64x128xf32, #tpu.memory_space<vmem>>, vector<64x128xf32>
    %broadcast_in_dim3A = arith.constant 1.000000e+00 : f32
    %broadcast_in_dim3A_76 = vector.broadcast %broadcast_in_dim3A : f32 to vector<1000x128xf32>
    %dot_general3A_77 = arith.constant dense<0.000000e+00> : vector<64x128xf32>
    %dot_general3A_78 = tpu.matmul %convert_element_type3A_60, %broadcast_in_dim3A_76, %dot_general3A_77 {dimension_numbers = #tpu.dot_dimension_numbers<[0], [0], [1], [1], [0, 1, 1, 1], [], []>, transpose_lhs_hint = false} : vector<1000x64xf32>, vector<1000x128xf32>, vector<64x128xf32> -> vector<64x128xf32>
    %add3A_79 = arith.addf %get3A_75, %dot_general3A_78 : vector<64x128xf32>
    %swap3A_80 = arith.constant 0 : index
    %swap3A_81 = arith.constant 0 : index
    %swap3A_82 = vector.load %arg15[%swap3A_80, %swap3A_81] : memref<64x128xf32, #tpu.memory_space<vmem>>, vector<64x128xf32>
    tpu.vector_store %arg15[%swap3A_80, %swap3A_81], %add3A_79 {strides = array<i32>} : memref<64x128xf32, #tpu.memory_space<vmem>>, vector<64x128xf32>,
    %eq3A_83 = arith.constant 9 : i32
    %eq3A_84 = arith.cmpi eq, %arg0, %eq3A_83 : i32
    %convert_element_type3A_85 = arith.extui %eq3A_84 : i1 to i32
    %cond3A_86 = arith.constant 0 : i32
    %cond3A_87 = arith.cmpi ne, %convert_element_type3A_85, %cond3A_86 : i32
    scf.if %cond3A_87 {
      %get3A_88 = arith.constant 0 : index
      %get3A_89 = arith.constant 0 : index
      %get3A_90 = vector.load %arg15[%get3A_88, %get3A_89] : memref<64x128xf32, #tpu.memory_space<vmem>>, vector<64x1xf32>
      %max3A_91 = arith.constant 1.000000e+00 : f32
      %max3A_92 = vector.broadcast %max3A_91 : f32 to vector<64x1xf32>
      %max3A_93 = arith.maximumf %get3A_90, %max3A_92 : vector<64x1xf32>
      %get3A_94 = arith.constant 0 : index
      %get3A_95 = arith.constant 0 : index
      %get3A_96 = vector.load %arg14[%get3A_94, %get3A_95] : memref<64x256xf32, #tpu.memory_space<vmem>>, vector<64x256xf32>
      %div3A_97 = vector.broadcast %max3A_93 : vector<64x1xf32> to vector<64x256xf32>
      %div3A_98 = arith.divf %get3A_96, %div3A_97 : vector<64x256xf32>
      %get3A_99 = arith.constant 0 : index
      %get3A_100 = arith.constant 0 : index
      %get3A_101 = vector.load %arg11[%get3A_99, %get3A_100] : memref<256x128xf32, #tpu.memory_space<vmem>>, vector<256x128xf32>
      %dot_general3A_102 = arith.constant dense<0.000000e+00> : vector<64x128xf32>
      %dot_general3A_103 = tpu.matmul %div3A_98, %get3A_101, %dot_general3A_102 {dimension_numbers = #tpu.dot_dimension_numbers<[1], [0], [0], [1], [0, 0, 1, 1], [], []>, transpose_lhs_hint = false} : vector<64x256xf32>, vector<256x128xf32>, vector<64x128xf32> -> vector<64x128xf32>
      %get3A_104 = arith.constant 0 : index
      %get3A_105 = arith.constant 0 : index
      %get3A_106 = vector.load %arg12[%get3A_104, %get3A_105] : memref<1x128xf32, #tpu.memory_space<vmem>>, vector<1x128xf32>
      %add3A_107 = vector.broadcast %get3A_106 : vector<1x128xf32> to vector<64x128xf32>
      %add3A_108 = arith.addf %dot_general3A_103, %add3A_107 : vector<64x128xf32>
      %swap3A_109 = arith.constant 0 : index
      %swap3A_110 = arith.constant 0 : index
      %swap3A_111 = vector.load %arg13[%swap3A_109, %swap3A_110] : memref<64x128xf32, #tpu.memory_space<vmem>>, vector<64x128xf32>
      tpu.vector_store %arg13[%swap3A_109, %swap3A_110], %add3A_108 {strides = array<i32>} : memref<64x128xf32, #tpu.memory_space<vmem>>, vector<64x128xf32>,
    } else {
    }
    return
  }
  func.func @transform_0(%arg0: i32) -> (i32, i32) {
    %add3A = arith.constant 0 : i32
    %add3A_0 = arith.addi %arg0, %add3A : i32
    %c0_i32 = arith.constant 0 : i32
    %c0_i32_1 = arith.constant 0 : i32
    return %add3A_0, %c0_i32 : i32, i32
  }
  func.func @transform_1(%arg0: i32) -> (i32, i32) {
    %add3A = arith.constant 10 : i32
    %add3A_0 = arith.addi %arg0, %add3A : i32
    %c0_i32 = arith.constant 0 : i32
    %c0_i32_1 = arith.constant 0 : i32
    return %add3A_0, %c0_i32 : i32, i32
  }
  func.func @transform_2(%arg0: i32) -> (i32, i32, i32) {
    %c0_i32 = arith.constant 0 : i32
    %c0_i32_0 = arith.constant 0 : i32
    %c0_i32_1 = arith.constant 0 : i32
    return %c0_i32, %arg0, %c0_i32_0 : i32, i32, i32
  }
  func.func @transform_3(%arg0: i32) -> (i32, i32, i32) {
    %c1_i32 = arith.constant 1 : i32
    %c0_i32 = arith.constant 0 : i32
    %c0_i32_0 = arith.constant 0 : i32
    return %c1_i32, %arg0, %c0_i32 : i32, i32, i32
  }
  func.func @transform_4(%arg0: i32) -> (i32, i32) {
    %add3A = arith.constant 0 : i32
    %add3A_0 = arith.addi %arg0, %add3A : i32
    %c0_i32 = arith.constant 0 : i32
    %c0_i32_1 = arith.constant 0 : i32
    return %add3A_0, %c0_i32 : i32, i32
  }
  func.func @transform_5(%arg0: i32) -> (i32, i32) {
    %add3A = arith.constant 10 : i32
    %add3A_0 = arith.addi %arg0, %add3A : i32
    %c0_i32 = arith.constant 0 : i32
    %c0_i32_1 = arith.constant 0 : i32
    return %add3A_0, %c0_i32 : i32, i32
  }
  func.func @transform_6(%arg0: i32) -> (i32, i32) {
    %c0_i32 = arith.constant 0 : i32
    %c0_i32_0 = arith.constant 0 : i32
    %c0_i32_1 = arith.constant 0 : i32
    return %c0_i32, %c0_i32_0 : i32, i32
  }
  func.func @transform_7(%arg0: i32) -> (i32, i32) {
    %c0_i32 = arith.constant 0 : i32
    %c0_i32_0 = arith.constant 0 : i32
    %c0_i32_1 = arith.constant 0 : i32
    return %c0_i32, %c0_i32_0 : i32, i32
  }
  func.func @transform_8(%arg0: i32) -> (i32, i32) {
    %c0_i32 = arith.constant 0 : i32
    %c0_i32_0 = arith.constant 0 : i32
    %c0_i32_1 = arith.constant 0 : i32
    return %c0_i32, %c0_i32_0 : i32, i32
  }
  func.func @transform_9(%arg0: i32) -> (i32, i32) {
    %c0_i32 = arith.constant 0 : i32
    %c0_i32_0 = arith.constant 0 : i32
    return %arg0, %c0_i32 : i32, i32
  }
  func.func @transform_10(%arg0: i32) -> (i32, i32) {
    %c0_i32 = arith.constant 0 : i32
    %c0_i32_0 = arith.constant 0 : i32
    %c0_i32_1 = arith.constant 0 : i32
    return %c0_i32, %c0_i32_0 : i32, i32
  }
  func.func @transform_11(%arg0: i32) -> (i32, i32) {
    %c0_i32 = arith.constant 0 : i32
    %c0_i32_0 = arith.constant 0 : i32
    %c0_i32_1 = arith.constant 0 : i32
    return %c0_i32, %c0_i32_0 : i32, i32
  }
  func.func @transform_12(%arg0: i32) -> (i32, i32) {
    %c0_i32 = arith.constant 0 : i32
    %c0_i32_0 = arith.constant 0 : i32
    %c0_i32_1 = arith.constant 0 : i32
    return %c0_i32, %c0_i32_0 : i32, i32
  }
}

</mosaic_0001>

<sc_bundles>
// kernel: kernel.11.cloned.1.call-start
scs
__scs_entry_jumppad:
0x0: {  	(pc) =	sbr.rel $0x88, $3  }
0x1: {  	(tag) =	ssettag $0x0;
	lr =	simm.s32 $0x1  }
0x2: {  	[smem:$0x3F90] =	sst lr;
	_ =	strace $0xD0000000  }
0x3: {  	_ = 	snop  }
0x4: {  	_ = 	snop  }
0x5: {  	_ = 	snop  }
0x6: {  	_ = 	snop  }
0x7: {  	_ = 	snop  }
__scs_overlays_trampoline_lowered:
0x8: {  	[smem:$0x3F9F] =	sst s0  }
0x9: {  	[smem:$0x3FA0] =	sst s1  }
0xa: {  	[smem:$0x3FA1] =	sst s2  }
0xb: {  	[smem:$0x3FA2] =	sst s3  }
0xc: {  	[smem:$0x3FA3] =	sst s4  }
0xd: {  	[smem:$0x3FA4] =	sst s5  }
0xe: {  	[smem:$0x3FA5] =	sst s6  }
0xf: {  	[smem:$0x3FA6] =	sst s7  }
0x10: {  	[smem:$0x3FA7] =	sst s8  }
0x11: {  	[smem:$0x3FA8] =	sst s9;
	s0 =	simm.s32 @!p0 $0x0  }
0x12: {  	s1 =	sld [smem:$0x3F8E];
	s0 =	simm.s32 @p0 $0x1  }
0x13: {  	[smem:$0x3FA9] =	sst s0;
	s0 =	simm.s32 @!p1 $0x0  }
0x14: {  	s2 =	sld [smem:$0x3F8D];
	s0 =	simm.s32 @p1 $0x1  }
0x15: {  	[smem:$0x3FAA] =	sst s0;
	s0 =	simm.s32 @!p2 $0x0  }
0x16: {  	s3 =	sld [smem:$0x3FDB];
	s0 =	simm.s32 @p2 $0x1  }
0x17: {  	s4 =	simm.s32 $0x1BF5;
	[smem:$0x3FAC] =	sst s0  }
0x18: {  	s0 =	sld [smem:$0x3F8F];
	_ =	swait.ge [sflag:s4], $0x0  }
0x19: {  	s7 =	sld [smem:$0x3F90]  }
0x1a: {  	s8 =	sadd.s32 $0xFFFFE003, lr  }
0x1b: {  	s9 =	sadd.s32 $0xFFFFFEF7, lr;
	s5 =	simm.s32 $0xFFFFFFFF;
	p2 =	slt.u32 s8, $0xFFFFF086  }
0x1c: {  	p1 =	slt.u32 s9, $0xF7A;
	s5 =	simm.s32 @!p2 $0x0  }
0x1d: {  	s5 =	simm.s32 @p1 $0x1;
	p0 =	seq.s32 s7, s2  }
0x1e: {  	s7 =	smul.u32 @!p0 $0xF7A, s2;
	p2 =	seq.s32 @!p0 s5, $0x0  }
0x1f: {  	s9 =	smul.u32 $0xF7A, s1;
	s8 =	simm.s32 @!p0 $0x1BF5;
	p2 =	por !p2, p0  }
0x20: {  	[sflag:s8] =	ssyncset.s32 @!p0 $0xFFFFF086;
	s6 =	sadd.s32 @!p0 s3, s7;
	s7 =	simm.s32 @!p0 $0x108  }
0x21: {  	s3 =	sadd.s32 s3, s9;
	s6 =	sadd.s32 @!p0 $0x88, s6;
	s7 =	simm.s32 @p2 $0x1082  }
0x22: {  	[simem:s7], [sflag:s8] =	dma.local @!p0 [hbm:s6], $0xF7A  }
0x23: {  	s9 =	sor.u32 $0xD0000000, s2;
	s6 =	simm.s32 $0x108;
	_ =	swait.ge @!p0 [sflag:s8], $0x0  }
0x24: {  	s3 =	sadd.s32 $0x88, s3;
	s6 =	simm.s32 @!p1 $0x1082;
	[sflag:s4] =	ssyncset.s32 $0xFFFFF086  }
0x25: {  	[simem:s6], [sflag:s4] =	dma.local [hbm:s3], $0xF7A  }
0x26: {  	[smem:$0x3F90] =	sst s1;
	(tag) =	ssettag s2;
	_ =	strace s9  }
0x27: {  	s1 =	sld [smem:$0x3FA0]  }
0x28: {  	s2 =	sld [smem:$0x3FA1]  }
0x29: {  	s4 =	sld [smem:$0x3FA3]  }
0x2a: {  	p0 =	seq.s32 s5, $0x0;
	s5 =	sld [smem:$0x3FA4]  }
0x2b: {  	s6 =	sld [smem:$0x3FA5]  }
0x2c: {  	s7 =	sld [smem:$0x3FA6]  }
0x2d: {  	s3 =	simm.s32 $0x108;
	s8 =	sld [smem:$0x3FA7]  }
0x2e: {  	s3 =	simm.s32 @!p0 $0x1082;
	s9 =	sld [smem:$0x3FA8]  }
0x2f: {  	lr =	sadd.s32 s0, s3;
	s0 =	sld [smem:$0x3F9F]  }
0x30: {  	s3 =	sld [smem:$0x3FA2]  }
0x31: {  	[smem:$0x3FAB] =	sst s10  }
0x32: {  	s10 =	sld [smem:$0x3FA9];
	_ =	sdelay $0x3  }
0x33: {  	p0 =	seq.s32 s10, $0x1;
	s10 =	sld [smem:$0x3FAB];
	_ =	sdelay $0x3  }
0x34: {  	[smem:$0x3FAB] =	sst s10  }
0x35: {  	s10 =	sld [smem:$0x3FAA];
	_ =	sdelay $0x3  }
0x36: {  	p1 =	seq.s32 s10, $0x1;
	s10 =	sld [smem:$0x3FAB];
	_ =	sdelay $0x3  }
0x37: {  	[smem:$0x3FAB] =	sst s10  }
0x38: {  	s10 =	sld [smem:$0x3FAC]  }
0x39: {  	_ = 	snop;
	(pc) =	sbr.ind lr, $3  }
0x3a: {  	_ = 	snop  }
0x3b: {  	_ = 	snop  }
0x3c: {  	p2 =	seq.s32 s10, $0x1;
	s10 =	sld [smem:$0x3FAB]  }
0x3d: {  	_ =	shalt  }
0x3e: {  	_ =	shalt  }
0x3f: {  	_ =	shalt  }
0x40: {  	_ =	shalt  }
0x41: {  	_ =	shalt  }
0x42: {  	_ =	shalt  }
0x43: {  	_ =	shalt  }
0x44: {  	_ =	shalt  }
0x45: {  	_ =	shalt  }
0x46: {  	_ =	shalt  }
0x47: {  	_ =	shalt  }
0x48: {  	_ =	shalt  }
0x49: {  	_ =	shalt  }
0x4a: {  	_ =	shalt  }
0x4b: {  	_ =	shalt  }
0x4c: {  	_ =	shalt  }
0x4d: {  	_ =	shalt  }
0x4e: {  	_ =	shalt  }
0x4f: {  	_ =	shalt  }
0x50: {  	_ =	shalt  }
0x51: {  	_ =	shalt  }
0x52: {  	_ =	shalt  }
0x53: {  	_ =	shalt  }
0x54: {  	_ =	shalt  }
0x55: {  	_ =	shalt  }
0x56: {  	_ =	shalt  }
0x57: {  	_ =	shalt  }
0x58: {  	_ =	shalt  }
0x59: {  	_ =	shalt  }
0x5a: {  	_ =	shalt  }
0x5b: {  	_ =	shalt  }
0x5c: {  	_ =	shalt  }
0x5d: {  	_ =	shalt  }
0x5e: {  	_ =	shalt  }
0x5f: {  	_ =	shalt  }
0x60: {  	_ =	shalt  }
0x61: {  	_ =	shalt  }
0x62: {  	_ =	shalt  }
0x63: {  	_ =	shalt  }
0x64: {  	_ =	shalt  }
0x65: {  	_ =	shalt  }
0x66: {  	_ =	shalt  }
0x67: {  	_ =	shalt  }
0x68: {  	_ =	shalt  }
0x69: {  	_ =	shalt  }
0x6a: {  	_ =	shalt  }
0x6b: {  	_ =	shalt  }
0x6c: {  	_ =	shalt  }
0x6d: {  	_ =	shalt  }
0x6e: {  	_ =	shalt  }
0x6f: {  	_ =	shalt  }
0x70: {  	_ =	shalt  }
0x71: {  	_ =	shalt  }
0x72: {  	_ =	shalt  }
0x73: {  	_ =	shalt  }
0x74: {  	_ =	shalt  }
0x75: {  	_ =	shalt  }
0x76: {  	_ =	shalt  }
0x77: {  	_ =	shalt  }
0x78: {  	_ =	shalt  }
0x79: {  	_ =	shalt  }
0x7a: {  	_ =	shalt  }
0x7b: {  	_ =	shalt  }
0x7c: {  	_ =	shalt  }
0x7d: {  	_ =	shalt  }
0x7e: {  	_ =	shalt  }
0x7f: {  	_ =	shalt  }
0x80: {  	_ =	shalt  }
0x81: {  	_ =	shalt  }
0x82: {  	_ =	shalt  }
0x83: {  	_ =	shalt  }
0x84: {  	_ =	shalt  }
0x85: {  	_ =	shalt  }
0x86: {  	_ =	shalt  }
0x87: {  	_ =	shalt  }
.Lfunc_end0:
.L_simem_size_0:
called_computation_lowered:
.L_overlay_start_0:
0x88: {  	s2 =	sld [smem:$0x3FD9]  }
0x89: {  	s3 =	sld [smem:$0x3FFE];
	_ =	sdelay $0x1  }
0x8a: {  	s1 =	srdreg.scid  }
0x8b: {  	s0 =	sand.u32 $0x1, s1  }
0x8c: {  	s17 =	sshll.u32 s0, $0xA;
	s2 =	sadd.s32 s3, s2  }
0x8d: {  	s2 =	sadd.s32 s2, s17  }
0x8e: {  	[smem:$0x3FB7] =	sst s2  }
0x8f: {  	_ = 	snop  }
0x90: {  	(tm) =	ssettm $0x1  }
0x91: {  	s18 =	sld [smem:$0x3FFB];
	_ =	sdelay $0x3  }
0x92: {  	_ =	strace s18  }
0x93: {  	s2 =	sld [smem:$0x3FFC];
	_ =	sdelay $0x3  }
0x94: {  	_ =	strace s2  }
0x95: {  	s2 =	sld [smem:$0x3FFD];
	_ =	sdelay $0x3  }
0x96: {  	_ =	strace s2  }
0x97: {  	_ =	strace $0x8FFFFFFF  }
0x98: {  	s19 =	sld [smem:$0x3FDB];
	_ =	sdelay $0x1  }
0x99: {  	s20 =	simm.s32 $_scs_section_size  }
0x9a: {  	s4 =	simm.s32 $_size__tile_overlayer_lowered;
	s5 =	simm.s32 $_tile_overlayer_lowered  }
0x9b: {  	s6 =	simm.s32 $0x1BFF;
	s21 =	sshll.u32 s5, $0x1;
	s3 =	sadd.s32 s20, s19  }
0x9c: {  	s22 =	simm.s32 $0x0;
	s4 =	sshll.u32 s4, $0x1;
	s5 =	sadd.s32 s21, s3  }
0x9d: {  	[timem:s22], [sflag:s6] =	dma.local [hbm:s5], s4  }
0x9e: {  	_ =	swait.ge [sflag:s6], s4  }
0x9f: {  	s4 =	ssub.s32 $0x0, s4;
	[sflag:s6] =	ssyncset.done $0x0  }
0xa0: {  	[sflag:s6] =	ssyncadd.s32 s4;
	_ =	sdelay $0x1  }
0xa1: {  	s23 =	simm.s32 $0x1B8B  }
0xa2: {  	_ =	swait.ge [sflag:s23], $0x1  }
0xa3: {  	[sflag:s23] =	ssyncset.done $0x0  }
0xa4: {  	[sflag:s23] =	ssyncadd.s32 $0xFFFFFFFF  }
0xa5: {  	s4 =	sld [smem:$0x0]  }
0xa6: {  	s5 =	sand.u32 $0xFFFFFFFE, s1  }
0xa7: {  	p0 =	sne.s32 s1, s5  }
0xa8: {  	s5 =	sshll.u32 @p0 s5, $0xE  }
0xa9: {  	s5 =	sadd.s32 @p0 $0x11B8D, s5;
	s6 =	sshll.u32 @p0 s4, $0x11  }
0xaa: {  	s5 =	sor.u32 @p0 s6, s5  }
0xab: {  	[sflag:s5] =	ssyncadd.remote.s32 @p0 $0x1;
	_ =	sdelay $0x1  }
0xac: {  	s5 =	simm.s32 @p0 $0x1B8D  }
0xad: {  	_ =	swait.eq @p0 [sflag:s5], $0x1  }
0xae: {  	[sflag:s5] =	ssyncadd.s32 @p0 $0xFFFFFFFF  }
0xaf: {  	s6 =	sshll.u32 @!p0 s1, $0xE  }
0xb0: {  	s6 =	sor.u32 @!p0 $0x4000, s6;
	s5 =	simm.s32 @!p0 $0x1B8D  }
0xb1: {  	s4 =	sshll.u32 @!p0 s4, $0x11;
	s6 =	sadd.s32 @!p0 $0x11B8D, s6;
	_ =	swait.eq @!p0 [sflag:s5], $0x1  }
0xb2: {  	s4 =	sor.u32 @!p0 s4, s6;
	[sflag:s5] =	ssyncadd.s32 @!p0 $0xFFFFFFFF  }
0xb3: {  	s25 =	simm.s32 $0x1B8E;
	s24 =	sld [smem:$0x3FFE];
	[sflag:s4] =	ssyncadd.remote.s32 @!p0 $0x1  }
0xb4: {  	s26 =	simm.s32 $execute0_lowered;
	[smem:$0x3FD2] =	sst s25  }
0xb5: {  	s5 =	sshll.u32 s26, $0x1;
	_ =	strace $0x80000049;
	[dreg:$0x1] =	wrdreg $0xFFFFFFFF  }
0xb6: {  	s28 =	simm.s32 $_size_execute0_lowered;
	s3 =	sadd.s32 s3, s5;
	[dreg:$0x0] =	wrdreg $0x0  }
0xb7: {  	s5 =	sshll.u32 s28, $0x1;
	[dreg:$0x2] =	wrdreg s3  }
0xb8: {  	[dreg:$0x3] =	wrdreg s5  }
0xb9: {  	[dreg:$0x4] =	wrdreg $0xC0  }
0xba: {  	_ =	task [dreg:s22], $0x5FFFF  }
0xbb: {  	[dreg:$0x1] =	wrdreg $0xFFFFFFFF  }
0xbc: {  	[dreg:$0x0] =	wrdreg $0x60  }
0xbd: {  	[dreg:$0x2] =	wrdreg s24  }
0xbe: {  	[dreg:$0x3] =	wrdreg $0x68000  }
0xbf: {  	[dreg:$0x4] =	wrdreg $0x9  }
0xc0: {  	_ =	task.clear_ibuf [dreg:s22], $0x5FFFF;
	_ =	strace $0x90000049  }
0xc1: {  	s29 =	simm.s32 $0x9;
	_ =	strace $0x8000004B  }
0xc2: {  	_ =	swait.ge [sflag:s29], $0x1  }
0xc3: {  	[sflag:s29] =	ssyncadd.s32 $0xFFFFFFFF  }
0xc4: {  	_ =	strace $0x9000004B  }
0xc5: {  	_ =	sfence  }
0xc6: {  	s30 =	sld [smem:$0x0];
	_ =	sdelay $0x2  }
0xc7: {  	s31 =	sshll.u32 s1, $0xD;
	s1 =	sshrl.u32 s1, $0x2  }
0xc8: {  	s4 =	sand.u32 $0x4000, s31;
	s1 =	sadd.s32 s1, s30  }
0xc9: {  	s0 =	sor.u32 s4, s0;
	s1 =	sshll.u32 s1, $0x11  }
0xca: {  	s0 =	sor.u32 s1, s0  }
0xcb: {  	s0 =	sadd.s32 $0x8F2B, s0  }
0xcc: {  	[sflag:s0] =	ssyncadd.remote.s32 $0x1  }
0xcd: {  	_ =	sfence.sel $0xFFFF  }
0xce: {  	[dreg:$0x0] =	wrdreg $0xFFFFFFFF;
	(pc) =	sbr.abs _section_cstart, $3  }
0xcf: {  	[dreg:$0x1] =	wrdreg $0xFFFFFFFF  }
0xd0: {  	_ =	task.clear_ibuf [dreg:s22], $0x2FFFF;
	_ =	strace $0x9FFFFFFF  }
0xd1: {  	(tm) =	ssettm $0x7FFFFFFF  }
tec
execute0_lowered:
.L_overlay_start_1:
0x0: {  	(tag) =	ssettag $0x1  }
0x1: {  	s5 =	rddreg [dreg:$0x0]  }
0x2: {  	s1 =	rddreg [dreg:$0x1]  }
0x3: {  	s0 =	rddreg [dreg:$0x2]  }
0x4: {  	s2 =	simm.s32 $0x0;
	s11 =	stileid.u32;
	s4 =	srdreg.scid  }
0x5: {  	s15 =	simm.s32 $0x50;
	[smem:$0x7FF] =	sst s2;
	s3 =	sshll.u32 s11, $0xB  }
0x6: {  	s16 =	sand.u32 $0x1, s4;
	s4 =	sadd.s32 $0x63800, s5;
	s8 =	smul.u32 $0x4E000, s11  }
0x7: {  	s9 =	sadd.s32 $0xB4800, s5;
	s10 =	smul.u32 $0x2700, s11;
	s29 =	sshll.u32 s11, $0x6  }
0x8: {  	s14 =	sadd.s32 $0x138000, s1;
	p0 =	sne.s32 s11, $0x0;
	_ =	strace $0x8000004A  }
0x9: {  	s6 =	sadd.s32 s3, s5;
	s3 =	sadd.s32 $0xB4200, s5;
	s28 =	smul.u32 $0x138800, s16  }
0xa: {  	s7 =	ssub.s32 $0x2, s16;
	s30 =	smul.u32 $0x27100, s16;
	s5 =	sor.u32 $0x1C01, s29  }
0xb: {  	p1 =	sne.s32 s16, $0x0;
	s25 =	sshrl.u32 s7, $0x1;
	s26 =	sshrl.u32 s8, $0x2  }
0xc: {  	s6 =	sadd.s32 $0xD600, s6;
	s12 =	ssub.s32 s7, s25;
	s7 =	sshrl.u32 s28, $0x3  }
0xd: {  	s13 =	sadd.s32 s26, s1;
	s8 =	sadd.s32 s10, s30;
	s31 =	sadd.s32 s9, s7  }
0xe: {  	s7 =	sshll.u32 s16, $0x7;
	s8 =	sadd.s32 s9, s8;
	s10 =	smax.u32 s12, $0x1  }
0xf: {  	s11 =	sshrl.u32 s13, $0x3;
	s12 =	simm.s32 $0x1;
	s13 =	sshrl.u32 @!p0 s14, $0x3  }
0x10: {  	s14 =	simm.s32 $0x4000;
	s16 =	simm.s32 $0x0;
	s9 =	sadd.s32 $0x27000, s31  }
.LBB2_1:
0x11: {  	[spmem:s11], [sflag:s5] =	dma.local [hbm:s4], $0x2700  }
0x12: {  	_ =	swait.ge [sflag:s12], $0x2700  }
0x13: {  	[sflag:s12] =	ssyncset.done $0x0  }
0x14: {  	s17 =	simm.s32 @!p0 $0x1;
	[sflag:s12] =	ssyncadd.s32 $0xFFFFD900  }
0x15: {  	[spmem:s13], [sflag:s5] =	dma.local @!p0 [hbm:s4], $0x100  }
0x16: {  	_ =	swait.ge @!p0 [sflag:s17], $0x100  }
0x17: {  	[sflag:s17] =	ssyncset.done @!p0 $0x0  }
0x18: {  	[sflag:s17] =	ssyncadd.s32 @!p0 $0xFFFFFF00  }
0x19: {  	[tilespmem:s2], [sflag:$0x1] =	stream.linear.gather [hbm4b:s6+s2], $0x3E80, $0x38;
	[tilespmem:$0x1A080] =	vst v63  }
0x1a: {  	_ =	swait.ge [sflag:s12], $0x3E80  }
0x1b: {  	[sflag:s12] =	ssyncset.done $0x0  }
0x1c: {  	[sflag:s12] =	ssyncadd.s32 $0xFFFFC180  }
0x1d: {  	[tilespmem:s14], [sflag:$0x1] =	stream.linear.gather [hbm4b:s3+s2], $0x2800, $0x38;
	[tilespmem:$0x1A080] =	vst v63  }
0x1e: {  	_ =	swait.ge [sflag:s12], $0x2800  }
0x1f: {  	[sflag:s12] =	ssyncset.done $0x0  }
0x20: {  	[sflag:s12] =	ssyncadd.s32 $0xFFFFD800  }
0x21: {  	s31 =	sadd.s32 $0x0, s7;
	[bflag:$0x0] =	sbarrier.arrive $0xFFFF  }
0x22: {  	[spmem:s1] =	stream.indirect.scatter.add.f32 [tilespmem:s14], [sflag:$0x1], $0x80, s31, s15, $0xb8;
	[tilespmem:$0x1A080] =	vst v63  }
0x23: {  	s17 =	simm.s32 $0x400;
	_ =	swait.ge [sflag:s12], $0x2800  }
.LBB2_2:
0x24: {  	s18 =	sshra.s32 s17, $0x2;
	[sflag:s12] =	ssyncset.done $0x0;
	p2 =	sne.s32 s17, $0xF400  }
.Ltmp0:
0x25: {  	s18 =	sadd.s32 s18, s7;
	[sflag:s12] =	ssyncadd.s32 $0xFFFFD800;
	(pc) =	sbr.rel @p2 .LBB2_2-.Ltmp0, $3  }
0x26: {  	[spmem:s1] =	stream.indirect.scatter.add.f32 [tilespmem:s14], [sflag:$0x1], $0x80, s18, s15, $0xb8;
	[tilespmem:$0x1A080] =	vst v63  }
0x27: {  	s17 =	sadd.s32 $0x400, s17;
	_ =	sdelay $0x1  }
0x28: {  	_ =	swait.ge [sflag:s12], $0x2800  }
0x29: {  	[sflag:s12] =	ssyncset.done $0x0;
	s17 =	simm.s32 @!p1 $0x50  }
0x2a: {  	s18 =	simm.s32 @!p1 $0x3E00;
	s19 =	simm.s32 @!p1 $0x4000;
	[sflag:s12] =	ssyncadd.s32 $0xFFFFD800  }
0x2b: {  	[spmem:s1] =	stream.indirect.scatter.add.f32 @!p1 [tilespmem:s19], [sflag:$0x1], $0x80, s18, s17, $0xb8;
	[tilespmem:$0x1A080] =	vst v63  }
0x2c: {  	s17 =	simm.s32 @!p1 $0x1  }
0x2d: {  	_ =	swait.ge @!p1 [sflag:s17], $0x2800  }
0x2e: {  	[sflag:s17] =	ssyncset.done @!p1 $0x0  }
0x2f: {  	[sflag:s17] =	ssyncadd.s32 @!p1 $0xFFFFD800  }
0x30: {  	[bflag:$0x0] =	sbarrier.arrive $0xFFFF  }
0x31: {  	[hbm:s8], [sflag:s5] =	dma.local [spmem:s11], $0x2700  }
0x32: {  	s16 =	sadd.s32 $0x1, s16;
	_ =	swait.ge [sflag:s12], $0x2700  }
0x33: {  	p2 =	sne.s32 s16, s10;
	[sflag:s12] =	ssyncset.done $0x0  }
.Ltmp1:
0x34: {  	s17 =	simm.s32 @!p0 $0x1;
	[sflag:s12] =	ssyncadd.s32 $0xFFFFD900;
	(pc) =	sbr.rel @p2 .LBB2_1-.Ltmp1, $4  }
0x35: {  	[hbm:s9], [sflag:s5] =	dma.local @!p0 [spmem:s13], $0x100  }
0x36: {  	_ =	swait.ge @!p0 [sflag:s17], $0x100  }
0x37: {  	[sflag:s17] =	ssyncset.done @!p0 $0x0  }
0x38: {  	[sflag:s17] =	ssyncadd.s32 @!p0 $0xFFFFFF00  }
0x39: {  	_ =	sfence.sel $0x180000  }
0x3a: {  	[bflag:$0x0] =	sbarrier.arrive $0xFFFF  }
0x3b: {  	_ =	strace $0x9000004A  }
0x3c: {  	s0 =	sadd.s32 @!p0 $0x100000, s0;
	[bflag:$0x2] =	sbarrier.arrive $0xFFFF  }
0x3d: {  	[sflag:s0] =	ssyncadd.tile.s32 @!p0 $0x1;
	_ =	shalt  }
.Lfunc_end2:
_tile_overlayer_lowered:
.L_overlay_start_2:
0x3e: {  	(tag) =	ssettag $0x2  }
0x3f: {  	s0 =	rddreg [dreg:$0x0];
	s2 =	stileid.u32  }
0x40: {  	s1 =	rddreg [dreg:$0x1];
	p0 =	sne.s32 s2, $0x0  }
0x41: {  	s3 =	rddreg [dreg:$0x2];
	[bflag:$0x3] =	sbarrier.arrive $0xFFFF;
	s2 =	simm.s32 @!p0 $0x1C01  }
0x42: {  	[timem:s3], [sflag:s2] =	dma.local @!p0 [hbm:s0], s1  }
0x43: {  	s0 =	simm.s32 @!p0 $0x1  }
0x44: {  	_ =	swait.ge @!p0 [sflag:s0], s1  }
0x45: {  	s1 =	ssub.s32 @!p0 $0x0, s1;
	[sflag:s0] =	ssyncset.done @!p0 $0x0  }
0x46: {  	[sflag:s0] =	ssyncadd.s32 @!p0 s1  }
0x47: {  	[bflag:$0x3] =	sbarrier.arrive $0xFFFF  }
0x48: {  	_ =	shalt  }

// kernel: kernel.14.cloned.1.call-start
scs
__scs_entry_jumppad:
0x0: {  	(pc) =	sbr.rel $0x88, $3  }
0x1: {  	(tag) =	ssettag $0x0;
	lr =	simm.s32 $0x1  }
0x2: {  	[smem:$0x3F90] =	sst lr;
	_ =	strace $0xD0000000  }
0x3: {  	_ = 	snop  }
0x4: {  	_ = 	snop  }
0x5: {  	_ = 	snop  }
0x6: {  	_ = 	snop  }
0x7: {  	_ = 	snop  }
__scs_overlays_trampoline_lowered:
0x8: {  	[smem:$0x3F9F] =	sst s0  }
0x9: {  	[smem:$0x3FA0] =	sst s1  }
0xa: {  	[smem:$0x3FA1] =	sst s2  }
0xb: {  	[smem:$0x3FA2] =	sst s3  }
0xc: {  	[smem:$0x3FA3] =	sst s4  }
0xd: {  	[smem:$0x3FA4] =	sst s5  }
0xe: {  	[smem:$0x3FA5] =	sst s6  }
0xf: {  	[smem:$0x3FA6] =	sst s7  }
0x10: {  	[smem:$0x3FA7] =	sst s8  }
0x11: {  	[smem:$0x3FA8] =	sst s9;
	s0 =	simm.s32 @!p0 $0x0  }
0x12: {  	s1 =	sld [smem:$0x3F8E];
	s0 =	simm.s32 @p0 $0x1  }
0x13: {  	[smem:$0x3FA9] =	sst s0;
	s0 =	simm.s32 @!p1 $0x0  }
0x14: {  	s2 =	sld [smem:$0x3F8D];
	s0 =	simm.s32 @p1 $0x1  }
0x15: {  	[smem:$0x3FAA] =	sst s0;
	s0 =	simm.s32 @!p2 $0x0  }
0x16: {  	s3 =	sld [smem:$0x3FDB];
	s0 =	simm.s32 @p2 $0x1  }
0x17: {  	s4 =	simm.s32 $0x1BF5;
	[smem:$0x3FAC] =	sst s0  }
0x18: {  	s0 =	sld [smem:$0x3F8F];
	_ =	swait.ge [sflag:s4], $0x0  }
0x19: {  	s7 =	sld [smem:$0x3F90]  }
0x1a: {  	s8 =	sadd.s32 $0xFFFFE003, lr  }
0x1b: {  	s9 =	sadd.s32 $0xFFFFFEF7, lr;
	s5 =	simm.s32 $0xFFFFFFFF;
	p2 =	slt.u32 s8, $0xFFFFF086  }
0x1c: {  	p1 =	slt.u32 s9, $0xF7A;
	s5 =	simm.s32 @!p2 $0x0  }
0x1d: {  	s5 =	simm.s32 @p1 $0x1;
	p0 =	seq.s32 s7, s2  }
0x1e: {  	s7 =	smul.u32 @!p0 $0xF7A, s2;
	p2 =	seq.s32 @!p0 s5, $0x0  }
0x1f: {  	s9 =	smul.u32 $0xF7A, s1;
	s8 =	simm.s32 @!p0 $0x1BF5;
	p2 =	por !p2, p0  }
0x20: {  	[sflag:s8] =	ssyncset.s32 @!p0 $0xFFFFF086;
	s6 =	sadd.s32 @!p0 s3, s7;
	s7 =	simm.s32 @!p0 $0x108  }
0x21: {  	s3 =	sadd.s32 s3, s9;
	s6 =	sadd.s32 @!p0 $0x88, s6;
	s7 =	simm.s32 @p2 $0x1082  }
0x22: {  	[simem:s7], [sflag:s8] =	dma.local @!p0 [hbm:s6], $0xF7A  }
0x23: {  	s9 =	sor.u32 $0xD0000000, s2;
	s6 =	simm.s32 $0x108;
	_ =	swait.ge @!p0 [sflag:s8], $0x0  }
0x24: {  	s3 =	sadd.s32 $0x88, s3;
	s6 =	simm.s32 @!p1 $0x1082;
	[sflag:s4] =	ssyncset.s32 $0xFFFFF086  }
0x25: {  	[simem:s6], [sflag:s4] =	dma.local [hbm:s3], $0xF7A  }
0x26: {  	[smem:$0x3F90] =	sst s1;
	(tag) =	ssettag s2;
	_ =	strace s9  }
0x27: {  	s1 =	sld [smem:$0x3FA0]  }
0x28: {  	s2 =	sld [smem:$0x3FA1]  }
0x29: {  	s4 =	sld [smem:$0x3FA3]  }
0x2a: {  	p0 =	seq.s32 s5, $0x0;
	s5 =	sld [smem:$0x3FA4]  }
0x2b: {  	s6 =	sld [smem:$0x3FA5]  }
0x2c: {  	s7 =	sld [smem:$0x3FA6]  }
0x2d: {  	s3 =	simm.s32 $0x108;
	s8 =	sld [smem:$0x3FA7]  }
0x2e: {  	s3 =	simm.s32 @!p0 $0x1082;
	s9 =	sld [smem:$0x3FA8]  }
0x2f: {  	lr =	sadd.s32 s0, s3;
	s0 =	sld [smem:$0x3F9F]  }
0x30: {  	s3 =	sld [smem:$0x3FA2]  }
0x31: {  	[smem:$0x3FAB] =	sst s10  }
0x32: {  	s10 =	sld [smem:$0x3FA9];
	_ =	sdelay $0x3  }
0x33: {  	p0 =	seq.s32 s10, $0x1;
	s10 =	sld [smem:$0x3FAB];
	_ =	sdelay $0x3  }
0x34: {  	[smem:$0x3FAB] =	sst s10  }
0x35: {  	s10 =	sld [smem:$0x3FAA];
	_ =	sdelay $0x3  }
0x36: {  	p1 =	seq.s32 s10, $0x1;
	s10 =	sld [smem:$0x3FAB];
	_ =	sdelay $0x3  }
0x37: {  	[smem:$0x3FAB] =	sst s10  }
0x38: {  	s10 =	sld [smem:$0x3FAC]  }
0x39: {  	_ = 	snop;
	(pc) =	sbr.ind lr, $3  }
0x3a: {  	_ = 	snop  }
0x3b: {  	_ = 	snop  }
0x3c: {  	p2 =	seq.s32 s10, $0x1;
	s10 =	sld [smem:$0x3FAB]  }
0x3d: {  	_ =	shalt  }
0x3e: {  	_ =	shalt  }
0x3f: {  	_ =	shalt  }
0x40: {  	_ =	shalt  }
0x41: {  	_ =	shalt  }
0x42: {  	_ =	shalt  }
0x43: {  	_ =	shalt  }
0x44: {  	_ =	shalt  }
0x45: {  	_ =	shalt  }
0x46: {  	_ =	shalt  }
0x47: {  	_ =	shalt  }
0x48: {  	_ =	shalt  }
0x49: {  	_ =	shalt  }
0x4a: {  	_ =	shalt  }
0x4b: {  	_ =	shalt  }
0x4c: {  	_ =	shalt  }
0x4d: {  	_ =	shalt  }
0x4e: {  	_ =	shalt  }
0x4f: {  	_ =	shalt  }
0x50: {  	_ =	shalt  }
0x51: {  	_ =	shalt  }
0x52: {  	_ =	shalt  }
0x53: {  	_ =	shalt  }
0x54: {  	_ =	shalt  }
0x55: {  	_ =	shalt  }
0x56: {  	_ =	shalt  }
0x57: {  	_ =	shalt  }
0x58: {  	_ =	shalt  }
0x59: {  	_ =	shalt  }
0x5a: {  	_ =	shalt  }
0x5b: {  	_ =	shalt  }
0x5c: {  	_ =	shalt  }
0x5d: {  	_ =	shalt  }
0x5e: {  	_ =	shalt  }
0x5f: {  	_ =	shalt  }
0x60: {  	_ =	shalt  }
0x61: {  	_ =	shalt  }
0x62: {  	_ =	shalt  }
0x63: {  	_ =	shalt  }
0x64: {  	_ =	shalt  }
0x65: {  	_ =	shalt  }
0x66: {  	_ =	shalt  }
0x67: {  	_ =	shalt  }
0x68: {  	_ =	shalt  }
0x69: {  	_ =	shalt  }
0x6a: {  	_ =	shalt  }
0x6b: {  	_ =	shalt  }
0x6c: {  	_ =	shalt  }
0x6d: {  	_ =	shalt  }
0x6e: {  	_ =	shalt  }
0x6f: {  	_ =	shalt  }
0x70: {  	_ =	shalt  }
0x71: {  	_ =	shalt  }
0x72: {  	_ =	shalt  }
0x73: {  	_ =	shalt  }
0x74: {  	_ =	shalt  }
0x75: {  	_ =	shalt  }
0x76: {  	_ =	shalt  }
0x77: {  	_ =	shalt  }
0x78: {  	_ =	shalt  }
0x79: {  	_ =	shalt  }
0x7a: {  	_ =	shalt  }
0x7b: {  	_ =	shalt  }
0x7c: {  	_ =	shalt  }
0x7d: {  	_ =	shalt  }
0x7e: {  	_ =	shalt  }
0x7f: {  	_ =	shalt  }
0x80: {  	_ =	shalt  }
0x81: {  	_ =	shalt  }
0x82: {  	_ =	shalt  }
0x83: {  	_ =	shalt  }
0x84: {  	_ =	shalt  }
0x85: {  	_ =	shalt  }
0x86: {  	_ =	shalt  }
0x87: {  	_ =	shalt  }
.Lfunc_end0:
.L_simem_size_0:
called_computation.1_lowered:
.L_overlay_start_0:
0x88: {  	s2 =	sld [smem:$0x3FD9]  }
0x89: {  	s3 =	sld [smem:$0x3FFE];
	_ =	sdelay $0x1  }
0x8a: {  	s1 =	srdreg.scid  }
0x8b: {  	s0 =	sand.u32 $0x1, s1  }
0x8c: {  	s16 =	sshll.u32 s0, $0xA;
	s2 =	sadd.s32 s3, s2  }
0x8d: {  	s2 =	sadd.s32 s2, s16  }
0x8e: {  	[smem:$0x3FB7] =	sst s2  }
0x8f: {  	_ = 	snop  }
0x90: {  	(tm) =	ssettm $0x1  }
0x91: {  	s17 =	sld [smem:$0x3FFB];
	_ =	sdelay $0x3  }
0x92: {  	_ =	strace s17  }
0x93: {  	s2 =	sld [smem:$0x3FFC];
	_ =	sdelay $0x3  }
0x94: {  	_ =	strace s2  }
0x95: {  	s2 =	sld [smem:$0x3FFD];
	_ =	sdelay $0x3  }
0x96: {  	_ =	strace s2  }
0x97: {  	_ =	strace $0x8FFFFFFF  }
0x98: {  	s18 =	sld [smem:$0x3FDB];
	_ =	sdelay $0x1  }
0x99: {  	s19 =	simm.s32 $_scs_section_size  }
0x9a: {  	s4 =	simm.s32 $_size__tile_overlayer_lowered;
	s5 =	simm.s32 $_tile_overlayer_lowered  }
0x9b: {  	s22 =	simm.s32 $0x1BFF;
	s21 =	sshll.u32 s5, $0x1;
	s2 =	sadd.s32 s19, s18  }
0x9c: {  	s6 =	simm.s32 $0x0;
	s20 =	sshll.u32 s4, $0x1;
	s4 =	sadd.s32 s21, s2  }
0x9d: {  	[timem:s6], [sflag:s22] =	dma.local [hbm:s4], s20  }
0x9e: {  	_ =	swait.ge [sflag:s22], s20  }
0x9f: {  	s3 =	ssub.s32 $0x0, s20;
	[sflag:s22] =	ssyncset.done $0x0  }
0xa0: {  	[sflag:s22] =	ssyncadd.s32 s3;
	_ =	sdelay $0x1  }
0xa1: {  	s23 =	simm.s32 $0x1B8B  }
0xa2: {  	_ =	swait.ge [sflag:s23], $0x1  }
0xa3: {  	[sflag:s23] =	ssyncset.done $0x0  }
0xa4: {  	s25 =	simm.s32 $0x1B8E;
	s24 =	sld [smem:$0x3FFE];
	[sflag:s23] =	ssyncadd.s32 $0xFFFFFFFF  }
0xa5: {  	s26 =	simm.s32 $execute0_lowered;
	[smem:$0x3FD2] =	sst s25  }
0xa6: {  	s4 =	sshll.u32 s26, $0x1;
	_ =	strace $0x80000046;
	[dreg:$0x1] =	wrdreg $0xFFFFFFFF  }
0xa7: {  	s28 =	simm.s32 $_size_execute0_lowered;
	s2 =	sadd.s32 s2, s4;
	[dreg:$0x0] =	wrdreg $0x0  }
0xa8: {  	s4 =	sshll.u32 s28, $0x1;
	[dreg:$0x2] =	wrdreg s2  }
0xa9: {  	[dreg:$0x3] =	wrdreg s4  }
0xaa: {  	[dreg:$0x4] =	wrdreg $0xC0  }
0xab: {  	_ =	task [dreg:s6], $0x5FFFF  }
0xac: {  	[dreg:$0x1] =	wrdreg $0xFFFFFFFF  }
0xad: {  	[dreg:$0x0] =	wrdreg $0x60  }
0xae: {  	[dreg:$0x2] =	wrdreg s24  }
0xaf: {  	[dreg:$0x3] =	wrdreg $0xB7800  }
0xb0: {  	[dreg:$0x4] =	wrdreg $0xA  }
0xb1: {  	_ =	task.clear_ibuf [dreg:s6], $0x5FFFF;
	_ =	strace $0x90000046  }
0xb2: {  	s29 =	simm.s32 $0xA;
	_ =	strace $0x80000048  }
0xb3: {  	_ =	swait.ge [sflag:s29], $0x1  }
0xb4: {  	[sflag:s29] =	ssyncadd.s32 $0xFFFFFFFF  }
0xb5: {  	_ =	strace $0x90000048  }
0xb6: {  	_ =	sfence  }
0xb7: {  	s30 =	sld [smem:$0x0];
	_ =	sdelay $0x2  }
0xb8: {  	s31 =	sshll.u32 s1, $0xD;
	s1 =	sshrl.u32 s1, $0x2  }
0xb9: {  	s3 =	sand.u32 $0x4000, s31;
	s1 =	sadd.s32 s1, s30  }
0xba: {  	s0 =	sor.u32 s3, s0;
	s1 =	sshll.u32 s1, $0x11  }
0xbb: {  	s0 =	sor.u32 s1, s0  }
0xbc: {  	s0 =	sadd.s32 $0x8F2B, s0  }
0xbd: {  	[sflag:s0] =	ssyncadd.remote.s32 $0x1  }
0xbe: {  	_ =	sfence.sel $0xFFFF  }
0xbf: {  	[dreg:$0x0] =	wrdreg $0xFFFFFFFF;
	(pc) =	sbr.abs _section_cstart, $3  }
0xc0: {  	[dreg:$0x1] =	wrdreg $0xFFFFFFFF  }
0xc1: {  	_ =	task.clear_ibuf [dreg:s6], $0x2FFFF;
	_ =	strace $0x9FFFFFFF  }
0xc2: {  	(tm) =	ssettm $0x7FFFFFFF  }
0xc3: {  	_ =	shalt  }
tec
execute0_lowered:
.L_overlay_start_1:
0x0: {  	(tag) =	ssettag $0x1  }
0x1: {  	s0 =	srdreg.scid;
	s6 =	rddreg [dreg:$0x0]  }
0x2: {  	s11 =	stileid.u32;
	s1 =	rddreg [dreg:$0x1];
	s2 =	simm.s32 $0x0  }
0x3: {  	s17 =	simm.s32 $0x50;
	s18 =	simm.s32 $0x6780;
	s19 =	simm.s32 $0x8F80  }
0x4: {  	s20 =	simm.s32 $0x1;
	s21 =	simm.s32 $0x2;
	s22 =	simm.s32 $0x6480  }
0x5: {  	s23 =	simm.s32 $0x26C0;
	s24 =	simm.s32 $0x6500;
	s5 =	sand.u32 $0x1, s0  }
0x6: {  	s4 =	sshll.u32 s11, $0x7;
	[smem:$0x7FF] =	sst s2;
	s10 =	smul.u32 $0x4E000, s11  }
0x7: {  	s7 =	sshll.u32 s11, $0xB;
	s12 =	sadd.s32 $0x66000, s6;
	s13 =	smul.u32 $0x2700, s11  }
0x8: {  	s29 =	sshll.u32 s11, $0x6;
	s16 =	sadd.s32 $0x138000, s1;
	p0 =	sne.s32 s11, $0x0  }
0x9: {  	s0 =	sshll.u32 s5, $0x4;
	s4 =	sand.u32 $0x380, s4;
	_ =	strace $0x80000047  }
0xa: {  	s7 =	sadd.s32 s7, s6;
	s9 =	ssub.s32 $0x2, s5;
	s28 =	smul.u32 $0x138800, s5  }
0xb: {  	s30 =	smul.u32 $0x27100, s5;
	s5 =	sor.u32 $0x1C03, s29;
	s0 =	sor.u32 s11, s0  }
0xc: {  	s25 =	sshrl.u32 s9, $0x1;
	s26 =	sshrl.u32 s10, $0x2;
	s7 =	sadd.s32 $0xD600, s7  }
0xd: {  	s0 =	sshrl.u32 s0, $0x3;
	s14 =	ssub.s32 s9, s25;
	s15 =	sadd.s32 s26, s1  }
0xe: {  	s9 =	sshrl.u32 s28, $0x3;
	s31 =	sadd.s32 s13, s30;
	s13 =	sshrl.u32 @!p0 s16, $0x3  }
0xf: {  	s16 =	simm.s32 $0x2780;
	s25 =	simm.s32 $0x6580;
	s3 =	smul.u32 $0x13C00, s0  }
0x10: {  	s26 =	simm.s32 $0x0;
	s9 =	sadd.s32 s12, s9;
	s10 =	smax.u32 s14, $0x1  }
0x11: {  	s11 =	sshrl.u32 s15, $0x3;
	s14 =	simm.s32 $0x80;
	s3 =	sor.u32 s4, s3  }
0x12: {  	s15 =	simm.s32 $0x400;
	s9 =	sadd.s32 $0x27000, s9;
	s4 =	sshrl.u32 s3, $0x3  }
0x13: {  	s3 =	sadd.s32 $0x15600, s6;
	s8 =	sadd.s32 s4, s6;
	s4 =	sadd.s32 $0x63800, s6  }
0x14: {  	s6 =	sadd.s32 $0x3800, s8;
	s8 =	sadd.s32 s12, s31;
	s12 =	simm.s32 $0x3  }
.LBB2_1:
0x15: {  	[spmem:s11], [sflag:s5] =	dma.local [hbm:s4], $0x2700  }
0x16: {  	_ =	swait.ge [sflag:s12], $0x2700  }
0x17: {  	[sflag:s12] =	ssyncset.done $0x0  }
0x18: {  	s28 =	simm.s32 @!p0 $0x3;
	[sflag:s12] =	ssyncadd.s32 $0xFFFFD900  }
0x19: {  	[spmem:s13], [sflag:s5] =	dma.local @!p0 [hbm:s4], $0x100  }
0x1a: {  	_ =	swait.ge @!p0 [sflag:s28], $0x100  }
0x1b: {  	[sflag:s28] =	ssyncset.done @!p0 $0x0  }
0x1c: {  	[sflag:s28] =	ssyncadd.s32 @!p0 $0xFFFFFF00  }
0x1d: {  	[tilespmem:s2], [sflag:$0x3] =	stream.strided.gather [hbm4b:s6+s14], $0x2780, s15, s14, $0x38;
	[tilespmem:$0x1F000] =	vst v63  }
0x1e: {  	_ =	swait.ge [sflag:s12], $0x2780  }
0x1f: {  	[sflag:s12] =	ssyncset.done $0x0  }
0x20: {  	[sflag:s12] =	ssyncadd.s32 $0xFFFFD880  }
0x21: {  	[tilespmem:s16], [sflag:$0x3] =	stream.linear.gather [hbm4b:s7+s2], $0x3E80, $0x38;
	[tilespmem:$0x1F000] =	vst v63  }
0x22: {  	_ =	swait.ge [sflag:s12], $0x3E80  }
0x23: {  	[sflag:s12] =	ssyncset.done $0x0  }
0x24: {  	[sflag:s12] =	ssyncadd.s32 $0xFFFFC180  }
0x25: {  	[bflag:$0x0] =	sbarrier.arrive $0xFFFF  }
0x26: {  	[tilespmem:s18], [sflag:$0x1] =	stream.indirect.gather [hbm4b:s3+s17], $0x80, s2, s17, $0xb8;
	[tilespmem:$0x1F000] =	vst v63  }
0x27: {  	_ = 	snop  }
0x28: {  	[tilespmem:s19], [sflag:$0x2] =	stream.indirect.gather [hbm4b:s3+s17], $0x80, s17, s17, $0xb8;
	[tilespmem:$0x1F000] =	vst v63  }
0x29: {  	_ =	swait.ge [sflag:s20], $0x2800  }
0x2a: {  	[sflag:s20] =	ssyncset.done $0x0  }
0x2b: {  	s28 =	simm.s32 $0x2780;
	[sflag:s20] =	ssyncadd.s32 $0xFFFFD800  }
0x2c: {  	[spmem:s1] =	stream.indirect.scatter.add.f32 [tilespmem:s18], [sflag:$0x3], $0x80, s28, s17, $0xb8;
	[tilespmem:$0x1F000] =	vst v63  }
0x2d: {  	_ =	swait.ge [sflag:s12], $0x2800  }
0x2e: {  	[sflag:s12] =	ssyncset.done $0x0  }
0x2f: {  	s28 =	simm.s32 $0xA0;
	[sflag:s12] =	ssyncadd.s32 $0xFFFFD800  }
0x30: {  	[tilespmem:s18], [sflag:$0x1] =	stream.indirect.gather [hbm4b:s3+s17], $0x80, s28, s17, $0xb8;
	[tilespmem:$0x1F000] =	vst v63  }
0x31: {  	_ =	swait.ge [sflag:s21], $0x2800  }
0x32: {  	[sflag:s21] =	ssyncset.done $0x0  }
0x33: {  	s28 =	simm.s32 $0x2800;
	[sflag:s21] =	ssyncadd.s32 $0xFFFFD800  }
0x34: {  	[spmem:s1] =	stream.indirect.scatter.add.f32 [tilespmem:s19], [sflag:$0x3], $0x80, s28, s17, $0xb8;
	[tilespmem:$0x1F000] =	vst v63  }
0x35: {  	_ =	swait.ge [sflag:s12], $0x2800  }
0x36: {  	s29 =	simm.s32 $0x400;
	[sflag:s12] =	ssyncset.done $0x0  }
0x37: {  	s30 =	simm.s32 $0x190;
	s28 =	simm.s32 $0xF0;
	[sflag:s12] =	ssyncadd.s32 $0xFFFFD800  }
.LBB2_2:
0x38: {  	[tilespmem:s19], [sflag:$0x2] =	stream.indirect.gather [hbm4b:s3+s17], $0x80, s28, s17, $0xb8;
	[tilespmem:$0x1F000] =	vst v63  }
0x39: {  	s31 =	smov.u32 s29;
	s28 =	smov.u32 s30  }
0x3a: {  	p1 =	sne.s32 s29, $0xF000;
	s29 =	sadd.s32 $0x400, s29;
	_ =	swait.ge [sflag:s20], $0x2800  }
0x3b: {  	s31 =	sshra.s32 s31, $0x2;
	[sflag:s20] =	ssyncset.done $0x0  }
0x3c: {  	s0 =	sadd.s32 $0x2780, s31;
	[sflag:s20] =	ssyncadd.s32 $0xFFFFD800  }
0x3d: {  	[spmem:s1] =	stream.indirect.scatter.add.f32 [tilespmem:s18], [sflag:$0x3], $0x80, s0, s17, $0xb8;
	[tilespmem:$0x1F000] =	vst v63  }
0x3e: {  	_ =	swait.ge [sflag:s12], $0x2800  }
0x3f: {  	[sflag:s12] =	ssyncset.done $0x0  }
0x40: {  	s0 =	sadd.s32 $0xFFFFFFB0, s30;
	[sflag:s12] =	ssyncadd.s32 $0xFFFFD800  }
0x41: {  	[tilespmem:s18], [sflag:$0x1] =	stream.indirect.gather [hbm4b:s3+s17], $0x80, s0, s17, $0xb8;
	[tilespmem:$0x1F000] =	vst v63  }
0x42: {  	_ =	swait.ge [sflag:s21], $0x2800  }
0x43: {  	[sflag:s21] =	ssyncset.done $0x0  }
.Ltmp0:
0x44: {  	s0 =	sadd.s32 $0x2800, s31;
	[sflag:s21] =	ssyncadd.s32 $0xFFFFD800;
	(pc) =	sbr.rel @p1 .LBB2_2-.Ltmp0, $4  }
0x45: {  	[spmem:s1] =	stream.indirect.scatter.add.f32 [tilespmem:s19], [sflag:$0x3], $0x80, s0, s17, $0xb8;
	[tilespmem:$0x1F000] =	vst v63  }
0x46: {  	_ =	swait.ge [sflag:s12], $0x2800  }
0x47: {  	[sflag:s12] =	ssyncset.done $0x0  }
0x48: {  	s30 =	sadd.s32 $0xA0, s30;
	[sflag:s12] =	ssyncadd.s32 $0xFFFFD800  }
0x49: {  	[tilespmem:s19], [sflag:$0x2] =	stream.indirect.gather [hbm4b:s3+s17], $0x80, s28, s17, $0xb8;
	[tilespmem:$0x1F000] =	vst v63  }
0x4a: {  	_ =	swait.ge [sflag:s20], $0x2800  }
0x4b: {  	[sflag:s20] =	ssyncset.done $0x0  }
0x4c: {  	[sflag:s20] =	ssyncadd.s32 $0xFFFFD800  }
0x4d: {  	[spmem:s1] =	stream.indirect.scatter.add.f32 [tilespmem:s18], [sflag:$0x3], $0x80, s22, s17, $0xb8;
	[tilespmem:$0x1F000] =	vst v63  }
0x4e: {  	_ =	swait.ge [sflag:s12], $0x2800  }
0x4f: {  	[sflag:s12] =	ssyncset.done $0x0  }
0x50: {  	[sflag:s12] =	ssyncadd.s32 $0xFFFFD800  }
0x51: {  	[tilespmem:s18], [sflag:$0x1] =	stream.indirect.gather [hbm4b:s3+s17], $0x80, s23, s17, $0xb8;
	[tilespmem:$0x1F000] =	vst v63  }
0x52: {  	_ =	swait.ge [sflag:s21], $0x2800  }
0x53: {  	[sflag:s21] =	ssyncset.done $0x0  }
0x54: {  	[sflag:s21] =	ssyncadd.s32 $0xFFFFD800  }
0x55: {  	[spmem:s1] =	stream.indirect.scatter.add.f32 [tilespmem:s19], [sflag:$0x3], $0x80, s24, s17, $0xb8;
	[tilespmem:$0x1F000] =	vst v63  }
0x56: {  	_ =	swait.ge [sflag:s12], $0x2800  }
0x57: {  	[sflag:s12] =	ssyncset.done $0x0  }
0x58: {  	[sflag:s12] =	ssyncadd.s32 $0xFFFFD800  }
0x59: {  	_ =	swait.ge [sflag:s20], $0x2800  }
0x5a: {  	[sflag:s20] =	ssyncset.done $0x0  }
0x5b: {  	[sflag:s20] =	ssyncadd.s32 $0xFFFFD800  }
0x5c: {  	[spmem:s1] =	stream.indirect.scatter.add.f32 [tilespmem:s18], [sflag:$0x3], $0x80, s25, s17, $0xb8;
	[tilespmem:$0x1F000] =	vst v63  }
0x5d: {  	_ =	swait.ge [sflag:s12], $0x2800  }
0x5e: {  	[sflag:s12] =	ssyncset.done $0x0  }
0x5f: {  	[sflag:s12] =	ssyncadd.s32 $0xFFFFD800  }
0x60: {  	[bflag:$0x0] =	sbarrier.arrive $0xFFFF  }
0x61: {  	[hbm:s8], [sflag:s5] =	dma.local [spmem:s11], $0x2700  }
0x62: {  	s26 =	sadd.s32 $0x1, s26;
	_ =	swait.ge [sflag:s12], $0x2700  }
0x63: {  	p1 =	sne.s32 s26, s10;
	[sflag:s12] =	ssyncset.done $0x0  }
.Ltmp1:
0x64: {  	s0 =	simm.s32 @!p0 $0x3;
	[sflag:s12] =	ssyncadd.s32 $0xFFFFD900;
	(pc) =	sbr.rel @p1 .LBB2_1-.Ltmp1, $4  }
0x65: {  	[hbm:s9], [sflag:s5] =	dma.local @!p0 [spmem:s13], $0x100  }
0x66: {  	_ =	swait.ge @!p0 [sflag:s0], $0x100  }
0x67: {  	[sflag:s0] =	ssyncset.done @!p0 $0x0  }
0x68: {  	[sflag:s0] =	ssyncadd.s32 @!p0 $0xFFFFFF00  }
0x69: {  	_ =	sfence.sel $0x180000  }
0x6a: {  	[bflag:$0x0] =	sbarrier.arrive $0xFFFF  }
0x6b: {  	_ =	strace $0x90000047  }
0x6c: {  	[bflag:$0x2] =	sbarrier.arrive $0xFFFF  }
0x6d: {  	s0 =	rddreg [dreg:$0x2]  }
0x6e: {  	s0 =	sadd.s32 @!p0 $0x100000, s0  }
0x6f: {  	[sflag:s0] =	ssyncadd.tile.s32 @!p0 $0x1;
	_ =	shalt  }
.Lfunc_end2:
_tile_overlayer_lowered:
.L_overlay_start_2:
0x70: {  	(tag) =	ssettag $0x2  }
0x71: {  	s0 =	rddreg [dreg:$0x0];
	s2 =	stileid.u32  }
0x72: {  	s1 =	rddreg [dreg:$0x1];
	p0 =	sne.s32 s2, $0x0  }
0x73: {  	s3 =	rddreg [dreg:$0x2];
	[bflag:$0x3] =	sbarrier.arrive $0xFFFF;
	s2 =	simm.s32 @!p0 $0x1C03  }
0x74: {  	[timem:s3], [sflag:s2] =	dma.local @!p0 [hbm:s0], s1  }
0x75: {  	s0 =	simm.s32 @!p0 $0x3  }
0x76: {  	_ =	swait.ge @!p0 [sflag:s0], s1  }
0x77: {  	s1 =	ssub.s32 @!p0 $0x0, s1;
	[sflag:s0] =	ssyncset.done @!p0 $0x0  }
0x78: {  	[sflag:s0] =	ssyncadd.s32 @!p0 s1  }
0x79: {  	[bflag:$0x3] =	sbarrier.arrive $0xFFFF  }
0x7a: {  	_ =	shalt  }

// kernel: kernel.17.cloned.1.call-start
scs
__scs_entry_jumppad:
0x0: {  	(pc) =	sbr.rel $0x88, $3  }
0x1: {  	(tag) =	ssettag $0x0;
	lr =	simm.s32 $0x1  }
0x2: {  	[smem:$0x3F90] =	sst lr;
	_ =	strace $0xD0000000  }
0x3: {  	_ = 	snop  }
0x4: {  	_ = 	snop  }
0x5: {  	_ = 	snop  }
0x6: {  	_ = 	snop  }
0x7: {  	_ = 	snop  }
__scs_overlays_trampoline_lowered:
0x8: {  	[smem:$0x3F9F] =	sst s0  }
0x9: {  	[smem:$0x3FA0] =	sst s1  }
0xa: {  	[smem:$0x3FA1] =	sst s2  }
0xb: {  	[smem:$0x3FA2] =	sst s3  }
0xc: {  	[smem:$0x3FA3] =	sst s4  }
0xd: {  	[smem:$0x3FA4] =	sst s5  }
0xe: {  	[smem:$0x3FA5] =	sst s6  }
0xf: {  	[smem:$0x3FA6] =	sst s7  }
0x10: {  	[smem:$0x3FA7] =	sst s8  }
0x11: {  	[smem:$0x3FA8] =	sst s9;
	s0 =	simm.s32 @!p0 $0x0  }
0x12: {  	s1 =	sld [smem:$0x3F8E];
	s0 =	simm.s32 @p0 $0x1  }
0x13: {  	[smem:$0x3FA9] =	sst s0;
	s0 =	simm.s32 @!p1 $0x0  }
0x14: {  	s2 =	sld [smem:$0x3F8D];
	s0 =	simm.s32 @p1 $0x1  }
0x15: {  	[smem:$0x3FAA] =	sst s0;
	s0 =	simm.s32 @!p2 $0x0  }
0x16: {  	s3 =	sld [smem:$0x3FDB];
	s0 =	simm.s32 @p2 $0x1  }
0x17: {  	s4 =	simm.s32 $0x1BF5;
	[smem:$0x3FAC] =	sst s0  }
0x18: {  	s0 =	sld [smem:$0x3F8F];
	_ =	swait.ge [sflag:s4], $0x0  }
0x19: {  	s7 =	sld [smem:$0x3F90]  }
0x1a: {  	s8 =	sadd.s32 $0xFFFFE003, lr  }
0x1b: {  	s9 =	sadd.s32 $0xFFFFFEF7, lr;
	s5 =	simm.s32 $0xFFFFFFFF;
	p2 =	slt.u32 s8, $0xFFFFF086  }
0x1c: {  	p1 =	slt.u32 s9, $0xF7A;
	s5 =	simm.s32 @!p2 $0x0  }
0x1d: {  	s5 =	simm.s32 @p1 $0x1;
	p0 =	seq.s32 s7, s2  }
0x1e: {  	s7 =	smul.u32 @!p0 $0xF7A, s2;
	p2 =	seq.s32 @!p0 s5, $0x0  }
0x1f: {  	s9 =	smul.u32 $0xF7A, s1;
	s8 =	simm.s32 @!p0 $0x1BF5;
	p2 =	por !p2, p0  }
0x20: {  	[sflag:s8] =	ssyncset.s32 @!p0 $0xFFFFF086;
	s6 =	sadd.s32 @!p0 s3, s7;
	s7 =	simm.s32 @!p0 $0x108  }
0x21: {  	s3 =	sadd.s32 s3, s9;
	s6 =	sadd.s32 @!p0 $0x88, s6;
	s7 =	simm.s32 @p2 $0x1082  }
0x22: {  	[simem:s7], [sflag:s8] =	dma.local @!p0 [hbm:s6], $0xF7A  }
0x23: {  	s9 =	sor.u32 $0xD0000000, s2;
	s6 =	simm.s32 $0x108;
	_ =	swait.ge @!p0 [sflag:s8], $0x0  }
0x24: {  	s3 =	sadd.s32 $0x88, s3;
	s6 =	simm.s32 @!p1 $0x1082;
	[sflag:s4] =	ssyncset.s32 $0xFFFFF086  }
0x25: {  	[simem:s6], [sflag:s4] =	dma.local [hbm:s3], $0xF7A  }
0x26: {  	[smem:$0x3F90] =	sst s1;
	(tag) =	ssettag s2;
	_ =	strace s9  }
0x27: {  	s1 =	sld [smem:$0x3FA0]  }
0x28: {  	s2 =	sld [smem:$0x3FA1]  }
0x29: {  	s4 =	sld [smem:$0x3FA3]  }
0x2a: {  	p0 =	seq.s32 s5, $0x0;
	s5 =	sld [smem:$0x3FA4]  }
0x2b: {  	s6 =	sld [smem:$0x3FA5]  }
0x2c: {  	s7 =	sld [smem:$0x3FA6]  }
0x2d: {  	s3 =	simm.s32 $0x108;
	s8 =	sld [smem:$0x3FA7]  }
0x2e: {  	s3 =	simm.s32 @!p0 $0x1082;
	s9 =	sld [smem:$0x3FA8]  }
0x2f: {  	lr =	sadd.s32 s0, s3;
	s0 =	sld [smem:$0x3F9F]  }
0x30: {  	s3 =	sld [smem:$0x3FA2]  }
0x31: {  	[smem:$0x3FAB] =	sst s10  }
0x32: {  	s10 =	sld [smem:$0x3FA9];
	_ =	sdelay $0x3  }
0x33: {  	p0 =	seq.s32 s10, $0x1;
	s10 =	sld [smem:$0x3FAB];
	_ =	sdelay $0x3  }
0x34: {  	[smem:$0x3FAB] =	sst s10  }
0x35: {  	s10 =	sld [smem:$0x3FAA];
	_ =	sdelay $0x3  }
0x36: {  	p1 =	seq.s32 s10, $0x1;
	s10 =	sld [smem:$0x3FAB];
	_ =	sdelay $0x3  }
0x37: {  	[smem:$0x3FAB] =	sst s10  }
0x38: {  	s10 =	sld [smem:$0x3FAC]  }
0x39: {  	_ = 	snop;
	(pc) =	sbr.ind lr, $3  }
0x3a: {  	_ = 	snop  }
0x3b: {  	_ = 	snop  }
0x3c: {  	p2 =	seq.s32 s10, $0x1;
	s10 =	sld [smem:$0x3FAB]  }
0x3d: {  	_ =	shalt  }
0x3e: {  	_ =	shalt  }
0x3f: {  	_ =	shalt  }
0x40: {  	_ =	shalt  }
0x41: {  	_ =	shalt  }
0x42: {  	_ =	shalt  }
0x43: {  	_ =	shalt  }
0x44: {  	_ =	shalt  }
0x45: {  	_ =	shalt  }
0x46: {  	_ =	shalt  }
0x47: {  	_ =	shalt  }
0x48: {  	_ =	shalt  }
0x49: {  	_ =	shalt  }
0x4a: {  	_ =	shalt  }
0x4b: {  	_ =	shalt  }
0x4c: {  	_ =	shalt  }
0x4d: {  	_ =	shalt  }
0x4e: {  	_ =	shalt  }
0x4f: {  	_ =	shalt  }
0x50: {  	_ =	shalt  }
0x51: {  	_ =	shalt  }
0x52: {  	_ =	shalt  }
0x53: {  	_ =	shalt  }
0x54: {  	_ =	shalt  }
0x55: {  	_ =	shalt  }
0x56: {  	_ =	shalt  }
0x57: {  	_ =	shalt  }
0x58: {  	_ =	shalt  }
0x59: {  	_ =	shalt  }
0x5a: {  	_ =	shalt  }
0x5b: {  	_ =	shalt  }
0x5c: {  	_ =	shalt  }
0x5d: {  	_ =	shalt  }
0x5e: {  	_ =	shalt  }
0x5f: {  	_ =	shalt  }
0x60: {  	_ =	shalt  }
0x61: {  	_ =	shalt  }
0x62: {  	_ =	shalt  }
0x63: {  	_ =	shalt  }
0x64: {  	_ =	shalt  }
0x65: {  	_ =	shalt  }
0x66: {  	_ =	shalt  }
0x67: {  	_ =	shalt  }
0x68: {  	_ =	shalt  }
0x69: {  	_ =	shalt  }
0x6a: {  	_ =	shalt  }
0x6b: {  	_ =	shalt  }
0x6c: {  	_ =	shalt  }
0x6d: {  	_ =	shalt  }
0x6e: {  	_ =	shalt  }
0x6f: {  	_ =	shalt  }
0x70: {  	_ =	shalt  }
0x71: {  	_ =	shalt  }
0x72: {  	_ =	shalt  }
0x73: {  	_ =	shalt  }
0x74: {  	_ =	shalt  }
0x75: {  	_ =	shalt  }
0x76: {  	_ =	shalt  }
0x77: {  	_ =	shalt  }
0x78: {  	_ =	shalt  }
0x79: {  	_ =	shalt  }
0x7a: {  	_ =	shalt  }
0x7b: {  	_ =	shalt  }
0x7c: {  	_ =	shalt  }
0x7d: {  	_ =	shalt  }
0x7e: {  	_ =	shalt  }
0x7f: {  	_ =	shalt  }
0x80: {  	_ =	shalt  }
0x81: {  	_ =	shalt  }
0x82: {  	_ =	shalt  }
0x83: {  	_ =	shalt  }
0x84: {  	_ =	shalt  }
0x85: {  	_ =	shalt  }
0x86: {  	_ =	shalt  }
0x87: {  	_ =	shalt  }
.Lfunc_end0:
.L_simem_size_0:
called_computation.2_lowered:
.L_overlay_start_0:
0x88: {  	s2 =	sld [smem:$0x3FD9]  }
0x89: {  	s3 =	sld [smem:$0x3FFE];
	_ =	sdelay $0x1  }
0x8a: {  	s1 =	srdreg.scid  }
0x8b: {  	s0 =	sand.u32 $0x1, s1  }
0x8c: {  	s16 =	sshll.u32 s0, $0xA;
	s2 =	sadd.s32 s3, s2  }
0x8d: {  	s2 =	sadd.s32 s2, s16  }
0x8e: {  	[smem:$0x3FB7] =	sst s2  }
0x8f: {  	_ = 	snop  }
0x90: {  	(tm) =	ssettm $0x1  }
0x91: {  	s17 =	sld [smem:$0x3FFB];
	_ =	sdelay $0x3  }
0x92: {  	_ =	strace s17  }
0x93: {  	s2 =	sld [smem:$0x3FFC];
	_ =	sdelay $0x3  }
0x94: {  	_ =	strace s2  }
0x95: {  	s2 =	sld [smem:$0x3FFD];
	_ =	sdelay $0x3  }
0x96: {  	_ =	strace s2  }
0x97: {  	_ =	strace $0x8FFFFFFF  }
0x98: {  	s18 =	sld [smem:$0x3FDB];
	_ =	sdelay $0x1  }
0x99: {  	s19 =	simm.s32 $_scs_section_size  }
0x9a: {  	s4 =	simm.s32 $_size__tile_overlayer_lowered;
	s5 =	simm.s32 $_tile_overlayer_lowered  }
0x9b: {  	s22 =	simm.s32 $0x1BFF;
	s21 =	sshll.u32 s5, $0x1;
	s2 =	sadd.s32 s19, s18  }
0x9c: {  	s6 =	simm.s32 $0x0;
	s20 =	sshll.u32 s4, $0x1;
	s4 =	sadd.s32 s21, s2  }
0x9d: {  	[timem:s6], [sflag:s22] =	dma.local [hbm:s4], s20  }
0x9e: {  	_ =	swait.ge [sflag:s22], s20  }
0x9f: {  	s3 =	ssub.s32 $0x0, s20;
	[sflag:s22] =	ssyncset.done $0x0  }
0xa0: {  	[sflag:s22] =	ssyncadd.s32 s3;
	_ =	sdelay $0x1  }
0xa1: {  	s23 =	simm.s32 $0x1B8B  }
0xa2: {  	_ =	swait.ge [sflag:s23], $0x1  }
0xa3: {  	[sflag:s23] =	ssyncset.done $0x0  }
0xa4: {  	s25 =	simm.s32 $0x1B8E;
	s24 =	sld [smem:$0x3FFE];
	[sflag:s23] =	ssyncadd.s32 $0xFFFFFFFF  }
0xa5: {  	s26 =	simm.s32 $execute0_lowered;
	[smem:$0x3FD2] =	sst s25  }
0xa6: {  	s4 =	sshll.u32 s26, $0x1;
	_ =	strace $0x8000004C;
	[dreg:$0x1] =	wrdreg $0xFFFFFFFF  }
0xa7: {  	s28 =	simm.s32 $_size_execute0_lowered;
	s2 =	sadd.s32 s2, s4;
	[dreg:$0x0] =	wrdreg $0x0  }
0xa8: {  	s4 =	sshll.u32 s28, $0x1;
	[dreg:$0x2] =	wrdreg s2  }
0xa9: {  	[dreg:$0x3] =	wrdreg s4  }
0xaa: {  	[dreg:$0x4] =	wrdreg $0xC0  }
0xab: {  	_ =	task [dreg:s6], $0x5FFFF  }
0xac: {  	[dreg:$0x1] =	wrdreg $0xFFFFFFFF  }
0xad: {  	[dreg:$0x0] =	wrdreg $0x60  }
0xae: {  	[dreg:$0x2] =	wrdreg s24  }
0xaf: {  	[dreg:$0x3] =	wrdreg $0xB7800  }
0xb0: {  	[dreg:$0x4] =	wrdreg $0x9  }
0xb1: {  	_ =	task.clear_ibuf [dreg:s6], $0x5FFFF;
	_ =	strace $0x9000004C  }
0xb2: {  	s29 =	simm.s32 $0x9;
	_ =	strace $0x8000004E  }
0xb3: {  	_ =	swait.ge [sflag:s29], $0x1  }
0xb4: {  	[sflag:s29] =	ssyncadd.s32 $0xFFFFFFFF  }
0xb5: {  	_ =	strace $0x9000004E  }
0xb6: {  	_ =	sfence  }
0xb7: {  	s30 =	sld [smem:$0x0];
	_ =	sdelay $0x2  }
0xb8: {  	s31 =	sshll.u32 s1, $0xD;
	s1 =	sshrl.u32 s1, $0x2  }
0xb9: {  	s3 =	sand.u32 $0x4000, s31;
	s1 =	sadd.s32 s1, s30  }
0xba: {  	s0 =	sor.u32 s3, s0;
	s1 =	sshll.u32 s1, $0x11  }
0xbb: {  	s0 =	sor.u32 s1, s0  }
0xbc: {  	s0 =	sadd.s32 $0x8F2B, s0  }
0xbd: {  	[sflag:s0] =	ssyncadd.remote.s32 $0x1  }
0xbe: {  	_ =	sfence.sel $0xFFFF  }
0xbf: {  	[dreg:$0x0] =	wrdreg $0xFFFFFFFF;
	(pc) =	sbr.abs _section_cstart, $3  }
0xc0: {  	[dreg:$0x1] =	wrdreg $0xFFFFFFFF  }
0xc1: {  	_ =	task.clear_ibuf [dreg:s6], $0x2FFFF;
	_ =	strace $0x9FFFFFFF  }
0xc2: {  	(tm) =	ssettm $0x7FFFFFFF  }
0xc3: {  	_ =	shalt  }
tec
execute0_lowered:
.L_overlay_start_1:
0x0: {  	(tag) =	ssettag $0x1  }
0x1: {  	s0 =	srdreg.scid;
	s6 =	rddreg [dreg:$0x0]  }
0x2: {  	s11 =	stileid.u32;
	s1 =	rddreg [dreg:$0x1];
	s2 =	simm.s32 $0x0  }
0x3: {  	s17 =	simm.s32 $0x50;
	s18 =	simm.s32 $0x6780;
	s19 =	simm.s32 $0x8F80  }
0x4: {  	s20 =	simm.s32 $0x1;
	s21 =	simm.s32 $0x2;
	s22 =	simm.s32 $0x6480  }
0x5: {  	s23 =	simm.s32 $0x26C0;
	s24 =	simm.s32 $0x6500;
	s5 =	sand.u32 $0x1, s0  }
0x6: {  	s4 =	sshll.u32 s11, $0x7;
	[smem:$0x7FF] =	sst s2;
	s10 =	smul.u32 $0x4E000, s11  }
0x7: {  	s7 =	sshll.u32 s11, $0xB;
	s12 =	sadd.s32 $0x66000, s6;
	s13 =	smul.u32 $0x2700, s11  }
0x8: {  	s29 =	sshll.u32 s11, $0x6;
	s16 =	sadd.s32 $0x138000, s1;
	p0 =	sne.s32 s11, $0x0  }
0x9: {  	s0 =	sshll.u32 s5, $0x4;
	s4 =	sand.u32 $0x380, s4;
	_ =	strace $0x8000004D  }
0xa: {  	s7 =	sadd.s32 s7, s6;
	s9 =	ssub.s32 $0x2, s5;
	s28 =	smul.u32 $0x138800, s5  }
0xb: {  	s30 =	smul.u32 $0x27100, s5;
	s5 =	sor.u32 $0x1C03, s29;
	s0 =	sor.u32 s11, s0  }
0xc: {  	s25 =	sshrl.u32 s9, $0x1;
	s26 =	sshrl.u32 s10, $0x2;
	s7 =	sadd.s32 $0xD600, s7  }
0xd: {  	s0 =	sshrl.u32 s0, $0x3;
	s14 =	ssub.s32 s9, s25;
	s15 =	sadd.s32 s26, s1  }
0xe: {  	s9 =	sshrl.u32 s28, $0x3;
	s31 =	sadd.s32 s13, s30;
	s13 =	sshrl.u32 @!p0 s16, $0x3  }
0xf: {  	s16 =	simm.s32 $0x2780;
	s25 =	simm.s32 $0x6580;
	s3 =	smul.u32 $0x13C00, s0  }
0x10: {  	s26 =	simm.s32 $0x0;
	s9 =	sadd.s32 s12, s9;
	s10 =	smax.u32 s14, $0x1  }
0x11: {  	s11 =	sshrl.u32 s15, $0x3;
	s14 =	simm.s32 $0x80;
	s3 =	sor.u32 s4, s3  }
0x12: {  	s15 =	simm.s32 $0x400;
	s9 =	sadd.s32 $0x27000, s9;
	s4 =	sshrl.u32 s3, $0x3  }
0x13: {  	s3 =	sadd.s32 $0x15600, s6;
	s8 =	sadd.s32 s4, s6;
	s4 =	sadd.s32 $0x63800, s6  }
0x14: {  	s6 =	sadd.s32 $0x3800, s8;
	s8 =	sadd.s32 s12, s31;
	s12 =	simm.s32 $0x3  }
.LBB2_1:
0x15: {  	[spmem:s11], [sflag:s5] =	dma.local [hbm:s4], $0x2700  }
0x16: {  	_ =	swait.ge [sflag:s12], $0x2700  }
0x17: {  	[sflag:s12] =	ssyncset.done $0x0  }
0x18: {  	s28 =	simm.s32 @!p0 $0x3;
	[sflag:s12] =	ssyncadd.s32 $0xFFFFD900  }
0x19: {  	[spmem:s13], [sflag:s5] =	dma.local @!p0 [hbm:s4], $0x100  }
0x1a: {  	_ =	swait.ge @!p0 [sflag:s28], $0x100  }
0x1b: {  	[sflag:s28] =	ssyncset.done @!p0 $0x0  }
0x1c: {  	[sflag:s28] =	ssyncadd.s32 @!p0 $0xFFFFFF00  }
0x1d: {  	[tilespmem:s2], [sflag:$0x3] =	stream.strided.gather [hbm4b:s6+s14], $0x2780, s15, s14, $0x38;
	[tilespmem:$0x1F000] =	vst v63  }
0x1e: {  	_ =	swait.ge [sflag:s12], $0x2780  }
0x1f: {  	[sflag:s12] =	ssyncset.done $0x0  }
0x20: {  	[sflag:s12] =	ssyncadd.s32 $0xFFFFD880  }
0x21: {  	[tilespmem:s16], [sflag:$0x3] =	stream.linear.gather [hbm4b:s7+s2], $0x3E80, $0x38;
	[tilespmem:$0x1F000] =	vst v63  }
0x22: {  	_ =	swait.ge [sflag:s12], $0x3E80  }
0x23: {  	[sflag:s12] =	ssyncset.done $0x0  }
0x24: {  	[sflag:s12] =	ssyncadd.s32 $0xFFFFC180  }
0x25: {  	[bflag:$0x0] =	sbarrier.arrive $0xFFFF  }
0x26: {  	[tilespmem:s18], [sflag:$0x1] =	stream.indirect.gather [hbm4b:s3+s17], $0x80, s2, s17, $0xb8;
	[tilespmem:$0x1F000] =	vst v63  }
0x27: {  	_ = 	snop  }
0x28: {  	[tilespmem:s19], [sflag:$0x2] =	stream.indirect.gather [hbm4b:s3+s17], $0x80, s17, s17, $0xb8;
	[tilespmem:$0x1F000] =	vst v63  }
0x29: {  	_ =	swait.ge [sflag:s20], $0x2800  }
0x2a: {  	[sflag:s20] =	ssyncset.done $0x0  }
0x2b: {  	s28 =	simm.s32 $0x2780;
	[sflag:s20] =	ssyncadd.s32 $0xFFFFD800  }
0x2c: {  	[spmem:s1] =	stream.indirect.scatter.add.f32 [tilespmem:s18], [sflag:$0x3], $0x80, s28, s17, $0xb8;
	[tilespmem:$0x1F000] =	vst v63  }
0x2d: {  	_ =	swait.ge [sflag:s12], $0x2800  }
0x2e: {  	[sflag:s12] =	ssyncset.done $0x0  }
0x2f: {  	s28 =	simm.s32 $0xA0;
	[sflag:s12] =	ssyncadd.s32 $0xFFFFD800  }
0x30: {  	[tilespmem:s18], [sflag:$0x1] =	stream.indirect.gather [hbm4b:s3+s17], $0x80, s28, s17, $0xb8;
	[tilespmem:$0x1F000] =	vst v63  }
0x31: {  	_ =	swait.ge [sflag:s21], $0x2800  }
0x32: {  	[sflag:s21] =	ssyncset.done $0x0  }
0x33: {  	s28 =	simm.s32 $0x2800;
	[sflag:s21] =	ssyncadd.s32 $0xFFFFD800  }
0x34: {  	[spmem:s1] =	stream.indirect.scatter.add.f32 [tilespmem:s19], [sflag:$0x3], $0x80, s28, s17, $0xb8;
	[tilespmem:$0x1F000] =	vst v63  }
0x35: {  	_ =	swait.ge [sflag:s12], $0x2800  }
0x36: {  	s29 =	simm.s32 $0x400;
	[sflag:s12] =	ssyncset.done $0x0  }
0x37: {  	s30 =	simm.s32 $0x190;
	s28 =	simm.s32 $0xF0;
	[sflag:s12] =	ssyncadd.s32 $0xFFFFD800  }
.LBB2_2:
0x38: {  	[tilespmem:s19], [sflag:$0x2] =	stream.indirect.gather [hbm4b:s3+s17], $0x80, s28, s17, $0xb8;
	[tilespmem:$0x1F000] =	vst v63  }
0x39: {  	s31 =	smov.u32 s29;
	s28 =	smov.u32 s30  }
0x3a: {  	p1 =	sne.s32 s29, $0xF000;
	s29 =	sadd.s32 $0x400, s29;
	_ =	swait.ge [sflag:s20], $0x2800  }
0x3b: {  	s31 =	sshra.s32 s31, $0x2;
	[sflag:s20] =	ssyncset.done $0x0  }
0x3c: {  	s0 =	sadd.s32 $0x2780, s31;
	[sflag:s20] =	ssyncadd.s32 $0xFFFFD800  }
0x3d: {  	[spmem:s1] =	stream.indirect.scatter.add.f32 [tilespmem:s18], [sflag:$0x3], $0x80, s0, s17, $0xb8;
	[tilespmem:$0x1F000] =	vst v63  }
0x3e: {  	_ =	swait.ge [sflag:s12], $0x2800  }
0x3f: {  	[sflag:s12] =	ssyncset.done $0x0  }
0x40: {  	s0 =	sadd.s32 $0xFFFFFFB0, s30;
	[sflag:s12] =	ssyncadd.s32 $0xFFFFD800  }
0x41: {  	[tilespmem:s18], [sflag:$0x1] =	stream.indirect.gather [hbm4b:s3+s17], $0x80, s0, s17, $0xb8;
	[tilespmem:$0x1F000] =	vst v63  }
0x42: {  	_ =	swait.ge [sflag:s21], $0x2800  }
0x43: {  	[sflag:s21] =	ssyncset.done $0x0  }
.Ltmp0:
0x44: {  	s0 =	sadd.s32 $0x2800, s31;
	[sflag:s21] =	ssyncadd.s32 $0xFFFFD800;
	(pc) =	sbr.rel @p1 .LBB2_2-.Ltmp0, $4  }
0x45: {  	[spmem:s1] =	stream.indirect.scatter.add.f32 [tilespmem:s19], [sflag:$0x3], $0x80, s0, s17, $0xb8;
	[tilespmem:$0x1F000] =	vst v63  }
0x46: {  	_ =	swait.ge [sflag:s12], $0x2800  }
0x47: {  	[sflag:s12] =	ssyncset.done $0x0  }
0x48: {  	s30 =	sadd.s32 $0xA0, s30;
	[sflag:s12] =	ssyncadd.s32 $0xFFFFD800  }
0x49: {  	[tilespmem:s19], [sflag:$0x2] =	stream.indirect.gather [hbm4b:s3+s17], $0x80, s28, s17, $0xb8;
	[tilespmem:$0x1F000] =	vst v63  }
0x4a: {  	_ =	swait.ge [sflag:s20], $0x2800  }
0x4b: {  	[sflag:s20] =	ssyncset.done $0x0  }
0x4c: {  	[sflag:s20] =	ssyncadd.s32 $0xFFFFD800  }
0x4d: {  	[spmem:s1] =	stream.indirect.scatter.add.f32 [tilespmem:s18], [sflag:$0x3], $0x80, s22, s17, $0xb8;
	[tilespmem:$0x1F000] =	vst v63  }
0x4e: {  	_ =	swait.ge [sflag:s12], $0x2800  }
0x4f: {  	[sflag:s12] =	ssyncset.done $0x0  }
0x50: {  	[sflag:s12] =	ssyncadd.s32 $0xFFFFD800  }
0x51: {  	[tilespmem:s18], [sflag:$0x1] =	stream.indirect.gather [hbm4b:s3+s17], $0x80, s23, s17, $0xb8;
	[tilespmem:$0x1F000] =	vst v63  }
0x52: {  	_ =	swait.ge [sflag:s21], $0x2800  }
0x53: {  	[sflag:s21] =	ssyncset.done $0x0  }
0x54: {  	[sflag:s21] =	ssyncadd.s32 $0xFFFFD800  }
0x55: {  	[spmem:s1] =	stream.indirect.scatter.add.f32 [tilespmem:s19], [sflag:$0x3], $0x80, s24, s17, $0xb8;
	[tilespmem:$0x1F000] =	vst v63  }
0x56: {  	_ =	swait.ge [sflag:s12], $0x2800  }
0x57: {  	[sflag:s12] =	ssyncset.done $0x0  }
0x58: {  	[sflag:s12] =	ssyncadd.s32 $0xFFFFD800  }
0x59: {  	_ =	swait.ge [sflag:s20], $0x2800  }
0x5a: {  	[sflag:s20] =	ssyncset.done $0x0  }
0x5b: {  	[sflag:s20] =	ssyncadd.s32 $0xFFFFD800  }
0x5c: {  	[spmem:s1] =	stream.indirect.scatter.add.f32 [tilespmem:s18], [sflag:$0x3], $0x80, s25, s17, $0xb8;
	[tilespmem:$0x1F000] =	vst v63  }
0x5d: {  	_ =	swait.ge [sflag:s12], $0x2800  }
0x5e: {  	[sflag:s12] =	ssyncset.done $0x0  }
0x5f: {  	[sflag:s12] =	ssyncadd.s32 $0xFFFFD800  }
0x60: {  	[bflag:$0x0] =	sbarrier.arrive $0xFFFF  }
0x61: {  	[hbm:s8], [sflag:s5] =	dma.local [spmem:s11], $0x2700  }
0x62: {  	s26 =	sadd.s32 $0x1, s26;
	_ =	swait.ge [sflag:s12], $0x2700  }
0x63: {  	p1 =	sne.s32 s26, s10;
	[sflag:s12] =	ssyncset.done $0x0  }
.Ltmp1:
0x64: {  	s0 =	simm.s32 @!p0 $0x3;
	[sflag:s12] =	ssyncadd.s32 $0xFFFFD900;
	(pc) =	sbr.rel @p1 .LBB2_1-.Ltmp1, $4  }
0x65: {  	[hbm:s9], [sflag:s5] =	dma.local @!p0 [spmem:s13], $0x100  }
0x66: {  	_ =	swait.ge @!p0 [sflag:s0], $0x100  }
0x67: {  	[sflag:s0] =	ssyncset.done @!p0 $0x0  }
0x68: {  	[sflag:s0] =	ssyncadd.s32 @!p0 $0xFFFFFF00  }
0x69: {  	_ =	sfence.sel $0x180000  }
0x6a: {  	[bflag:$0x0] =	sbarrier.arrive $0xFFFF  }
0x6b: {  	_ =	strace $0x9000004D  }
0x6c: {  	[bflag:$0x2] =	sbarrier.arrive $0xFFFF  }
0x6d: {  	s0 =	rddreg [dreg:$0x2]  }
0x6e: {  	s0 =	sadd.s32 @!p0 $0x100000, s0  }
0x6f: {  	[sflag:s0] =	ssyncadd.tile.s32 @!p0 $0x1;
	_ =	shalt  }
.Lfunc_end2:
_tile_overlayer_lowered:
.L_overlay_start_2:
0x70: {  	(tag) =	ssettag $0x2  }
0x71: {  	s0 =	rddreg [dreg:$0x0];
	s2 =	stileid.u32  }
0x72: {  	s1 =	rddreg [dreg:$0x1];
	p0 =	sne.s32 s2, $0x0  }
0x73: {  	s3 =	rddreg [dreg:$0x2];
	[bflag:$0x3] =	sbarrier.arrive $0xFFFF;
	s2 =	simm.s32 @!p0 $0x1C03  }
0x74: {  	[timem:s3], [sflag:s2] =	dma.local @!p0 [hbm:s0], s1  }
0x75: {  	s0 =	simm.s32 @!p0 $0x3  }
0x76: {  	_ =	swait.ge @!p0 [sflag:s0], s1  }
0x77: {  	s1 =	ssub.s32 @!p0 $0x0, s1;
	[sflag:s0] =	ssyncset.done @!p0 $0x0  }
0x78: {  	[sflag:s0] =	ssyncadd.s32 @!p0 s1  }
0x79: {  	[bflag:$0x3] =	sbarrier.arrive $0xFFFF  }
0x7a: {  	_ =	shalt  }

// kernel: kernel.20.cloned.1.call-start
scs
__scs_entry_jumppad:
0x0: {  	(pc) =	sbr.rel $0x88, $3  }
0x1: {  	(tag) =	ssettag $0x0;
	lr =	simm.s32 $0x1  }
0x2: {  	[smem:$0x3F90] =	sst lr;
	_ =	strace $0xD0000000  }
0x3: {  	_ = 	snop  }
0x4: {  	_ = 	snop  }
0x5: {  	_ = 	snop  }
0x6: {  	_ = 	snop  }
0x7: {  	_ = 	snop  }
__scs_overlays_trampoline_lowered:
0x8: {  	[smem:$0x3F9F] =	sst s0  }
0x9: {  	[smem:$0x3FA0] =	sst s1  }
0xa: {  	[smem:$0x3FA1] =	sst s2  }
0xb: {  	[smem:$0x3FA2] =	sst s3  }
0xc: {  	[smem:$0x3FA3] =	sst s4  }
0xd: {  	[smem:$0x3FA4] =	sst s5  }
0xe: {  	[smem:$0x3FA5] =	sst s6  }
0xf: {  	[smem:$0x3FA6] =	sst s7  }
0x10: {  	[smem:$0x3FA7] =	sst s8  }
0x11: {  	[smem:$0x3FA8] =	sst s9;
	s0 =	simm.s32 @!p0 $0x0  }
0x12: {  	s1 =	sld [smem:$0x3F8E];
	s0 =	simm.s32 @p0 $0x1  }
0x13: {  	[smem:$0x3FA9] =	sst s0;
	s0 =	simm.s32 @!p1 $0x0  }
0x14: {  	s2 =	sld [smem:$0x3F8D];
	s0 =	simm.s32 @p1 $0x1  }
0x15: {  	[smem:$0x3FAA] =	sst s0;
	s0 =	simm.s32 @!p2 $0x0  }
0x16: {  	s3 =	sld [smem:$0x3FDB];
	s0 =	simm.s32 @p2 $0x1  }
0x17: {  	s4 =	simm.s32 $0x1BF5;
	[smem:$0x3FAC] =	sst s0  }
0x18: {  	s0 =	sld [smem:$0x3F8F];
	_ =	swait.ge [sflag:s4], $0x0  }
0x19: {  	s7 =	sld [smem:$0x3F90]  }
0x1a: {  	s8 =	sadd.s32 $0xFFFFE003, lr  }
0x1b: {  	s9 =	sadd.s32 $0xFFFFFEF7, lr;
	s5 =	simm.s32 $0xFFFFFFFF;
	p2 =	slt.u32 s8, $0xFFFFF086  }
0x1c: {  	p1 =	slt.u32 s9, $0xF7A;
	s5 =	simm.s32 @!p2 $0x0  }
0x1d: {  	s5 =	simm.s32 @p1 $0x1;
	p0 =	seq.s32 s7, s2  }
0x1e: {  	s7 =	smul.u32 @!p0 $0xF7A, s2;
	p2 =	seq.s32 @!p0 s5, $0x0  }
0x1f: {  	s9 =	smul.u32 $0xF7A, s1;
	s8 =	simm.s32 @!p0 $0x1BF5;
	p2 =	por !p2, p0  }
0x20: {  	[sflag:s8] =	ssyncset.s32 @!p0 $0xFFFFF086;
	s6 =	sadd.s32 @!p0 s3, s7;
	s7 =	simm.s32 @!p0 $0x108  }
0x21: {  	s3 =	sadd.s32 s3, s9;
	s6 =	sadd.s32 @!p0 $0x88, s6;
	s7 =	simm.s32 @p2 $0x1082  }
0x22: {  	[simem:s7], [sflag:s8] =	dma.local @!p0 [hbm:s6], $0xF7A  }
0x23: {  	s9 =	sor.u32 $0xD0000000, s2;
	s6 =	simm.s32 $0x108;
	_ =	swait.ge @!p0 [sflag:s8], $0x0  }
0x24: {  	s3 =	sadd.s32 $0x88, s3;
	s6 =	simm.s32 @!p1 $0x1082;
	[sflag:s4] =	ssyncset.s32 $0xFFFFF086  }
0x25: {  	[simem:s6], [sflag:s4] =	dma.local [hbm:s3], $0xF7A  }
0x26: {  	[smem:$0x3F90] =	sst s1;
	(tag) =	ssettag s2;
	_ =	strace s9  }
0x27: {  	s1 =	sld [smem:$0x3FA0]  }
0x28: {  	s2 =	sld [smem:$0x3FA1]  }
0x29: {  	s4 =	sld [smem:$0x3FA3]  }
0x2a: {  	p0 =	seq.s32 s5, $0x0;
	s5 =	sld [smem:$0x3FA4]  }
0x2b: {  	s6 =	sld [smem:$0x3FA5]  }
0x2c: {  	s7 =	sld [smem:$0x3FA6]  }
0x2d: {  	s3 =	simm.s32 $0x108;
	s8 =	sld [smem:$0x3FA7]  }
0x2e: {  	s3 =	simm.s32 @!p0 $0x1082;
	s9 =	sld [smem:$0x3FA8]  }
0x2f: {  	lr =	sadd.s32 s0, s3;
	s0 =	sld [smem:$0x3F9F]  }
0x30: {  	s3 =	sld [smem:$0x3FA2]  }
0x31: {  	[smem:$0x3FAB] =	sst s10  }
0x32: {  	s10 =	sld [smem:$0x3FA9];
	_ =	sdelay $0x3  }
0x33: {  	p0 =	seq.s32 s10, $0x1;
	s10 =	sld [smem:$0x3FAB];
	_ =	sdelay $0x3  }
0x34: {  	[smem:$0x3FAB] =	sst s10  }
0x35: {  	s10 =	sld [smem:$0x3FAA];
	_ =	sdelay $0x3  }
0x36: {  	p1 =	seq.s32 s10, $0x1;
	s10 =	sld [smem:$0x3FAB];
	_ =	sdelay $0x3  }
0x37: {  	[smem:$0x3FAB] =	sst s10  }
0x38: {  	s10 =	sld [smem:$0x3FAC]  }
0x39: {  	_ = 	snop;
	(pc) =	sbr.ind lr, $3  }
0x3a: {  	_ = 	snop  }
0x3b: {  	_ = 	snop  }
0x3c: {  	p2 =	seq.s32 s10, $0x1;
	s10 =	sld [smem:$0x3FAB]  }
0x3d: {  	_ =	shalt  }
0x3e: {  	_ =	shalt  }
0x3f: {  	_ =	shalt  }
0x40: {  	_ =	shalt  }
0x41: {  	_ =	shalt  }
0x42: {  	_ =	shalt  }
0x43: {  	_ =	shalt  }
0x44: {  	_ =	shalt  }
0x45: {  	_ =	shalt  }
0x46: {  	_ =	shalt  }
0x47: {  	_ =	shalt  }
0x48: {  	_ =	shalt  }
0x49: {  	_ =	shalt  }
0x4a: {  	_ =	shalt  }
0x4b: {  	_ =	shalt  }
0x4c: {  	_ =	shalt  }
0x4d: {  	_ =	shalt  }
0x4e: {  	_ =	shalt  }
0x4f: {  	_ =	shalt  }
0x50: {  	_ =	shalt  }
0x51: {  	_ =	shalt  }
0x52: {  	_ =	shalt  }
0x53: {  	_ =	shalt  }
0x54: {  	_ =	shalt  }
0x55: {  	_ =	shalt  }
0x56: {  	_ =	shalt  }
0x57: {  	_ =	shalt  }
0x58: {  	_ =	shalt  }
0x59: {  	_ =	shalt  }
0x5a: {  	_ =	shalt  }
0x5b: {  	_ =	shalt  }
0x5c: {  	_ =	shalt  }
0x5d: {  	_ =	shalt  }
0x5e: {  	_ =	shalt  }
0x5f: {  	_ =	shalt  }
0x60: {  	_ =	shalt  }
0x61: {  	_ =	shalt  }
0x62: {  	_ =	shalt  }
0x63: {  	_ =	shalt  }
0x64: {  	_ =	shalt  }
0x65: {  	_ =	shalt  }
0x66: {  	_ =	shalt  }
0x67: {  	_ =	shalt  }
0x68: {  	_ =	shalt  }
0x69: {  	_ =	shalt  }
0x6a: {  	_ =	shalt  }
0x6b: {  	_ =	shalt  }
0x6c: {  	_ =	shalt  }
0x6d: {  	_ =	shalt  }
0x6e: {  	_ =	shalt  }
0x6f: {  	_ =	shalt  }
0x70: {  	_ =	shalt  }
0x71: {  	_ =	shalt  }
0x72: {  	_ =	shalt  }
0x73: {  	_ =	shalt  }
0x74: {  	_ =	shalt  }
0x75: {  	_ =	shalt  }
0x76: {  	_ =	shalt  }
0x77: {  	_ =	shalt  }
0x78: {  	_ =	shalt  }
0x79: {  	_ =	shalt  }
0x7a: {  	_ =	shalt  }
0x7b: {  	_ =	shalt  }
0x7c: {  	_ =	shalt  }
0x7d: {  	_ =	shalt  }
0x7e: {  	_ =	shalt  }
0x7f: {  	_ =	shalt  }
0x80: {  	_ =	shalt  }
0x81: {  	_ =	shalt  }
0x82: {  	_ =	shalt  }
0x83: {  	_ =	shalt  }
0x84: {  	_ =	shalt  }
0x85: {  	_ =	shalt  }
0x86: {  	_ =	shalt  }
0x87: {  	_ =	shalt  }
.Lfunc_end0:
.L_simem_size_0:
called_computation.3_lowered:
.L_overlay_start_0:
0x88: {  	s2 =	sld [smem:$0x3FD9]  }
0x89: {  	s3 =	sld [smem:$0x3FFE];
	_ =	sdelay $0x1  }
0x8a: {  	s1 =	srdreg.scid  }
0x8b: {  	s0 =	sand.u32 $0x1, s1  }
0x8c: {  	s16 =	sshll.u32 s0, $0xA;
	s2 =	sadd.s32 s3, s2  }
0x8d: {  	s2 =	sadd.s32 s2, s16  }
0x8e: {  	[smem:$0x3FB7] =	sst s2  }
0x8f: {  	_ = 	snop  }
0x90: {  	(tm) =	ssettm $0x1  }
0x91: {  	s17 =	sld [smem:$0x3FFB];
	_ =	sdelay $0x3  }
0x92: {  	_ =	strace s17  }
0x93: {  	s2 =	sld [smem:$0x3FFC];
	_ =	sdelay $0x3  }
0x94: {  	_ =	strace s2  }
0x95: {  	s2 =	sld [smem:$0x3FFD];
	_ =	sdelay $0x3  }
0x96: {  	_ =	strace s2  }
0x97: {  	_ =	strace $0x8FFFFFFF  }
0x98: {  	s18 =	sld [smem:$0x3FDB];
	_ =	sdelay $0x1  }
0x99: {  	s19 =	simm.s32 $_scs_section_size  }
0x9a: {  	s4 =	simm.s32 $_size__tile_overlayer_lowered;
	s5 =	simm.s32 $_tile_overlayer_lowered  }
0x9b: {  	s22 =	simm.s32 $0x1BFF;
	s21 =	sshll.u32 s5, $0x1;
	s2 =	sadd.s32 s19, s18  }
0x9c: {  	s6 =	simm.s32 $0x0;
	s20 =	sshll.u32 s4, $0x1;
	s4 =	sadd.s32 s21, s2  }
0x9d: {  	[timem:s6], [sflag:s22] =	dma.local [hbm:s4], s20  }
0x9e: {  	_ =	swait.ge [sflag:s22], s20  }
0x9f: {  	s3 =	ssub.s32 $0x0, s20;
	[sflag:s22] =	ssyncset.done $0x0  }
0xa0: {  	[sflag:s22] =	ssyncadd.s32 s3;
	_ =	sdelay $0x1  }
0xa1: {  	s23 =	simm.s32 $0x1B8B  }
0xa2: {  	_ =	swait.ge [sflag:s23], $0x1  }
0xa3: {  	[sflag:s23] =	ssyncset.done $0x0  }
0xa4: {  	s25 =	simm.s32 $0x1B8E;
	s24 =	sld [smem:$0x3FFE];
	[sflag:s23] =	ssyncadd.s32 $0xFFFFFFFF  }
0xa5: {  	s26 =	simm.s32 $execute0_lowered;
	[smem:$0x3FD2] =	sst s25  }
0xa6: {  	s4 =	sshll.u32 s26, $0x1;
	_ =	strace $0x8000004F;
	[dreg:$0x1] =	wrdreg $0xFFFFFFFF  }
0xa7: {  	s28 =	simm.s32 $_size_execute0_lowered;
	s2 =	sadd.s32 s2, s4;
	[dreg:$0x0] =	wrdreg $0x0  }
0xa8: {  	s4 =	sshll.u32 s28, $0x1;
	[dreg:$0x2] =	wrdreg s2  }
0xa9: {  	[dreg:$0x3] =	wrdreg s4  }
0xaa: {  	[dreg:$0x4] =	wrdreg $0xC0  }
0xab: {  	_ =	task [dreg:s6], $0x5FFFF  }
0xac: {  	[dreg:$0x1] =	wrdreg $0xFFFFFFFF  }
0xad: {  	[dreg:$0x0] =	wrdreg $0x60  }
0xae: {  	[dreg:$0x2] =	wrdreg s24  }
0xaf: {  	[dreg:$0x3] =	wrdreg $0xB7800  }
0xb0: {  	[dreg:$0x4] =	wrdreg $0x9  }
0xb1: {  	_ =	task.clear_ibuf [dreg:s6], $0x5FFFF;
	_ =	strace $0x9000004F  }
0xb2: {  	s29 =	simm.s32 $0x9;
	_ =	strace $0x80000051  }
0xb3: {  	_ =	swait.ge [sflag:s29], $0x1  }
0xb4: {  	[sflag:s29] =	ssyncadd.s32 $0xFFFFFFFF  }
0xb5: {  	_ =	strace $0x90000051  }
0xb6: {  	_ =	sfence  }
0xb7: {  	s30 =	sld [smem:$0x0];
	_ =	sdelay $0x2  }
0xb8: {  	s31 =	sshll.u32 s1, $0xD;
	s1 =	sshrl.u32 s1, $0x2  }
0xb9: {  	s3 =	sand.u32 $0x4000, s31;
	s1 =	sadd.s32 s1, s30  }
0xba: {  	s0 =	sor.u32 s3, s0;
	s1 =	sshll.u32 s1, $0x11  }
0xbb: {  	s0 =	sor.u32 s1, s0  }
0xbc: {  	s0 =	sadd.s32 $0x8F2B, s0  }
0xbd: {  	[sflag:s0] =	ssyncadd.remote.s32 $0x1  }
0xbe: {  	_ =	sfence.sel $0xFFFF  }
0xbf: {  	[dreg:$0x0] =	wrdreg $0xFFFFFFFF;
	(pc) =	sbr.abs _section_cstart, $3  }
0xc0: {  	[dreg:$0x1] =	wrdreg $0xFFFFFFFF  }
0xc1: {  	_ =	task.clear_ibuf [dreg:s6], $0x2FFFF;
	_ =	strace $0x9FFFFFFF  }
0xc2: {  	(tm) =	ssettm $0x7FFFFFFF  }
0xc3: {  	_ =	shalt  }
tec
execute0_lowered:
.L_overlay_start_1:
0x0: {  	(tag) =	ssettag $0x1  }
0x1: {  	s0 =	srdreg.scid;
	s6 =	rddreg [dreg:$0x0]  }
0x2: {  	s11 =	stileid.u32;
	s1 =	rddreg [dreg:$0x1];
	s2 =	simm.s32 $0x0  }
0x3: {  	s17 =	simm.s32 $0x50;
	s18 =	simm.s32 $0x6780;
	s19 =	simm.s32 $0x8F80  }
0x4: {  	s20 =	simm.s32 $0x1;
	s21 =	simm.s32 $0x2;
	s22 =	simm.s32 $0x6480  }
0x5: {  	s23 =	simm.s32 $0x26C0;
	s24 =	simm.s32 $0x6500;
	s5 =	sand.u32 $0x1, s0  }
0x6: {  	s4 =	sshll.u32 s11, $0x7;
	[smem:$0x7FF] =	sst s2;
	s10 =	smul.u32 $0x4E000, s11  }
0x7: {  	s7 =	sshll.u32 s11, $0xB;
	s12 =	sadd.s32 $0x66000, s6;
	s13 =	smul.u32 $0x2700, s11  }
0x8: {  	s29 =	sshll.u32 s11, $0x6;
	s16 =	sadd.s32 $0x138000, s1;
	p0 =	sne.s32 s11, $0x0  }
0x9: {  	s0 =	sshll.u32 s5, $0x4;
	s4 =	sand.u32 $0x380, s4;
	_ =	strace $0x80000050  }
0xa: {  	s7 =	sadd.s32 s7, s6;
	s9 =	ssub.s32 $0x2, s5;
	s28 =	smul.u32 $0x138800, s5  }
0xb: {  	s30 =	smul.u32 $0x27100, s5;
	s5 =	sor.u32 $0x1C03, s29;
	s0 =	sor.u32 s11, s0  }
0xc: {  	s25 =	sshrl.u32 s9, $0x1;
	s26 =	sshrl.u32 s10, $0x2;
	s7 =	sadd.s32 $0xD600, s7  }
0xd: {  	s0 =	sshrl.u32 s0, $0x3;
	s14 =	ssub.s32 s9, s25;
	s15 =	sadd.s32 s26, s1  }
0xe: {  	s9 =	sshrl.u32 s28, $0x3;
	s31 =	sadd.s32 s13, s30;
	s13 =	sshrl.u32 @!p0 s16, $0x3  }
0xf: {  	s16 =	simm.s32 $0x2780;
	s25 =	simm.s32 $0x6580;
	s3 =	smul.u32 $0x13C00, s0  }
0x10: {  	s26 =	simm.s32 $0x0;
	s9 =	sadd.s32 s12, s9;
	s10 =	smax.u32 s14, $0x1  }
0x11: {  	s11 =	sshrl.u32 s15, $0x3;
	s14 =	simm.s32 $0x80;
	s3 =	sor.u32 s4, s3  }
0x12: {  	s15 =	simm.s32 $0x400;
	s9 =	sadd.s32 $0x27000, s9;
	s4 =	sshrl.u32 s3, $0x3  }
0x13: {  	s3 =	sadd.s32 $0x15600, s6;
	s8 =	sadd.s32 s4, s6;
	s4 =	sadd.s32 $0x63800, s6  }
0x14: {  	s6 =	sadd.s32 $0x3800, s8;
	s8 =	sadd.s32 s12, s31;
	s12 =	simm.s32 $0x3  }
.LBB2_1:
0x15: {  	[spmem:s11], [sflag:s5] =	dma.local [hbm:s4], $0x2700  }
0x16: {  	_ =	swait.ge [sflag:s12], $0x2700  }
0x17: {  	[sflag:s12] =	ssyncset.done $0x0  }
0x18: {  	s28 =	simm.s32 @!p0 $0x3;
	[sflag:s12] =	ssyncadd.s32 $0xFFFFD900  }
0x19: {  	[spmem:s13], [sflag:s5] =	dma.local @!p0 [hbm:s4], $0x100  }
0x1a: {  	_ =	swait.ge @!p0 [sflag:s28], $0x100  }
0x1b: {  	[sflag:s28] =	ssyncset.done @!p0 $0x0  }
0x1c: {  	[sflag:s28] =	ssyncadd.s32 @!p0 $0xFFFFFF00  }
0x1d: {  	[tilespmem:s2], [sflag:$0x3] =	stream.strided.gather [hbm4b:s6+s14], $0x2780, s15, s14, $0x38;
	[tilespmem:$0x1F000] =	vst v63  }
0x1e: {  	_ =	swait.ge [sflag:s12], $0x2780  }
0x1f: {  	[sflag:s12] =	ssyncset.done $0x0  }
0x20: {  	[sflag:s12] =	ssyncadd.s32 $0xFFFFD880  }
0x21: {  	[tilespmem:s16], [sflag:$0x3] =	stream.linear.gather [hbm4b:s7+s2], $0x3E80, $0x38;
	[tilespmem:$0x1F000] =	vst v63  }
0x22: {  	_ =	swait.ge [sflag:s12], $0x3E80  }
0x23: {  	[sflag:s12] =	ssyncset.done $0x0  }
0x24: {  	[sflag:s12] =	ssyncadd.s32 $0xFFFFC180  }
0x25: {  	[bflag:$0x0] =	sbarrier.arrive $0xFFFF  }
0x26: {  	[tilespmem:s18], [sflag:$0x1] =	stream.indirect.gather [hbm4b:s3+s17], $0x80, s2, s17, $0xb8;
	[tilespmem:$0x1F000] =	vst v63  }
0x27: {  	_ = 	snop  }
0x28: {  	[tilespmem:s19], [sflag:$0x2] =	stream.indirect.gather [hbm4b:s3+s17], $0x80, s17, s17, $0xb8;
	[tilespmem:$0x1F000] =	vst v63  }
0x29: {  	_ =	swait.ge [sflag:s20], $0x2800  }
0x2a: {  	[sflag:s20] =	ssyncset.done $0x0  }
0x2b: {  	s28 =	simm.s32 $0x2780;
	[sflag:s20] =	ssyncadd.s32 $0xFFFFD800  }
0x2c: {  	[spmem:s1] =	stream.indirect.scatter.add.f32 [tilespmem:s18], [sflag:$0x3], $0x80, s28, s17, $0xb8;
	[tilespmem:$0x1F000] =	vst v63  }
0x2d: {  	_ =	swait.ge [sflag:s12], $0x2800  }
0x2e: {  	[sflag:s12] =	ssyncset.done $0x0  }
0x2f: {  	s28 =	simm.s32 $0xA0;
	[sflag:s12] =	ssyncadd.s32 $0xFFFFD800  }
0x30: {  	[tilespmem:s18], [sflag:$0x1] =	stream.indirect.gather [hbm4b:s3+s17], $0x80, s28, s17, $0xb8;
	[tilespmem:$0x1F000] =	vst v63  }
0x31: {  	_ =	swait.ge [sflag:s21], $0x2800  }
0x32: {  	[sflag:s21] =	ssyncset.done $0x0  }
0x33: {  	s28 =	simm.s32 $0x2800;
	[sflag:s21] =	ssyncadd.s32 $0xFFFFD800  }
0x34: {  	[spmem:s1] =	stream.indirect.scatter.add.f32 [tilespmem:s19], [sflag:$0x3], $0x80, s28, s17, $0xb8;
	[tilespmem:$0x1F000] =	vst v63  }
0x35: {  	_ =	swait.ge [sflag:s12], $0x2800  }
0x36: {  	s29 =	simm.s32 $0x400;
	[sflag:s12] =	ssyncset.done $0x0  }
0x37: {  	s30 =	simm.s32 $0x190;
	s28 =	simm.s32 $0xF0;
	[sflag:s12] =	ssyncadd.s32 $0xFFFFD800  }
.LBB2_2:
0x38: {  	[tilespmem:s19], [sflag:$0x2] =	stream.indirect.gather [hbm4b:s3+s17], $0x80, s28, s17, $0xb8;
	[tilespmem:$0x1F000] =	vst v63  }
0x39: {  	s31 =	smov.u32 s29;
	s28 =	smov.u32 s30  }
0x3a: {  	p1 =	sne.s32 s29, $0xF000;
	s29 =	sadd.s32 $0x400, s29;
	_ =	swait.ge [sflag:s20], $0x2800  }
0x3b: {  	s31 =	sshra.s32 s31, $0x2;
	[sflag:s20] =	ssyncset.done $0x0  }
0x3c: {  	s0 =	sadd.s32 $0x2780, s31;
	[sflag:s20] =	ssyncadd.s32 $0xFFFFD800  }
0x3d: {  	[spmem:s1] =	stream.indirect.scatter.add.f32 [tilespmem:s18], [sflag:$0x3], $0x80, s0, s17, $0xb8;
	[tilespmem:$0x1F000] =	vst v63  }
0x3e: {  	_ =	swait.ge [sflag:s12], $0x2800  }
0x3f: {  	[sflag:s12] =	ssyncset.done $0x0  }
0x40: {  	s0 =	sadd.s32 $0xFFFFFFB0, s30;
	[sflag:s12] =	ssyncadd.s32 $0xFFFFD800  }
0x41: {  	[tilespmem:s18], [sflag:$0x1] =	stream.indirect.gather [hbm4b:s3+s17], $0x80, s0, s17, $0xb8;
	[tilespmem:$0x1F000] =	vst v63  }
0x42: {  	_ =	swait.ge [sflag:s21], $0x2800  }
0x43: {  	[sflag:s21] =	ssyncset.done $0x0  }
.Ltmp0:
0x44: {  	s0 =	sadd.s32 $0x2800, s31;
	[sflag:s21] =	ssyncadd.s32 $0xFFFFD800;
	(pc) =	sbr.rel @p1 .LBB2_2-.Ltmp0, $4  }
0x45: {  	[spmem:s1] =	stream.indirect.scatter.add.f32 [tilespmem:s19], [sflag:$0x3], $0x80, s0, s17, $0xb8;
	[tilespmem:$0x1F000] =	vst v63  }
0x46: {  	_ =	swait.ge [sflag:s12], $0x2800  }
0x47: {  	[sflag:s12] =	ssyncset.done $0x0  }
0x48: {  	s30 =	sadd.s32 $0xA0, s30;
	[sflag:s12] =	ssyncadd.s32 $0xFFFFD800  }
0x49: {  	[tilespmem:s19], [sflag:$0x2] =	stream.indirect.gather [hbm4b:s3+s17], $0x80, s28, s17, $0xb8;
	[tilespmem:$0x1F000] =	vst v63  }
0x4a: {  	_ =	swait.ge [sflag:s20], $0x2800  }
0x4b: {  	[sflag:s20] =	ssyncset.done $0x0  }
0x4c: {  	[sflag:s20] =	ssyncadd.s32 $0xFFFFD800  }
0x4d: {  	[spmem:s1] =	stream.indirect.scatter.add.f32 [tilespmem:s18], [sflag:$0x3], $0x80, s22, s17, $0xb8;
	[tilespmem:$0x1F000] =	vst v63  }
0x4e: {  	_ =	swait.ge [sflag:s12], $0x2800  }
0x4f: {  	[sflag:s12] =	ssyncset.done $0x0  }
0x50: {  	[sflag:s12] =	ssyncadd.s32 $0xFFFFD800  }
0x51: {  	[tilespmem:s18], [sflag:$0x1] =	stream.indirect.gather [hbm4b:s3+s17], $0x80, s23, s17, $0xb8;
	[tilespmem:$0x1F000] =	vst v63  }
0x52: {  	_ =	swait.ge [sflag:s21], $0x2800  }
0x53: {  	[sflag:s21] =	ssyncset.done $0x0  }
0x54: {  	[sflag:s21] =	ssyncadd.s32 $0xFFFFD800  }
0x55: {  	[spmem:s1] =	stream.indirect.scatter.add.f32 [tilespmem:s19], [sflag:$0x3], $0x80, s24, s17, $0xb8;
	[tilespmem:$0x1F000] =	vst v63  }
0x56: {  	_ =	swait.ge [sflag:s12], $0x2800  }
0x57: {  	[sflag:s12] =	ssyncset.done $0x0  }
0x58: {  	[sflag:s12] =	ssyncadd.s32 $0xFFFFD800  }
0x59: {  	_ =	swait.ge [sflag:s20], $0x2800  }
0x5a: {  	[sflag:s20] =	ssyncset.done $0x0  }
0x5b: {  	[sflag:s20] =	ssyncadd.s32 $0xFFFFD800  }
0x5c: {  	[spmem:s1] =	stream.indirect.scatter.add.f32 [tilespmem:s18], [sflag:$0x3], $0x80, s25, s17, $0xb8;
	[tilespmem:$0x1F000] =	vst v63  }
0x5d: {  	_ =	swait.ge [sflag:s12], $0x2800  }
0x5e: {  	[sflag:s12] =	ssyncset.done $0x0  }
0x5f: {  	[sflag:s12] =	ssyncadd.s32 $0xFFFFD800  }
0x60: {  	[bflag:$0x0] =	sbarrier.arrive $0xFFFF  }
0x61: {  	[hbm:s8], [sflag:s5] =	dma.local [spmem:s11], $0x2700  }
0x62: {  	s26 =	sadd.s32 $0x1, s26;
	_ =	swait.ge [sflag:s12], $0x2700  }
0x63: {  	p1 =	sne.s32 s26, s10;
	[sflag:s12] =	ssyncset.done $0x0  }
.Ltmp1:
0x64: {  	s0 =	simm.s32 @!p0 $0x3;
	[sflag:s12] =	ssyncadd.s32 $0xFFFFD900;
	(pc) =	sbr.rel @p1 .LBB2_1-.Ltmp1, $4  }
0x65: {  	[hbm:s9], [sflag:s5] =	dma.local @!p0 [spmem:s13], $0x100  }
0x66: {  	_ =	swait.ge @!p0 [sflag:s0], $0x100  }
0x67: {  	[sflag:s0] =	ssyncset.done @!p0 $0x0  }
0x68: {  	[sflag:s0] =	ssyncadd.s32 @!p0 $0xFFFFFF00  }
0x69: {  	_ =	sfence.sel $0x180000  }
0x6a: {  	[bflag:$0x0] =	sbarrier.arrive $0xFFFF  }
0x6b: {  	_ =	strace $0x90000050  }
0x6c: {  	[bflag:$0x2] =	sbarrier.arrive $0xFFFF  }
0x6d: {  	s0 =	rddreg [dreg:$0x2]  }
0x6e: {  	s0 =	sadd.s32 @!p0 $0x100000, s0  }
0x6f: {  	[sflag:s0] =	ssyncadd.tile.s32 @!p0 $0x1;
	_ =	shalt  }
.Lfunc_end2:
_tile_overlayer_lowered:
.L_overlay_start_2:
0x70: {  	(tag) =	ssettag $0x2  }
0x71: {  	s0 =	rddreg [dreg:$0x0];
	s2 =	stileid.u32  }
0x72: {  	s1 =	rddreg [dreg:$0x1];
	p0 =	sne.s32 s2, $0x0  }
0x73: {  	s3 =	rddreg [dreg:$0x2];
	[bflag:$0x3] =	sbarrier.arrive $0xFFFF;
	s2 =	simm.s32 @!p0 $0x1C03  }
0x74: {  	[timem:s3], [sflag:s2] =	dma.local @!p0 [hbm:s0], s1  }
0x75: {  	s0 =	simm.s32 @!p0 $0x3  }
0x76: {  	_ =	swait.ge @!p0 [sflag:s0], s1  }
0x77: {  	s1 =	ssub.s32 @!p0 $0x0, s1;
	[sflag:s0] =	ssyncset.done @!p0 $0x0  }
0x78: {  	[sflag:s0] =	ssyncadd.s32 @!p0 s1  }
0x79: {  	[bflag:$0x3] =	sbarrier.arrive $0xFFFF  }
0x7a: {  	_ =	shalt  }

// kernel: kernel.23.cloned.1.call-start
scs
__scs_entry_jumppad:
0x0: {  	(pc) =	sbr.rel $0x88, $3  }
0x1: {  	(tag) =	ssettag $0x0;
	lr =	simm.s32 $0x1  }
0x2: {  	[smem:$0x3F90] =	sst lr;
	_ =	strace $0xD0000000  }
0x3: {  	_ = 	snop  }
0x4: {  	_ = 	snop  }
0x5: {  	_ = 	snop  }
0x6: {  	_ = 	snop  }
0x7: {  	_ = 	snop  }
__scs_overlays_trampoline_lowered:
0x8: {  	[smem:$0x3F9F] =	sst s0  }
0x9: {  	[smem:$0x3FA0] =	sst s1  }
0xa: {  	[smem:$0x3FA1] =	sst s2  }
0xb: {  	[smem:$0x3FA2] =	sst s3  }
0xc: {  	[smem:$0x3FA3] =	sst s4  }
0xd: {  	[smem:$0x3FA4] =	sst s5  }
0xe: {  	[smem:$0x3FA5] =	sst s6  }
0xf: {  	[smem:$0x3FA6] =	sst s7  }
0x10: {  	[smem:$0x3FA7] =	sst s8  }
0x11: {  	[smem:$0x3FA8] =	sst s9;
	s0 =	simm.s32 @!p0 $0x0  }
0x12: {  	s1 =	sld [smem:$0x3F8E];
	s0 =	simm.s32 @p0 $0x1  }
0x13: {  	[smem:$0x3FA9] =	sst s0;
	s0 =	simm.s32 @!p1 $0x0  }
0x14: {  	s2 =	sld [smem:$0x3F8D];
	s0 =	simm.s32 @p1 $0x1  }
0x15: {  	[smem:$0x3FAA] =	sst s0;
	s0 =	simm.s32 @!p2 $0x0  }
0x16: {  	s3 =	sld [smem:$0x3FDB];
	s0 =	simm.s32 @p2 $0x1  }
0x17: {  	s4 =	simm.s32 $0x1BF5;
	[smem:$0x3FAC] =	sst s0  }
0x18: {  	s0 =	sld [smem:$0x3F8F];
	_ =	swait.ge [sflag:s4], $0x0  }
0x19: {  	s7 =	sld [smem:$0x3F90]  }
0x1a: {  	s8 =	sadd.s32 $0xFFFFE003, lr  }
0x1b: {  	s9 =	sadd.s32 $0xFFFFFEF7, lr;
	s5 =	simm.s32 $0xFFFFFFFF;
	p2 =	slt.u32 s8, $0xFFFFF086  }
0x1c: {  	p1 =	slt.u32 s9, $0xF7A;
	s5 =	simm.s32 @!p2 $0x0  }
0x1d: {  	s5 =	simm.s32 @p1 $0x1;
	p0 =	seq.s32 s7, s2  }
0x1e: {  	s7 =	smul.u32 @!p0 $0xF7A, s2;
	p2 =	seq.s32 @!p0 s5, $0x0  }
0x1f: {  	s9 =	smul.u32 $0xF7A, s1;
	s8 =	simm.s32 @!p0 $0x1BF5;
	p2 =	por !p2, p0  }
0x20: {  	[sflag:s8] =	ssyncset.s32 @!p0 $0xFFFFF086;
	s6 =	sadd.s32 @!p0 s3, s7;
	s7 =	simm.s32 @!p0 $0x108  }
0x21: {  	s3 =	sadd.s32 s3, s9;
	s6 =	sadd.s32 @!p0 $0x88, s6;
	s7 =	simm.s32 @p2 $0x1082  }
0x22: {  	[simem:s7], [sflag:s8] =	dma.local @!p0 [hbm:s6], $0xF7A  }
0x23: {  	s9 =	sor.u32 $0xD0000000, s2;
	s6 =	simm.s32 $0x108;
	_ =	swait.ge @!p0 [sflag:s8], $0x0  }
0x24: {  	s3 =	sadd.s32 $0x88, s3;
	s6 =	simm.s32 @!p1 $0x1082;
	[sflag:s4] =	ssyncset.s32 $0xFFFFF086  }
0x25: {  	[simem:s6], [sflag:s4] =	dma.local [hbm:s3], $0xF7A  }
0x26: {  	[smem:$0x3F90] =	sst s1;
	(tag) =	ssettag s2;
	_ =	strace s9  }
0x27: {  	s1 =	sld [smem:$0x3FA0]  }
0x28: {  	s2 =	sld [smem:$0x3FA1]  }
0x29: {  	s4 =	sld [smem:$0x3FA3]  }
0x2a: {  	p0 =	seq.s32 s5, $0x0;
	s5 =	sld [smem:$0x3FA4]  }
0x2b: {  	s6 =	sld [smem:$0x3FA5]  }
0x2c: {  	s7 =	sld [smem:$0x3FA6]  }
0x2d: {  	s3 =	simm.s32 $0x108;
	s8 =	sld [smem:$0x3FA7]  }
0x2e: {  	s3 =	simm.s32 @!p0 $0x1082;
	s9 =	sld [smem:$0x3FA8]  }
0x2f: {  	lr =	sadd.s32 s0, s3;
	s0 =	sld [smem:$0x3F9F]  }
0x30: {  	s3 =	sld [smem:$0x3FA2]  }
0x31: {  	[smem:$0x3FAB] =	sst s10  }
0x32: {  	s10 =	sld [smem:$0x3FA9];
	_ =	sdelay $0x3  }
0x33: {  	p0 =	seq.s32 s10, $0x1;
	s10 =	sld [smem:$0x3FAB];
	_ =	sdelay $0x3  }
0x34: {  	[smem:$0x3FAB] =	sst s10  }
0x35: {  	s10 =	sld [smem:$0x3FAA];
	_ =	sdelay $0x3  }
0x36: {  	p1 =	seq.s32 s10, $0x1;
	s10 =	sld [smem:$0x3FAB];
	_ =	sdelay $0x3  }
0x37: {  	[smem:$0x3FAB] =	sst s10  }
0x38: {  	s10 =	sld [smem:$0x3FAC]  }
0x39: {  	_ = 	snop;
	(pc) =	sbr.ind lr, $3  }
0x3a: {  	_ = 	snop  }
0x3b: {  	_ = 	snop  }
0x3c: {  	p2 =	seq.s32 s10, $0x1;
	s10 =	sld [smem:$0x3FAB]  }
0x3d: {  	_ =	shalt  }
0x3e: {  	_ =	shalt  }
0x3f: {  	_ =	shalt  }
0x40: {  	_ =	shalt  }
0x41: {  	_ =	shalt  }
0x42: {  	_ =	shalt  }
0x43: {  	_ =	shalt  }
0x44: {  	_ =	shalt  }
0x45: {  	_ =	shalt  }
0x46: {  	_ =	shalt  }
0x47: {  	_ =	shalt  }
0x48: {  	_ =	shalt  }
0x49: {  	_ =	shalt  }
0x4a: {  	_ =	shalt  }
0x4b: {  	_ =	shalt  }
0x4c: {  	_ =	shalt  }
0x4d: {  	_ =	shalt  }
0x4e: {  	_ =	shalt  }
0x4f: {  	_ =	shalt  }
0x50: {  	_ =	shalt  }
0x51: {  	_ =	shalt  }
0x52: {  	_ =	shalt  }
0x53: {  	_ =	shalt  }
0x54: {  	_ =	shalt  }
0x55: {  	_ =	shalt  }
0x56: {  	_ =	shalt  }
0x57: {  	_ =	shalt  }
0x58: {  	_ =	shalt  }
0x59: {  	_ =	shalt  }
0x5a: {  	_ =	shalt  }
0x5b: {  	_ =	shalt  }
0x5c: {  	_ =	shalt  }
0x5d: {  	_ =	shalt  }
0x5e: {  	_ =	shalt  }
0x5f: {  	_ =	shalt  }
0x60: {  	_ =	shalt  }
0x61: {  	_ =	shalt  }
0x62: {  	_ =	shalt  }
0x63: {  	_ =	shalt  }
0x64: {  	_ =	shalt  }
0x65: {  	_ =	shalt  }
0x66: {  	_ =	shalt  }
0x67: {  	_ =	shalt  }
0x68: {  	_ =	shalt  }
0x69: {  	_ =	shalt  }
0x6a: {  	_ =	shalt  }
0x6b: {  	_ =	shalt  }
0x6c: {  	_ =	shalt  }
0x6d: {  	_ =	shalt  }
0x6e: {  	_ =	shalt  }
0x6f: {  	_ =	shalt  }
0x70: {  	_ =	shalt  }
0x71: {  	_ =	shalt  }
0x72: {  	_ =	shalt  }
0x73: {  	_ =	shalt  }
0x74: {  	_ =	shalt  }
0x75: {  	_ =	shalt  }
0x76: {  	_ =	shalt  }
0x77: {  	_ =	shalt  }
0x78: {  	_ =	shalt  }
0x79: {  	_ =	shalt  }
0x7a: {  	_ =	shalt  }
0x7b: {  	_ =	shalt  }
0x7c: {  	_ =	shalt  }
0x7d: {  	_ =	shalt  }
0x7e: {  	_ =	shalt  }
0x7f: {  	_ =	shalt  }
0x80: {  	_ =	shalt  }
0x81: {  	_ =	shalt  }
0x82: {  	_ =	shalt  }
0x83: {  	_ =	shalt  }
0x84: {  	_ =	shalt  }
0x85: {  	_ =	shalt  }
0x86: {  	_ =	shalt  }
0x87: {  	_ =	shalt  }
.Lfunc_end0:
.L_simem_size_0:
called_computation.4_lowered:
.L_overlay_start_0:
0x88: {  	s2 =	sld [smem:$0x3FD9]  }
0x89: {  	s3 =	sld [smem:$0x3FFE];
	_ =	sdelay $0x1  }
0x8a: {  	s1 =	srdreg.scid  }
0x8b: {  	s0 =	sand.u32 $0x1, s1  }
0x8c: {  	s16 =	sshll.u32 s0, $0xA;
	s2 =	sadd.s32 s3, s2  }
0x8d: {  	s2 =	sadd.s32 s2, s16  }
0x8e: {  	[smem:$0x3FB7] =	sst s2  }
0x8f: {  	_ = 	snop  }
0x90: {  	(tm) =	ssettm $0x1  }
0x91: {  	s17 =	sld [smem:$0x3FFB];
	_ =	sdelay $0x3  }
0x92: {  	_ =	strace s17  }
0x93: {  	s2 =	sld [smem:$0x3FFC];
	_ =	sdelay $0x3  }
0x94: {  	_ =	strace s2  }
0x95: {  	s2 =	sld [smem:$0x3FFD];
	_ =	sdelay $0x3  }
0x96: {  	_ =	strace s2  }
0x97: {  	_ =	strace $0x8FFFFFFF  }
0x98: {  	s18 =	sld [smem:$0x3FDB];
	_ =	sdelay $0x1  }
0x99: {  	s19 =	simm.s32 $_scs_section_size  }
0x9a: {  	s4 =	simm.s32 $_size__tile_overlayer_lowered;
	s5 =	simm.s32 $_tile_overlayer_lowered  }
0x9b: {  	s22 =	simm.s32 $0x1BFF;
	s21 =	sshll.u32 s5, $0x1;
	s2 =	sadd.s32 s19, s18  }
0x9c: {  	s6 =	simm.s32 $0x0;
	s20 =	sshll.u32 s4, $0x1;
	s4 =	sadd.s32 s21, s2  }
0x9d: {  	[timem:s6], [sflag:s22] =	dma.local [hbm:s4], s20  }
0x9e: {  	_ =	swait.ge [sflag:s22], s20  }
0x9f: {  	s3 =	ssub.s32 $0x0, s20;
	[sflag:s22] =	ssyncset.done $0x0  }
0xa0: {  	[sflag:s22] =	ssyncadd.s32 s3;
	_ =	sdelay $0x1  }
0xa1: {  	s23 =	simm.s32 $0x1B8B  }
0xa2: {  	_ =	swait.ge [sflag:s23], $0x1  }
0xa3: {  	[sflag:s23] =	ssyncset.done $0x0  }
0xa4: {  	s25 =	simm.s32 $0x1B8E;
	s24 =	sld [smem:$0x3FFE];
	[sflag:s23] =	ssyncadd.s32 $0xFFFFFFFF  }
0xa5: {  	s26 =	simm.s32 $execute0_lowered;
	[smem:$0x3FD2] =	sst s25  }
0xa6: {  	s4 =	sshll.u32 s26, $0x1;
	_ =	strace $0x80000052;
	[dreg:$0x1] =	wrdreg $0xFFFFFFFF  }
0xa7: {  	s28 =	simm.s32 $_size_execute0_lowered;
	s2 =	sadd.s32 s2, s4;
	[dreg:$0x0] =	wrdreg $0x0  }
0xa8: {  	s4 =	sshll.u32 s28, $0x1;
	[dreg:$0x2] =	wrdreg s2  }
0xa9: {  	[dreg:$0x3] =	wrdreg s4  }
0xaa: {  	[dreg:$0x4] =	wrdreg $0xC0  }
0xab: {  	_ =	task [dreg:s6], $0x5FFFF  }
0xac: {  	[dreg:$0x1] =	wrdreg $0xFFFFFFFF  }
0xad: {  	[dreg:$0x0] =	wrdreg $0x60  }
0xae: {  	[dreg:$0x2] =	wrdreg s24  }
0xaf: {  	[dreg:$0x3] =	wrdreg $0xB7800  }
0xb0: {  	[dreg:$0x4] =	wrdreg $0x9  }
0xb1: {  	_ =	task.clear_ibuf [dreg:s6], $0x5FFFF;
	_ =	strace $0x90000052  }
0xb2: {  	s29 =	simm.s32 $0x9;
	_ =	strace $0x80000054  }
0xb3: {  	_ =	swait.ge [sflag:s29], $0x1  }
0xb4: {  	[sflag:s29] =	ssyncadd.s32 $0xFFFFFFFF  }
0xb5: {  	_ =	strace $0x90000054  }
0xb6: {  	_ =	sfence  }
0xb7: {  	s30 =	sld [smem:$0x0];
	_ =	sdelay $0x2  }
0xb8: {  	s31 =	sshll.u32 s1, $0xD;
	s1 =	sshrl.u32 s1, $0x2  }
0xb9: {  	s3 =	sand.u32 $0x4000, s31;
	s1 =	sadd.s32 s1, s30  }
0xba: {  	s0 =	sor.u32 s3, s0;
	s1 =	sshll.u32 s1, $0x11  }
0xbb: {  	s0 =	sor.u32 s1, s0  }
0xbc: {  	s0 =	sadd.s32 $0x8F2B, s0  }
0xbd: {  	[sflag:s0] =	ssyncadd.remote.s32 $0x1  }
0xbe: {  	_ =	sfence.sel $0xFFFF  }
0xbf: {  	[dreg:$0x0] =	wrdreg $0xFFFFFFFF;
	(pc) =	sbr.abs _section_cstart, $3  }
0xc0: {  	[dreg:$0x1] =	wrdreg $0xFFFFFFFF  }
0xc1: {  	_ =	task.clear_ibuf [dreg:s6], $0x2FFFF;
	_ =	strace $0x9FFFFFFF  }
0xc2: {  	(tm) =	ssettm $0x7FFFFFFF  }
0xc3: {  	_ =	shalt  }
tec
execute0_lowered:
.L_overlay_start_1:
0x0: {  	(tag) =	ssettag $0x1  }
0x1: {  	s0 =	srdreg.scid;
	s6 =	rddreg [dreg:$0x0]  }
0x2: {  	s11 =	stileid.u32;
	s1 =	rddreg [dreg:$0x1];
	s2 =	simm.s32 $0x0  }
0x3: {  	s17 =	simm.s32 $0x50;
	s18 =	simm.s32 $0x6780;
	s19 =	simm.s32 $0x8F80  }
0x4: {  	s20 =	simm.s32 $0x1;
	s21 =	simm.s32 $0x2;
	s22 =	simm.s32 $0x6480  }
0x5: {  	s23 =	simm.s32 $0x26C0;
	s24 =	simm.s32 $0x6500;
	s5 =	sand.u32 $0x1, s0  }
0x6: {  	s4 =	sshll.u32 s11, $0x7;
	[smem:$0x7FF] =	sst s2;
	s10 =	smul.u32 $0x4E000, s11  }
0x7: {  	s7 =	sshll.u32 s11, $0xB;
	s12 =	sadd.s32 $0x66000, s6;
	s13 =	smul.u32 $0x2700, s11  }
0x8: {  	s29 =	sshll.u32 s11, $0x6;
	s16 =	sadd.s32 $0x138000, s1;
	p0 =	sne.s32 s11, $0x0  }
0x9: {  	s0 =	sshll.u32 s5, $0x4;
	s4 =	sand.u32 $0x380, s4;
	_ =	strace $0x80000053  }
0xa: {  	s7 =	sadd.s32 s7, s6;
	s9 =	ssub.s32 $0x2, s5;
	s28 =	smul.u32 $0x138800, s5  }
0xb: {  	s30 =	smul.u32 $0x27100, s5;
	s5 =	sor.u32 $0x1C03, s29;
	s0 =	sor.u32 s11, s0  }
0xc: {  	s25 =	sshrl.u32 s9, $0x1;
	s26 =	sshrl.u32 s10, $0x2;
	s7 =	sadd.s32 $0xD600, s7  }
0xd: {  	s0 =	sshrl.u32 s0, $0x3;
	s14 =	ssub.s32 s9, s25;
	s15 =	sadd.s32 s26, s1  }
0xe: {  	s9 =	sshrl.u32 s28, $0x3;
	s31 =	sadd.s32 s13, s30;
	s13 =	sshrl.u32 @!p0 s16, $0x3  }
0xf: {  	s16 =	simm.s32 $0x2780;
	s25 =	simm.s32 $0x6580;
	s3 =	smul.u32 $0x13C00, s0  }
0x10: {  	s26 =	simm.s32 $0x0;
	s9 =	sadd.s32 s12, s9;
	s10 =	smax.u32 s14, $0x1  }
0x11: {  	s11 =	sshrl.u32 s15, $0x3;
	s14 =	simm.s32 $0x80;
	s3 =	sor.u32 s4, s3  }
0x12: {  	s15 =	simm.s32 $0x400;
	s9 =	sadd.s32 $0x27000, s9;
	s4 =	sshrl.u32 s3, $0x3  }
0x13: {  	s3 =	sadd.s32 $0x15600, s6;
	s8 =	sadd.s32 s4, s6;
	s4 =	sadd.s32 $0x63800, s6  }
0x14: {  	s6 =	sadd.s32 $0x3800, s8;
	s8 =	sadd.s32 s12, s31;
	s12 =	simm.s32 $0x3  }
.LBB2_1:
0x15: {  	[spmem:s11], [sflag:s5] =	dma.local [hbm:s4], $0x2700  }
0x16: {  	_ =	swait.ge [sflag:s12], $0x2700  }
0x17: {  	[sflag:s12] =	ssyncset.done $0x0  }
0x18: {  	s28 =	simm.s32 @!p0 $0x3;
	[sflag:s12] =	ssyncadd.s32 $0xFFFFD900  }
0x19: {  	[spmem:s13], [sflag:s5] =	dma.local @!p0 [hbm:s4], $0x100  }
0x1a: {  	_ =	swait.ge @!p0 [sflag:s28], $0x100  }
0x1b: {  	[sflag:s28] =	ssyncset.done @!p0 $0x0  }
0x1c: {  	[sflag:s28] =	ssyncadd.s32 @!p0 $0xFFFFFF00  }
0x1d: {  	[tilespmem:s2], [sflag:$0x3] =	stream.strided.gather [hbm4b:s6+s14], $0x2780, s15, s14, $0x38;
	[tilespmem:$0x1F000] =	vst v63  }
0x1e: {  	_ =	swait.ge [sflag:s12], $0x2780  }
0x1f: {  	[sflag:s12] =	ssyncset.done $0x0  }
0x20: {  	[sflag:s12] =	ssyncadd.s32 $0xFFFFD880  }
0x21: {  	[tilespmem:s16], [sflag:$0x3] =	stream.linear.gather [hbm4b:s7+s2], $0x3E80, $0x38;
	[tilespmem:$0x1F000] =	vst v63  }
0x22: {  	_ =	swait.ge [sflag:s12], $0x3E80  }
0x23: {  	[sflag:s12] =	ssyncset.done $0x0  }
0x24: {  	[sflag:s12] =	ssyncadd.s32 $0xFFFFC180  }
0x25: {  	[bflag:$0x0] =	sbarrier.arrive $0xFFFF  }
0x26: {  	[tilespmem:s18], [sflag:$0x1] =	stream.indirect.gather [hbm4b:s3+s17], $0x80, s2, s17, $0xb8;
	[tilespmem:$0x1F000] =	vst v63  }
0x27: {  	_ = 	snop  }
0x28: {  	[tilespmem:s19], [sflag:$0x2] =	stream.indirect.gather [hbm4b:s3+s17], $0x80, s17, s17, $0xb8;
	[tilespmem:$0x1F000] =	vst v63  }
0x29: {  	_ =	swait.ge [sflag:s20], $0x2800  }
0x2a: {  	[sflag:s20] =	ssyncset.done $0x0  }
0x2b: {  	s28 =	simm.s32 $0x2780;
	[sflag:s20] =	ssyncadd.s32 $0xFFFFD800  }
0x2c: {  	[spmem:s1] =	stream.indirect.scatter.add.f32 [tilespmem:s18], [sflag:$0x3], $0x80, s28, s17, $0xb8;
	[tilespmem:$0x1F000] =	vst v63  }
0x2d: {  	_ =	swait.ge [sflag:s12], $0x2800  }
0x2e: {  	[sflag:s12] =	ssyncset.done $0x0  }
0x2f: {  	s28 =	simm.s32 $0xA0;
	[sflag:s12] =	ssyncadd.s32 $0xFFFFD800  }
0x30: {  	[tilespmem:s18], [sflag:$0x1] =	stream.indirect.gather [hbm4b:s3+s17], $0x80, s28, s17, $0xb8;
	[tilespmem:$0x1F000] =	vst v63  }
0x31: {  	_ =	swait.ge [sflag:s21], $0x2800  }
0x32: {  	[sflag:s21] =	ssyncset.done $0x0  }
0x33: {  	s28 =	simm.s32 $0x2800;
	[sflag:s21] =	ssyncadd.s32 $0xFFFFD800  }
0x34: {  	[spmem:s1] =	stream.indirect.scatter.add.f32 [tilespmem:s19], [sflag:$0x3], $0x80, s28, s17, $0xb8;
	[tilespmem:$0x1F000] =	vst v63  }
0x35: {  	_ =	swait.ge [sflag:s12], $0x2800  }
0x36: {  	s29 =	simm.s32 $0x400;
	[sflag:s12] =	ssyncset.done $0x0  }
0x37: {  	s30 =	simm.s32 $0x190;
	s28 =	simm.s32 $0xF0;
	[sflag:s12] =	ssyncadd.s32 $0xFFFFD800  }
.LBB2_2:
0x38: {  	[tilespmem:s19], [sflag:$0x2] =	stream.indirect.gather [hbm4b:s3+s17], $0x80, s28, s17, $0xb8;
	[tilespmem:$0x1F000] =	vst v63  }
0x39: {  	s31 =	smov.u32 s29;
	s28 =	smov.u32 s30  }
0x3a: {  	p1 =	sne.s32 s29, $0xF000;
	s29 =	sadd.s32 $0x400, s29;
	_ =	swait.ge [sflag:s20], $0x2800  }
0x3b: {  	s31 =	sshra.s32 s31, $0x2;
	[sflag:s20] =	ssyncset.done $0x0  }
0x3c: {  	s0 =	sadd.s32 $0x2780, s31;
	[sflag:s20] =	ssyncadd.s32 $0xFFFFD800  }
0x3d: {  	[spmem:s1] =	stream.indirect.scatter.add.f32 [tilespmem:s18], [sflag:$0x3], $0x80, s0, s17, $0xb8;
	[tilespmem:$0x1F000] =	vst v63  }
0x3e: {  	_ =	swait.ge [sflag:s12], $0x2800  }
0x3f: {  	[sflag:s12] =	ssyncset.done $0x0  }
0x40: {  	s0 =	sadd.s32 $0xFFFFFFB0, s30;
	[sflag:s12] =	ssyncadd.s32 $0xFFFFD800  }
0x41: {  	[tilespmem:s18], [sflag:$0x1] =	stream.indirect.gather [hbm4b:s3+s17], $0x80, s0, s17, $0xb8;
	[tilespmem:$0x1F000] =	vst v63  }
0x42: {  	_ =	swait.ge [sflag:s21], $0x2800  }
0x43: {  	[sflag:s21] =	ssyncset.done $0x0  }
.Ltmp0:
0x44: {  	s0 =	sadd.s32 $0x2800, s31;
	[sflag:s21] =	ssyncadd.s32 $0xFFFFD800;
	(pc) =	sbr.rel @p1 .LBB2_2-.Ltmp0, $4  }
0x45: {  	[spmem:s1] =	stream.indirect.scatter.add.f32 [tilespmem:s19], [sflag:$0x3], $0x80, s0, s17, $0xb8;
	[tilespmem:$0x1F000] =	vst v63  }
0x46: {  	_ =	swait.ge [sflag:s12], $0x2800  }
0x47: {  	[sflag:s12] =	ssyncset.done $0x0  }
0x48: {  	s30 =	sadd.s32 $0xA0, s30;
	[sflag:s12] =	ssyncadd.s32 $0xFFFFD800  }
0x49: {  	[tilespmem:s19], [sflag:$0x2] =	stream.indirect.gather [hbm4b:s3+s17], $0x80, s28, s17, $0xb8;
	[tilespmem:$0x1F000] =	vst v63  }
0x4a: {  	_ =	swait.ge [sflag:s20], $0x2800  }
0x4b: {  	[sflag:s20] =	ssyncset.done $0x0  }
0x4c: {  	[sflag:s20] =	ssyncadd.s32 $0xFFFFD800  }
0x4d: {  	[spmem:s1] =	stream.indirect.scatter.add.f32 [tilespmem:s18], [sflag:$0x3], $0x80, s22, s17, $0xb8;
	[tilespmem:$0x1F000] =	vst v63  }
0x4e: {  	_ =	swait.ge [sflag:s12], $0x2800  }
0x4f: {  	[sflag:s12] =	ssyncset.done $0x0  }
0x50: {  	[sflag:s12] =	ssyncadd.s32 $0xFFFFD800  }
0x51: {  	[tilespmem:s18], [sflag:$0x1] =	stream.indirect.gather [hbm4b:s3+s17], $0x80, s23, s17, $0xb8;
	[tilespmem:$0x1F000] =	vst v63  }
0x52: {  	_ =	swait.ge [sflag:s21], $0x2800  }
0x53: {  	[sflag:s21] =	ssyncset.done $0x0  }
0x54: {  	[sflag:s21] =	ssyncadd.s32 $0xFFFFD800  }
0x55: {  	[spmem:s1] =	stream.indirect.scatter.add.f32 [tilespmem:s19], [sflag:$0x3], $0x80, s24, s17, $0xb8;
	[tilespmem:$0x1F000] =	vst v63  }
0x56: {  	_ =	swait.ge [sflag:s12], $0x2800  }
0x57: {  	[sflag:s12] =	ssyncset.done $0x0  }
0x58: {  	[sflag:s12] =	ssyncadd.s32 $0xFFFFD800  }
0x59: {  	_ =	swait.ge [sflag:s20], $0x2800  }
0x5a: {  	[sflag:s20] =	ssyncset.done $0x0  }
0x5b: {  	[sflag:s20] =	ssyncadd.s32 $0xFFFFD800  }
0x5c: {  	[spmem:s1] =	stream.indirect.scatter.add.f32 [tilespmem:s18], [sflag:$0x3], $0x80, s25, s17, $0xb8;
	[tilespmem:$0x1F000] =	vst v63  }
0x5d: {  	_ =	swait.ge [sflag:s12], $0x2800  }
0x5e: {  	[sflag:s12] =	ssyncset.done $0x0  }
0x5f: {  	[sflag:s12] =	ssyncadd.s32 $0xFFFFD800  }
0x60: {  	[bflag:$0x0] =	sbarrier.arrive $0xFFFF  }
0x61: {  	[hbm:s8], [sflag:s5] =	dma.local [spmem:s11], $0x2700  }
0x62: {  	s26 =	sadd.s32 $0x1, s26;
	_ =	swait.ge [sflag:s12], $0x2700  }
0x63: {  	p1 =	sne.s32 s26, s10;
	[sflag:s12] =	ssyncset.done $0x0  }
.Ltmp1:
0x64: {  	s0 =	simm.s32 @!p0 $0x3;
	[sflag:s12] =	ssyncadd.s32 $0xFFFFD900;
	(pc) =	sbr.rel @p1 .LBB2_1-.Ltmp1, $4  }
0x65: {  	[hbm:s9], [sflag:s5] =	dma.local @!p0 [spmem:s13], $0x100  }
0x66: {  	_ =	swait.ge @!p0 [sflag:s0], $0x100  }
0x67: {  	[sflag:s0] =	ssyncset.done @!p0 $0x0  }
0x68: {  	[sflag:s0] =	ssyncadd.s32 @!p0 $0xFFFFFF00  }
0x69: {  	_ =	sfence.sel $0x180000  }
0x6a: {  	[bflag:$0x0] =	sbarrier.arrive $0xFFFF  }
0x6b: {  	_ =	strace $0x90000053  }
0x6c: {  	[bflag:$0x2] =	sbarrier.arrive $0xFFFF  }
0x6d: {  	s0 =	rddreg [dreg:$0x2]  }
0x6e: {  	s0 =	sadd.s32 @!p0 $0x100000, s0  }
0x6f: {  	[sflag:s0] =	ssyncadd.tile.s32 @!p0 $0x1;
	_ =	shalt  }
.Lfunc_end2:
_tile_overlayer_lowered:
.L_overlay_start_2:
0x70: {  	(tag) =	ssettag $0x2  }
0x71: {  	s0 =	rddreg [dreg:$0x0];
	s2 =	stileid.u32  }
0x72: {  	s1 =	rddreg [dreg:$0x1];
	p0 =	sne.s32 s2, $0x0  }
0x73: {  	s3 =	rddreg [dreg:$0x2];
	[bflag:$0x3] =	sbarrier.arrive $0xFFFF;
	s2 =	simm.s32 @!p0 $0x1C03  }
0x74: {  	[timem:s3], [sflag:s2] =	dma.local @!p0 [hbm:s0], s1  }
0x75: {  	s0 =	simm.s32 @!p0 $0x3  }
0x76: {  	_ =	swait.ge @!p0 [sflag:s0], s1  }
0x77: {  	s1 =	ssub.s32 @!p0 $0x0, s1;
	[sflag:s0] =	ssyncset.done @!p0 $0x0  }
0x78: {  	[sflag:s0] =	ssyncadd.s32 @!p0 s1  }
0x79: {  	[bflag:$0x3] =	sbarrier.arrive $0xFFFF  }
0x7a: {  	_ =	shalt  }

</sc_bundles>
